<compile_context>
chip_gen: v7x
topology: tpu7x:2x2x1
jax: 0.10.2.dev20260603
libtpu: 0.0.44.dev20260713+nightly
codegen_flags: <defaults>
</compile_context>

<pallas_src>
import math

import numpy as np
import jax
import jax.numpy as jnp
from jax import lax
from jax.experimental import pallas as pl
from jax.experimental.pallas import tpu as pltpu
from jax.experimental.pallas import tpu_sc as plsc

_L = 4096
_N = 64
_H = 12
_DM = 768
_DH2 = 128
_G = 4 * _H // 2
_K = 16
_NW = 32
_NCOLS = 4 * _DM
_CPW = _NCOLS // _NW

_tt = np.arange(_N)
_F = np.exp(-2j * np.pi * np.outer(_tt, _tt) / _N)
_T = np.exp(-2j * np.pi * np.outer(_tt, _tt) / _L)
_F1RE = np.ascontiguousarray(_F.real, np.float32)
_F1IM = np.ascontiguousarray(_F.imag, np.float32)
_TRE = np.ascontiguousarray(_T.real, np.float32)
_TIM = np.ascontiguousarray(_T.imag, np.float32)
_TTRE = np.ascontiguousarray(_T.real.T, np.float32)
_TTIM = np.ascontiguousarray(-_T.imag.T, np.float32)


def _fwd_fft(x, fre, fim, tre, tim):
    X = x.reshape(_N, _N * _DH2)
    yre = jnp.dot(fre, X, preferred_element_type=jnp.float32, precision=lax.Precision.HIGHEST)
    yim = jnp.dot(fim, X, preferred_element_type=jnp.float32, precision=lax.Precision.HIGHEST)
    y3re = yre.reshape(_N, _N, _DH2)
    y3im = yim.reshape(_N, _N, _DH2)
    t_re = tre[:, :, None]
    t_im = tim[:, :, None]
    zre = y3re * t_re - y3im * t_im
    zim = y3re * t_im + y3im * t_re
    zre = zre.transpose(1, 0, 2).reshape(_N, _N * _DH2)
    zim = zim.transpose(1, 0, 2).reshape(_N, _N * _DH2)
    wre = (jnp.dot(fre, zre, preferred_element_type=jnp.float32, precision=lax.Precision.HIGHEST)
           - jnp.dot(fim, zim, preferred_element_type=jnp.float32, precision=lax.Precision.HIGHEST))
    wim = (jnp.dot(fre, zim, preferred_element_type=jnp.float32, precision=lax.Precision.HIGHEST)
           + jnp.dot(fim, zre, preferred_element_type=jnp.float32, precision=lax.Precision.HIGHEST))
    return wre, wim


def _inv_fft_real(pre, pim, fre, fim, ttre, ttim):
    gre = (jnp.dot(fre, pre, preferred_element_type=jnp.float32, precision=lax.Precision.HIGHEST)
           + jnp.dot(fim, pim, preferred_element_type=jnp.float32, precision=lax.Precision.HIGHEST))
    gim = (jnp.dot(fre, pim, preferred_element_type=jnp.float32, precision=lax.Precision.HIGHEST)
           - jnp.dot(fim, pre, preferred_element_type=jnp.float32, precision=lax.Precision.HIGHEST))
    g3re = gre.reshape(_N, _N, _DH2)
    g3im = gim.reshape(_N, _N, _DH2)
    t_re = ttre[:, :, None]
    t_im = ttim[:, :, None]
    hre = g3re * t_re - g3im * t_im
    him = g3re * t_im + g3im * t_re
    hre = hre.transpose(1, 0, 2).reshape(_N, _N * _DH2)
    him = him.transpose(1, 0, 2).reshape(_N, _N * _DH2)
    rre = (jnp.dot(fre, hre, preferred_element_type=jnp.float32, precision=lax.Precision.HIGHEST)
           + jnp.dot(fim, him, preferred_element_type=jnp.float32, precision=lax.Precision.HIGHEST))
    return rre.reshape(_L, _DH2) * (1.0 / _L)


def _corr_topk_body(q_ref, k_ref, fre_ref, fim_ref, tre_ref, tim_ref,
                    ttre_ref, ttim_ref, w_ref, i_ref):
    fre = fre_ref[...]
    fim = fim_ref[...]
    tre = tre_ref[...]
    tim = tim_ref[...]
    ttre = ttre_ref[...]
    ttim = ttim_ref[...]

    q = q_ref[0]
    k = k_ref[0]
    qre, qim = _fwd_fft(q, fre, fim, tre, tim)
    kre, kim = _fwd_fft(k, fre, fim, tre, tim)
    pre = qre * kre + qim * kim
    pim = qim * kre - qre * kim
    corr = _inv_fft_real(pre, pim, fre, fim, ttre, ttim)

    iota_t = lax.broadcasted_iota(jnp.int32, (_L, _DH2), 0)
    c = corr
    wrows = []
    irows = []
    for _ in range(_K):
        m = jnp.max(c, axis=0, keepdims=True)
        hit = c == m
        idx = jnp.min(jnp.where(hit, iota_t, _L), axis=0, keepdims=True)
        wrows.append(m)
        irows.append(idx)
        c = jnp.where(iota_t == idx, -jnp.inf, c)
    wmat = jnp.concatenate(wrows, axis=0)
    imat = jnp.concatenate(irows, axis=0)
    wmax = jnp.max(wmat, axis=0, keepdims=True)
    e = jnp.exp(wmat - wmax)
    wsm = e / jnp.sum(e, axis=0, keepdims=True)
    w_ref[0] = wsm
    i_ref[0] = imat


def _make_corr_topk(nb=4, interpret=False):
    hp = _H // 2
    ng = nb * hp
    const_spec = pl.BlockSpec((_N, _N), lambda g: (0, 0))
    return pl.pallas_call(
        _corr_topk_body,
        grid=(ng,),
        in_specs=[
            pl.BlockSpec((1, _L, _DH2), lambda g: (g // hp, 0, g % hp)),
            pl.BlockSpec((1, _L, _DH2), lambda g: (g // hp, 0, g % hp)),
            const_spec, const_spec, const_spec,
            const_spec, const_spec, const_spec,
        ],
        out_specs=[
            pl.BlockSpec((1, _K, _DH2), lambda g: (g, 0, 0)),
            pl.BlockSpec((1, _K, _DH2), lambda g: (g, 0, 0)),
        ],
        out_shape=[
            jax.ShapeDtypeStruct((ng, _K, _DH2), jnp.float32),
            jax.ShapeDtypeStruct((ng, _K, _DH2), jnp.int32),
        ],
        interpret=interpret,
    )



def _agg_sc_body(cpw, vt_hbm, w_hbm, idx_hbm, out_hbm, vpad, wv, iv, ov):
    cid = lax.axis_index("c")
    sid = lax.axis_index("s")
    wid = sid * 2 + cid
    base = wid * cpw
    lane = lax.iota(jnp.int32, 16)

    def col_body(j, carry):
        col = base + j
        pltpu.sync_copy(vt_hbm.at[col], vpad.at[pl.ds(0, _L)])
        pltpu.sync_copy(w_hbm.at[col], wv)
        pltpu.sync_copy(idx_hbm.at[col], iv)
        tailv = vpad[pl.ds(_L - 16, 16)]
        lastv = jnp.broadcast_to(
            jnp.sum(jnp.where(lane == 15, tailv, 0.0)), (16,))

        @plsc.parallel_loop(0, _L // 16, unroll=4)
        def fill(t):
            vpad[pl.ds(_L + t * 16, 16)] = lastv

        wvec = wv[...]
        ivec = iv[...]
        wb = [jnp.broadcast_to(jnp.sum(jnp.where(lane == i, wvec, 0.0)), (16,))
              for i in range(_K)]
        ib = [jnp.broadcast_to(jnp.sum(jnp.where(lane == i, ivec, 0)), (16,))
              for i in range(_K)]

        @plsc.parallel_loop(0, _L // 16, unroll=2)
        def t_body(t):
            tvec = lane + t * 16
            acc = wb[0] * plsc.load_gather(vpad, [ib[0] + tvec])
            for i in range(1, _K):
                acc = acc + wb[i] * plsc.load_gather(vpad, [ib[i] + tvec])
            ov[pl.ds(t * 16, 16)] = acc
        pltpu.sync_copy(ov, out_hbm.at[col])
        return carry

    lax.fori_loop(0, cpw, col_body, 0)


def _make_agg(ncols):
    import functools
    mesh = plsc.VectorSubcoreMesh(core_axis_name="c", subcore_axis_name="s")
    return pl.kernel(
        functools.partial(_agg_sc_body, ncols // _NW),
        mesh=mesh,
        compiler_params=pltpu.CompilerParams(needs_layout_passes=False),
        out_type=jax.ShapeDtypeStruct((ncols, _L), jnp.float32),
        scratch_types=[
            pltpu.VMEM((2 * _L,), jnp.float32),
            pltpu.VMEM((_K,), jnp.float32),
            pltpu.VMEM((_K,), jnp.int32),
            pltpu.VMEM((_L,), jnp.float32),
        ],
    )


@jax.jit
def kernel(Q, K, V):
    B, L, DM = Q.shape
    nb = 2
    outs = []
    for g0 in range(0, B, nb):
        q = lax.slice_in_dim(Q, g0, g0 + nb, axis=0)
        k = lax.slice_in_dim(K, g0, g0 + nb, axis=0)
        v = lax.slice_in_dim(V, g0, g0 + nb, axis=0)
        wg, ig = _make_corr_topk(nb)(q, k, _F1RE, _F1IM, _TRE, _TIM,
                                     _TTRE, _TTIM)
        ncols = nb * DM
        wt = wg.transpose(0, 2, 1).reshape(ncols, _K)
        it = ig.transpose(0, 2, 1).reshape(ncols, _K)
        vt = v.transpose(0, 2, 1).reshape(ncols, L)
        outs.append(_make_agg(ncols)(vt, wt, it))
    out_cols = jnp.concatenate(outs, axis=0)
    out = out_cols.reshape(B, DM, L).transpose(0, 2, 1)
    return out

# --- scband reference (transcript-rebuilt; emitter-appended) ---
"""Pipeline reference for scband-auto-correlation-18580028522947 (READ-ONLY COPY).

The authoritative reference and input builder live on the scoring server;
editing this copy changes nothing except your own understanding.
"""

import jax, jax.numpy as jnp
import numpy as np
import math

D_MODEL = 768
H = 12
C = 2


def setup_inputs(seed: int = 0) -> dict:
    key = jax.random.key(seed)
    k1, k2, k3 = jax.random.split(key, 3)
    B, L = 4, 4096
    Q = jax.random.normal(k1, (B, L, D_MODEL), dtype=jnp.float32)
    K = jax.random.normal(k2, (B, L, D_MODEL), dtype=jnp.float32)
    V = jax.random.normal(k3, (B, L, D_MODEL), dtype=jnp.float32)
    return {"Q": Q, "K": K, "V": V}


def reference(Q, K, V):
    B, L, _ = Q.shape
    dh = D_MODEL // H
    Qh = Q.reshape(B, L, H, dh).transpose(0, 2, 1, 3)  # [B,H,L,dh]
    Kh = K.reshape(B, L, H, dh).transpose(0, 2, 1, 3)
    Vh = V.reshape(B, L, H, dh).transpose(0, 2, 1, 3)
    Qf = jnp.fft.fft(Qh, axis=2)
    Kf = jnp.fft.fft(Kh, axis=2)
    Corr = jnp.real(jnp.fft.ifft(Qf * jnp.conj(Kf), axis=2))  # [B,H,L,dh]
    topk = int(C * math.log(L))
    # top-k over the lag (L) axis, per (b, h, feature) channel
    Ct = jnp.transpose(Corr, (0, 1, 3, 2))  # [B,H,dh,L]
    W_t, I_t = jax.lax.top_k(Ct, topk)  # [B,H,dh,topk]
    W_topk = jnp.transpose(W_t, (0, 1, 3, 2))  # [B,H,topk,dh]
    I_topk = jnp.transpose(I_t, (0, 1, 3, 2))  # [B,H,topk,dh]
    W_topk = jax.nn.softmax(W_topk, axis=2)
    V2 = jnp.concatenate([Vh, Vh], axis=2)  # [B,H,2L,dh]  (V.repeat(1,1,2,1))
    Index = jnp.arange(L)[None, None, :, None]  # time offsets along lag axis
    R = jnp.zeros_like(Vh)  # [B,H,L,dh]
    for i in range(topk):
        idx = jnp.clip(I_topk[:, :, i, :][:, :, None, :] + Index, None, L - 1)  # clamp(max=L-1)
        R = R + W_topk[:, :, i, :][:, :, None, :] * jnp.take_along_axis(V2, idx, axis=2)
    out = jnp.transpose(R, (0, 2, 1, 3)).reshape(B, L, D_MODEL)
    return out

if __name__ == "__main__":
    import jax
    _d = setup_inputs()
    print(jax.jit(kernel)(*tuple(_d.values())))

</pallas_src>

<mosaic_0001>
#map = affine_map<(d0, d1) -> (0, 0)>
module attributes {stable_mosaic.version = 14 : i64} {
  func.func @_agg_sc_body(%arg0: i32, %arg1: i32, %arg2: memref<1536x4096xf32, #tpu.memory_space<hbm>>, %arg3: memref<1536x16xf32, #tpu.memory_space<hbm>>, %arg4: memref<1536x16xi32, #tpu.memory_space<hbm>>, %arg5: memref<1536x4096xf32, #tpu.memory_space<hbm>>, %arg6: memref<8192xf32, #tpu.memory_space<vmem>>, %arg7: memref<16xf32, #tpu.memory_space<vmem>>, %arg8: memref<16xi32, #tpu.memory_space<vmem>>, %arg9: memref<4096xf32, #tpu.memory_space<vmem>>) attributes {dimension_semantics = [#tpu.dimension_semantics<core_parallel>, #tpu.dimension_semantics<subcore_parallel>], iteration_bounds = array<i64: 2, 16>, scalar_prefetch = 0 : i64, scratch_operands = 4 : i64, tpu.core_type = #tpu.core_type<sc_vector_subcore>, window_params = [{transform_indices = #map}, {transform_indices = #map}, {transform_indices = #map}, {transform_indices = #map}]} {
    %mul3A = arith.constant 2 : i32
    %mul3A_0 = arith.muli %arg1, %mul3A : i32
    %add3A = arith.addi %mul3A_0, %arg0 : i32
    %mul3A_1 = arith.constant 48 : i32
    %mul3A_2 = arith.muli %add3A, %mul3A_1 : i32
    %iota3A = tpu.iota {dimensions = array<i32: 0>} : vector<16xi32>
    %scan3A = arith.constant 0 : i32
    %scan3A_3 = arith.constant 0 : i32
    %scan3A_4 = arith.constant 48 : i32
    %scan3A_5 = arith.addi %scan3A_3, %scan3A_4 : i32
    %scan3A_6 = arith.constant 1 : i32
    scf.for %scan3A_8 = %scan3A_3 to %scan3A_5 step %scan3A_6  : i32 {
      %add3A_9 = arith.addi %mul3A_2, %scan3A_8 : i32
      "tpu.region"() ({
        %run_scoped3A = tpu.sem_alloc : memref<!tpu.dma_semaphore, #tpu.memory_space<semaphore_mem>>
        %dma_start3A = arith.constant 0 : i32
        %dma_start3A_378 = tpu.memref_slice %arg6[%dma_start3A] : memref<8192xf32, #tpu.memory_space<vmem>> -> memref<4096xf32, #tpu.memory_space<vmem>>
        %dma_start3A_379 = arith.constant 0 : i32
        %dma_start3A_380 = tpu.memref_slice %arg2[%add3A_9, %dma_start3A_379] : memref<1536x4096xf32, #tpu.memory_space<hbm>> -> memref<1x4096xf32, #tpu.memory_space<hbm>>
        %dma_start3A_381 = tpu.memref_squeeze %dma_start3A_380 : memref<1x4096xf32, #tpu.memory_space<hbm>> -> memref<4096xf32, #tpu.memory_space<hbm>>
        %dma_start3A_382 = arith.constant 0 : i32
        %dma_start3A_383 = tpu.memref_slice %arg6[%dma_start3A_382] : memref<8192xf32, #tpu.memory_space<vmem>> -> memref<4096xf32, #tpu.memory_space<vmem>>
        %dma_start3A_384 = arith.constant 0 : i32
        %dma_start3A_385 = tpu.memref_slice %arg2[%add3A_9, %dma_start3A_384] : memref<1536x4096xf32, #tpu.memory_space<hbm>> -> memref<1x4096xf32, #tpu.memory_space<hbm>>
        %dma_start3A_386 = tpu.memref_squeeze %dma_start3A_385 : memref<1x4096xf32, #tpu.memory_space<hbm>> -> memref<4096xf32, #tpu.memory_space<hbm>>
        tpu.enqueue_dma source(%dma_start3A_386 : memref<4096xf32, #tpu.memory_space<hbm>>) target(%dma_start3A_383 : memref<4096xf32, #tpu.memory_space<vmem>>) target_semaphore(%run_scoped3A : memref<!tpu.dma_semaphore, #tpu.memory_space<semaphore_mem>>)
        %dma_wait3A = arith.constant 0 : i32
        %dma_wait3A_387 = tpu.memref_slice %arg6[%dma_wait3A] : memref<8192xf32, #tpu.memory_space<vmem>> -> memref<4096xf32, #tpu.memory_space<vmem>>
        %dma_wait3A_388 = arith.constant 0 : i32
        %dma_wait3A_389 = tpu.memref_slice %arg2[%add3A_9, %dma_wait3A_388] : memref<1536x4096xf32, #tpu.memory_space<hbm>> -> memref<1x4096xf32, #tpu.memory_space<hbm>>
        %dma_wait3A_390 = tpu.memref_squeeze %dma_wait3A_389 : memref<1x4096xf32, #tpu.memory_space<hbm>> -> memref<4096xf32, #tpu.memory_space<hbm>>
        %dma_wait3A_391 = arith.constant 0 : i32
        %dma_wait3A_392 = tpu.memref_slice %arg6[%dma_wait3A_391] : memref<8192xf32, #tpu.memory_space<vmem>> -> memref<4096xf32, #tpu.memory_space<vmem>>
        %dma_wait3A_393 = arith.constant 0 : i32
        %dma_wait3A_394 = tpu.memref_slice %arg2[%add3A_9, %dma_wait3A_393] : memref<1536x4096xf32, #tpu.memory_space<hbm>> -> memref<1x4096xf32, #tpu.memory_space<hbm>>
        %dma_wait3A_395 = tpu.memref_squeeze %dma_wait3A_394 : memref<1x4096xf32, #tpu.memory_space<hbm>> -> memref<4096xf32, #tpu.memory_space<hbm>>
        tpu.wait_dma2 semaphore(%run_scoped3A : memref<!tpu.dma_semaphore, #tpu.memory_space<semaphore_mem>>) src(%dma_wait3A_395 : memref<4096xf32, #tpu.memory_space<hbm>>) dst(%dma_wait3A_392 : memref<4096xf32, #tpu.memory_space<vmem>>)
        tpu.yield
      }) : () -> ()
      "tpu.region"() ({
        %run_scoped3A = tpu.sem_alloc : memref<!tpu.dma_semaphore, #tpu.memory_space<semaphore_mem>>
        %dma_start3A = arith.constant 0 : i32
        %dma_start3A_378 = tpu.memref_slice %arg3[%add3A_9, %dma_start3A] : memref<1536x16xf32, #tpu.memory_space<hbm>> -> memref<1x16xf32, #tpu.memory_space<hbm>>
        %dma_start3A_379 = tpu.memref_squeeze %dma_start3A_378 : memref<1x16xf32, #tpu.memory_space<hbm>> -> memref<16xf32, #tpu.memory_space<hbm>>
        %dma_start3A_380 = arith.constant 0 : i32
        %dma_start3A_381 = tpu.memref_slice %arg3[%add3A_9, %dma_start3A_380] : memref<1536x16xf32, #tpu.memory_space<hbm>> -> memref<1x16xf32, #tpu.memory_space<hbm>>
        %dma_start3A_382 = tpu.memref_squeeze %dma_start3A_381 : memref<1x16xf32, #tpu.memory_space<hbm>> -> memref<16xf32, #tpu.memory_space<hbm>>
        tpu.enqueue_dma source(%dma_start3A_382 : memref<16xf32, #tpu.memory_space<hbm>>) target(%arg7 : memref<16xf32, #tpu.memory_space<vmem>>) target_semaphore(%run_scoped3A : memref<!tpu.dma_semaphore, #tpu.memory_space<semaphore_mem>>)
        %dma_wait3A = arith.constant 0 : i32
        %dma_wait3A_383 = tpu.memref_slice %arg3[%add3A_9, %dma_wait3A] : memref<1536x16xf32, #tpu.memory_space<hbm>> -> memref<1x16xf32, #tpu.memory_space<hbm>>
        %dma_wait3A_384 = tpu.memref_squeeze %dma_wait3A_383 : memref<1x16xf32, #tpu.memory_space<hbm>> -> memref<16xf32, #tpu.memory_space<hbm>>
        %dma_wait3A_385 = arith.constant 0 : i32
        %dma_wait3A_386 = tpu.memref_slice %arg3[%add3A_9, %dma_wait3A_385] : memref<1536x16xf32, #tpu.memory_space<hbm>> -> memref<1x16xf32, #tpu.memory_space<hbm>>
        %dma_wait3A_387 = tpu.memref_squeeze %dma_wait3A_386 : memref<1x16xf32, #tpu.memory_space<hbm>> -> memref<16xf32, #tpu.memory_space<hbm>>
        tpu.wait_dma2 semaphore(%run_scoped3A : memref<!tpu.dma_semaphore, #tpu.memory_space<semaphore_mem>>) src(%dma_wait3A_387 : memref<16xf32, #tpu.memory_space<hbm>>) dst(%arg7 : memref<16xf32, #tpu.memory_space<vmem>>)
        tpu.yield
      }) : () -> ()
      "tpu.region"() ({
        %run_scoped3A = tpu.sem_alloc : memref<!tpu.dma_semaphore, #tpu.memory_space<semaphore_mem>>
        %dma_start3A = arith.constant 0 : i32
        %dma_start3A_378 = tpu.memref_slice %arg4[%add3A_9, %dma_start3A] : memref<1536x16xi32, #tpu.memory_space<hbm>> -> memref<1x16xi32, #tpu.memory_space<hbm>>
        %dma_start3A_379 = tpu.memref_squeeze %dma_start3A_378 : memref<1x16xi32, #tpu.memory_space<hbm>> -> memref<16xi32, #tpu.memory_space<hbm>>
        %dma_start3A_380 = arith.constant 0 : i32
        %dma_start3A_381 = tpu.memref_slice %arg4[%add3A_9, %dma_start3A_380] : memref<1536x16xi32, #tpu.memory_space<hbm>> -> memref<1x16xi32, #tpu.memory_space<hbm>>
        %dma_start3A_382 = tpu.memref_squeeze %dma_start3A_381 : memref<1x16xi32, #tpu.memory_space<hbm>> -> memref<16xi32, #tpu.memory_space<hbm>>
        tpu.enqueue_dma source(%dma_start3A_382 : memref<16xi32, #tpu.memory_space<hbm>>) target(%arg8 : memref<16xi32, #tpu.memory_space<vmem>>) target_semaphore(%run_scoped3A : memref<!tpu.dma_semaphore, #tpu.memory_space<semaphore_mem>>)
        %dma_wait3A = arith.constant 0 : i32
        %dma_wait3A_383 = tpu.memref_slice %arg4[%add3A_9, %dma_wait3A] : memref<1536x16xi32, #tpu.memory_space<hbm>> -> memref<1x16xi32, #tpu.memory_space<hbm>>
        %dma_wait3A_384 = tpu.memref_squeeze %dma_wait3A_383 : memref<1x16xi32, #tpu.memory_space<hbm>> -> memref<16xi32, #tpu.memory_space<hbm>>
        %dma_wait3A_385 = arith.constant 0 : i32
        %dma_wait3A_386 = tpu.memref_slice %arg4[%add3A_9, %dma_wait3A_385] : memref<1536x16xi32, #tpu.memory_space<hbm>> -> memref<1x16xi32, #tpu.memory_space<hbm>>
        %dma_wait3A_387 = tpu.memref_squeeze %dma_wait3A_386 : memref<1x16xi32, #tpu.memory_space<hbm>> -> memref<16xi32, #tpu.memory_space<hbm>>
        tpu.wait_dma2 semaphore(%run_scoped3A : memref<!tpu.dma_semaphore, #tpu.memory_space<semaphore_mem>>) src(%dma_wait3A_387 : memref<16xi32, #tpu.memory_space<hbm>>) dst(%arg8 : memref<16xi32, #tpu.memory_space<vmem>>)
        tpu.yield
      }) : () -> ()
      %get3A = arith.constant 4080 : index
      %get3A_10 = tpu.vector_load %arg6[%get3A] {strides = array<i32>} : memref<8192xf32, #tpu.memory_space<vmem>>, vector<16xf32>,
      %eq3A = arith.constant 15 : i32
      %eq3A_11 = vector.broadcast %eq3A : i32 to vector<16xi32>
      %eq3A_12 = arith.cmpi eq, %iota3A, %eq3A_11 : vector<16xi32>
      %jit3A = arith.constant 0.000000e+00 : f32
      %broadcast_in_dim3A = vector.broadcast %jit3A : f32 to vector<16xf32>
      %select_n3A = arith.select %eq3A_12, %get3A_10, %broadcast_in_dim3A : vector<16xi1>, vector<16xf32>
      %reduce_sum3A = arith.constant true
      %reduce_sum3A_13 = vector.broadcast %reduce_sum3A : i1 to vector<16xi1>
      %reduce_sum3A_14 = tpu.scan <sum>, %select_n3A masked %reduce_sum3A_13 : vector<16xf32>, vector<16xi1> -> vector<16xf32>
      %reduce_sum3A_15 = vector.extract %reduce_sum3A_14[15] : f32 from vector<16xf32>
      %broadcast_in_dim3A_16 = vector.broadcast %reduce_sum3A_15 : f32 to vector<16xf32>
      %parallel_loop3A = arith.constant 0 : i32
      %parallel_loop3A_17 = arith.constant 256 : i32
      %parallel_loop3A_18 = arith.constant 1 : i32
      scf.for %parallel_loop3A_378 = %parallel_loop3A to %parallel_loop3A_17 step %parallel_loop3A_18  : i32 {
        %parallel_loop3A_379 = arith.constant 16 : i32
        %parallel_loop3A_380 = arith.muli %parallel_loop3A_378, %parallel_loop3A_379 : i32
        %parallel_loop3A_381 = arith.constant 4096 : i32
        %parallel_loop3A_382 = arith.addi %parallel_loop3A_381, %parallel_loop3A_380 : i32
        %parallel_loop3A_383 = arith.index_cast %parallel_loop3A_382 : i32 to index
        %parallel_loop3A_384 = tpu.vector_load %arg6[%parallel_loop3A_383] {strides = array<i32>} : memref<8192xf32, #tpu.memory_space<vmem>>, vector<16xf32>,
        tpu.vector_store %arg6[%parallel_loop3A_383], %broadcast_in_dim3A_16 {strides = array<i32>} : memref<8192xf32, #tpu.memory_space<vmem>>, vector<16xf32>,
      } {sc.loop_unroll_factor = 4 : i64, sc.parallel_access}
      %get3A_19 = arith.constant 0 : index
      %get3A_20 = tpu.vector_load %arg7[%get3A_19] {strides = array<i32>} : memref<16xf32, #tpu.memory_space<vmem>>, vector<16xf32>,
      %get3A_21 = arith.constant 0 : index
      %get3A_22 = tpu.vector_load %arg8[%get3A_21] {strides = array<i32>} : memref<16xi32, #tpu.memory_space<vmem>>, vector<16xi32>,
      %eq3A_23 = arith.constant 0 : i32
      %eq3A_24 = vector.broadcast %eq3A_23 : i32 to vector<16xi32>
      %eq3A_25 = arith.cmpi eq, %iota3A, %eq3A_24 : vector<16xi32>
      %jit3A_26 = arith.constant 0.000000e+00 : f32
      %broadcast_in_dim3A_27 = vector.broadcast %jit3A_26 : f32 to vector<16xf32>
      %select_n3A_28 = arith.select %eq3A_25, %get3A_20, %broadcast_in_dim3A_27 : vector<16xi1>, vector<16xf32>
      %reduce_sum3A_29 = arith.constant true
      %reduce_sum3A_30 = vector.broadcast %reduce_sum3A_29 : i1 to vector<16xi1>
      %reduce_sum3A_31 = tpu.scan <sum>, %select_n3A_28 masked %reduce_sum3A_30 : vector<16xf32>, vector<16xi1> -> vector<16xf32>
      %reduce_sum3A_32 = vector.extract %reduce_sum3A_31[15] : f32 from vector<16xf32>
      %broadcast_in_dim3A_33 = vector.broadcast %reduce_sum3A_32 : f32 to vector<16xf32>
      %eq3A_34 = arith.constant 1 : i32
      %eq3A_35 = vector.broadcast %eq3A_34 : i32 to vector<16xi32>
      %eq3A_36 = arith.cmpi eq, %iota3A, %eq3A_35 : vector<16xi32>
      %jit3A_37 = arith.constant 0.000000e+00 : f32
      %broadcast_in_dim3A_38 = vector.broadcast %jit3A_37 : f32 to vector<16xf32>
      %select_n3A_39 = arith.select %eq3A_36, %get3A_20, %broadcast_in_dim3A_38 : vector<16xi1>, vector<16xf32>
      %reduce_sum3A_40 = arith.constant true
      %reduce_sum3A_41 = vector.broadcast %reduce_sum3A_40 : i1 to vector<16xi1>
      %reduce_sum3A_42 = tpu.scan <sum>, %select_n3A_39 masked %reduce_sum3A_41 : vector<16xf32>, vector<16xi1> -> vector<16xf32>
      %reduce_sum3A_43 = vector.extract %reduce_sum3A_42[15] : f32 from vector<16xf32>
      %broadcast_in_dim3A_44 = vector.broadcast %reduce_sum3A_43 : f32 to vector<16xf32>
      %eq3A_45 = arith.constant 2 : i32
      %eq3A_46 = vector.broadcast %eq3A_45 : i32 to vector<16xi32>
      %eq3A_47 = arith.cmpi eq, %iota3A, %eq3A_46 : vector<16xi32>
      %jit3A_48 = arith.constant 0.000000e+00 : f32
      %broadcast_in_dim3A_49 = vector.broadcast %jit3A_48 : f32 to vector<16xf32>
      %select_n3A_50 = arith.select %eq3A_47, %get3A_20, %broadcast_in_dim3A_49 : vector<16xi1>, vector<16xf32>
      %reduce_sum3A_51 = arith.constant true
      %reduce_sum3A_52 = vector.broadcast %reduce_sum3A_51 : i1 to vector<16xi1>
      %reduce_sum3A_53 = tpu.scan <sum>, %select_n3A_50 masked %reduce_sum3A_52 : vector<16xf32>, vector<16xi1> -> vector<16xf32>
      %reduce_sum3A_54 = vector.extract %reduce_sum3A_53[15] : f32 from vector<16xf32>
      %broadcast_in_dim3A_55 = vector.broadcast %reduce_sum3A_54 : f32 to vector<16xf32>
      %eq3A_56 = arith.constant 3 : i32
      %eq3A_57 = vector.broadcast %eq3A_56 : i32 to vector<16xi32>
      %eq3A_58 = arith.cmpi eq, %iota3A, %eq3A_57 : vector<16xi32>
      %jit3A_59 = arith.constant 0.000000e+00 : f32
      %broadcast_in_dim3A_60 = vector.broadcast %jit3A_59 : f32 to vector<16xf32>
      %select_n3A_61 = arith.select %eq3A_58, %get3A_20, %broadcast_in_dim3A_60 : vector<16xi1>, vector<16xf32>
      %reduce_sum3A_62 = arith.constant true
      %reduce_sum3A_63 = vector.broadcast %reduce_sum3A_62 : i1 to vector<16xi1>
      %reduce_sum3A_64 = tpu.scan <sum>, %select_n3A_61 masked %reduce_sum3A_63 : vector<16xf32>, vector<16xi1> -> vector<16xf32>
      %reduce_sum3A_65 = vector.extract %reduce_sum3A_64[15] : f32 from vector<16xf32>
      %broadcast_in_dim3A_66 = vector.broadcast %reduce_sum3A_65 : f32 to vector<16xf32>
      %eq3A_67 = arith.constant 4 : i32
      %eq3A_68 = vector.broadcast %eq3A_67 : i32 to vector<16xi32>
      %eq3A_69 = arith.cmpi eq, %iota3A, %eq3A_68 : vector<16xi32>
      %jit3A_70 = arith.constant 0.000000e+00 : f32
      %broadcast_in_dim3A_71 = vector.broadcast %jit3A_70 : f32 to vector<16xf32>
      %select_n3A_72 = arith.select %eq3A_69, %get3A_20, %broadcast_in_dim3A_71 : vector<16xi1>, vector<16xf32>
      %reduce_sum3A_73 = arith.constant true
      %reduce_sum3A_74 = vector.broadcast %reduce_sum3A_73 : i1 to vector<16xi1>
      %reduce_sum3A_75 = tpu.scan <sum>, %select_n3A_72 masked %reduce_sum3A_74 : vector<16xf32>, vector<16xi1> -> vector<16xf32>
      %reduce_sum3A_76 = vector.extract %reduce_sum3A_75[15] : f32 from vector<16xf32>
      %broadcast_in_dim3A_77 = vector.broadcast %reduce_sum3A_76 : f32 to vector<16xf32>
      %eq3A_78 = arith.constant 5 : i32
      %eq3A_79 = vector.broadcast %eq3A_78 : i32 to vector<16xi32>
      %eq3A_80 = arith.cmpi eq, %iota3A, %eq3A_79 : vector<16xi32>
      %jit3A_81 = arith.constant 0.000000e+00 : f32
      %broadcast_in_dim3A_82 = vector.broadcast %jit3A_81 : f32 to vector<16xf32>
      %select_n3A_83 = arith.select %eq3A_80, %get3A_20, %broadcast_in_dim3A_82 : vector<16xi1>, vector<16xf32>
      %reduce_sum3A_84 = arith.constant true
      %reduce_sum3A_85 = vector.broadcast %reduce_sum3A_84 : i1 to vector<16xi1>
      %reduce_sum3A_86 = tpu.scan <sum>, %select_n3A_83 masked %reduce_sum3A_85 : vector<16xf32>, vector<16xi1> -> vector<16xf32>
      %reduce_sum3A_87 = vector.extract %reduce_sum3A_86[15] : f32 from vector<16xf32>
      %broadcast_in_dim3A_88 = vector.broadcast %reduce_sum3A_87 : f32 to vector<16xf32>
      %eq3A_89 = arith.constant 6 : i32
      %eq3A_90 = vector.broadcast %eq3A_89 : i32 to vector<16xi32>
      %eq3A_91 = arith.cmpi eq, %iota3A, %eq3A_90 : vector<16xi32>
      %jit3A_92 = arith.constant 0.000000e+00 : f32
      %broadcast_in_dim3A_93 = vector.broadcast %jit3A_92 : f32 to vector<16xf32>
      %select_n3A_94 = arith.select %eq3A_91, %get3A_20, %broadcast_in_dim3A_93 : vector<16xi1>, vector<16xf32>
      %reduce_sum3A_95 = arith.constant true
      %reduce_sum3A_96 = vector.broadcast %reduce_sum3A_95 : i1 to vector<16xi1>
      %reduce_sum3A_97 = tpu.scan <sum>, %select_n3A_94 masked %reduce_sum3A_96 : vector<16xf32>, vector<16xi1> -> vector<16xf32>
      %reduce_sum3A_98 = vector.extract %reduce_sum3A_97[15] : f32 from vector<16xf32>
      %broadcast_in_dim3A_99 = vector.broadcast %reduce_sum3A_98 : f32 to vector<16xf32>
      %eq3A_100 = arith.constant 7 : i32
      %eq3A_101 = vector.broadcast %eq3A_100 : i32 to vector<16xi32>
      %eq3A_102 = arith.cmpi eq, %iota3A, %eq3A_101 : vector<16xi32>
      %jit3A_103 = arith.constant 0.000000e+00 : f32
      %broadcast_in_dim3A_104 = vector.broadcast %jit3A_103 : f32 to vector<16xf32>
      %select_n3A_105 = arith.select %eq3A_102, %get3A_20, %broadcast_in_dim3A_104 : vector<16xi1>, vector<16xf32>
      %reduce_sum3A_106 = arith.constant true
      %reduce_sum3A_107 = vector.broadcast %reduce_sum3A_106 : i1 to vector<16xi1>
      %reduce_sum3A_108 = tpu.scan <sum>, %select_n3A_105 masked %reduce_sum3A_107 : vector<16xf32>, vector<16xi1> -> vector<16xf32>
      %reduce_sum3A_109 = vector.extract %reduce_sum3A_108[15] : f32 from vector<16xf32>
      %broadcast_in_dim3A_110 = vector.broadcast %reduce_sum3A_109 : f32 to vector<16xf32>
      %eq3A_111 = arith.constant 8 : i32
      %eq3A_112 = vector.broadcast %eq3A_111 : i32 to vector<16xi32>
      %eq3A_113 = arith.cmpi eq, %iota3A, %eq3A_112 : vector<16xi32>
      %jit3A_114 = arith.constant 0.000000e+00 : f32
      %broadcast_in_dim3A_115 = vector.broadcast %jit3A_114 : f32 to vector<16xf32>
      %select_n3A_116 = arith.select %eq3A_113, %get3A_20, %broadcast_in_dim3A_115 : vector<16xi1>, vector<16xf32>
      %reduce_sum3A_117 = arith.constant true
      %reduce_sum3A_118 = vector.broadcast %reduce_sum3A_117 : i1 to vector<16xi1>
      %reduce_sum3A_119 = tpu.scan <sum>, %select_n3A_116 masked %reduce_sum3A_118 : vector<16xf32>, vector<16xi1> -> vector<16xf32>
      %reduce_sum3A_120 = vector.extract %reduce_sum3A_119[15] : f32 from vector<16xf32>
      %broadcast_in_dim3A_121 = vector.broadcast %reduce_sum3A_120 : f32 to vector<16xf32>
      %eq3A_122 = arith.constant 9 : i32
      %eq3A_123 = vector.broadcast %eq3A_122 : i32 to vector<16xi32>
      %eq3A_124 = arith.cmpi eq, %iota3A, %eq3A_123 : vector<16xi32>
      %jit3A_125 = arith.constant 0.000000e+00 : f32
      %broadcast_in_dim3A_126 = vector.broadcast %jit3A_125 : f32 to vector<16xf32>
      %select_n3A_127 = arith.select %eq3A_124, %get3A_20, %broadcast_in_dim3A_126 : vector<16xi1>, vector<16xf32>
      %reduce_sum3A_128 = arith.constant true
      %reduce_sum3A_129 = vector.broadcast %reduce_sum3A_128 : i1 to vector<16xi1>
      %reduce_sum3A_130 = tpu.scan <sum>, %select_n3A_127 masked %reduce_sum3A_129 : vector<16xf32>, vector<16xi1> -> vector<16xf32>
      %reduce_sum3A_131 = vector.extract %reduce_sum3A_130[15] : f32 from vector<16xf32>
      %broadcast_in_dim3A_132 = vector.broadcast %reduce_sum3A_131 : f32 to vector<16xf32>
      %eq3A_133 = arith.constant 10 : i32
      %eq3A_134 = vector.broadcast %eq3A_133 : i32 to vector<16xi32>
      %eq3A_135 = arith.cmpi eq, %iota3A, %eq3A_134 : vector<16xi32>
      %jit3A_136 = arith.constant 0.000000e+00 : f32
      %broadcast_in_dim3A_137 = vector.broadcast %jit3A_136 : f32 to vector<16xf32>
      %select_n3A_138 = arith.select %eq3A_135, %get3A_20, %broadcast_in_dim3A_137 : vector<16xi1>, vector<16xf32>
      %reduce_sum3A_139 = arith.constant true
      %reduce_sum3A_140 = vector.broadcast %reduce_sum3A_139 : i1 to vector<16xi1>
      %reduce_sum3A_141 = tpu.scan <sum>, %select_n3A_138 masked %reduce_sum3A_140 : vector<16xf32>, vector<16xi1> -> vector<16xf32>
      %reduce_sum3A_142 = vector.extract %reduce_sum3A_141[15] : f32 from vector<16xf32>
      %broadcast_in_dim3A_143 = vector.broadcast %reduce_sum3A_142 : f32 to vector<16xf32>
      %eq3A_144 = arith.constant 11 : i32
      %eq3A_145 = vector.broadcast %eq3A_144 : i32 to vector<16xi32>
      %eq3A_146 = arith.cmpi eq, %iota3A, %eq3A_145 : vector<16xi32>
      %jit3A_147 = arith.constant 0.000000e+00 : f32
      %broadcast_in_dim3A_148 = vector.broadcast %jit3A_147 : f32 to vector<16xf32>
      %select_n3A_149 = arith.select %eq3A_146, %get3A_20, %broadcast_in_dim3A_148 : vector<16xi1>, vector<16xf32>
      %reduce_sum3A_150 = arith.constant true
      %reduce_sum3A_151 = vector.broadcast %reduce_sum3A_150 : i1 to vector<16xi1>
      %reduce_sum3A_152 = tpu.scan <sum>, %select_n3A_149 masked %reduce_sum3A_151 : vector<16xf32>, vector<16xi1> -> vector<16xf32>
      %reduce_sum3A_153 = vector.extract %reduce_sum3A_152[15] : f32 from vector<16xf32>
      %broadcast_in_dim3A_154 = vector.broadcast %reduce_sum3A_153 : f32 to vector<16xf32>
      %eq3A_155 = arith.constant 12 : i32
      %eq3A_156 = vector.broadcast %eq3A_155 : i32 to vector<16xi32>
      %eq3A_157 = arith.cmpi eq, %iota3A, %eq3A_156 : vector<16xi32>
      %jit3A_158 = arith.constant 0.000000e+00 : f32
      %broadcast_in_dim3A_159 = vector.broadcast %jit3A_158 : f32 to vector<16xf32>
      %select_n3A_160 = arith.select %eq3A_157, %get3A_20, %broadcast_in_dim3A_159 : vector<16xi1>, vector<16xf32>
      %reduce_sum3A_161 = arith.constant true
      %reduce_sum3A_162 = vector.broadcast %reduce_sum3A_161 : i1 to vector<16xi1>
      %reduce_sum3A_163 = tpu.scan <sum>, %select_n3A_160 masked %reduce_sum3A_162 : vector<16xf32>, vector<16xi1> -> vector<16xf32>
      %reduce_sum3A_164 = vector.extract %reduce_sum3A_163[15] : f32 from vector<16xf32>
      %broadcast_in_dim3A_165 = vector.broadcast %reduce_sum3A_164 : f32 to vector<16xf32>
      %eq3A_166 = arith.constant 13 : i32
      %eq3A_167 = vector.broadcast %eq3A_166 : i32 to vector<16xi32>
      %eq3A_168 = arith.cmpi eq, %iota3A, %eq3A_167 : vector<16xi32>
      %jit3A_169 = arith.constant 0.000000e+00 : f32
      %broadcast_in_dim3A_170 = vector.broadcast %jit3A_169 : f32 to vector<16xf32>
      %select_n3A_171 = arith.select %eq3A_168, %get3A_20, %broadcast_in_dim3A_170 : vector<16xi1>, vector<16xf32>
      %reduce_sum3A_172 = arith.constant true
      %reduce_sum3A_173 = vector.broadcast %reduce_sum3A_172 : i1 to vector<16xi1>
      %reduce_sum3A_174 = tpu.scan <sum>, %select_n3A_171 masked %reduce_sum3A_173 : vector<16xf32>, vector<16xi1> -> vector<16xf32>
      %reduce_sum3A_175 = vector.extract %reduce_sum3A_174[15] : f32 from vector<16xf32>
      %broadcast_in_dim3A_176 = vector.broadcast %reduce_sum3A_175 : f32 to vector<16xf32>
      %eq3A_177 = arith.constant 14 : i32
      %eq3A_178 = vector.broadcast %eq3A_177 : i32 to vector<16xi32>
      %eq3A_179 = arith.cmpi eq, %iota3A, %eq3A_178 : vector<16xi32>
      %jit3A_180 = arith.constant 0.000000e+00 : f32
      %broadcast_in_dim3A_181 = vector.broadcast %jit3A_180 : f32 to vector<16xf32>
      %select_n3A_182 = arith.select %eq3A_179, %get3A_20, %broadcast_in_dim3A_181 : vector<16xi1>, vector<16xf32>
      %reduce_sum3A_183 = arith.constant true
      %reduce_sum3A_184 = vector.broadcast %reduce_sum3A_183 : i1 to vector<16xi1>
      %reduce_sum3A_185 = tpu.scan <sum>, %select_n3A_182 masked %reduce_sum3A_184 : vector<16xf32>, vector<16xi1> -> vector<16xf32>
      %reduce_sum3A_186 = vector.extract %reduce_sum3A_185[15] : f32 from vector<16xf32>
      %broadcast_in_dim3A_187 = vector.broadcast %reduce_sum3A_186 : f32 to vector<16xf32>
      %eq3A_188 = arith.constant 15 : i32
      %eq3A_189 = vector.broadcast %eq3A_188 : i32 to vector<16xi32>
      %eq3A_190 = arith.cmpi eq, %iota3A, %eq3A_189 : vector<16xi32>
      %jit3A_191 = arith.constant 0.000000e+00 : f32
      %broadcast_in_dim3A_192 = vector.broadcast %jit3A_191 : f32 to vector<16xf32>
      %select_n3A_193 = arith.select %eq3A_190, %get3A_20, %broadcast_in_dim3A_192 : vector<16xi1>, vector<16xf32>
      %reduce_sum3A_194 = arith.constant true
      %reduce_sum3A_195 = vector.broadcast %reduce_sum3A_194 : i1 to vector<16xi1>
      %reduce_sum3A_196 = tpu.scan <sum>, %select_n3A_193 masked %reduce_sum3A_195 : vector<16xf32>, vector<16xi1> -> vector<16xf32>
      %reduce_sum3A_197 = vector.extract %reduce_sum3A_196[15] : f32 from vector<16xf32>
      %broadcast_in_dim3A_198 = vector.broadcast %reduce_sum3A_197 : f32 to vector<16xf32>
      %eq3A_199 = arith.constant 0 : i32
      %eq3A_200 = vector.broadcast %eq3A_199 : i32 to vector<16xi32>
      %eq3A_201 = arith.cmpi eq, %iota3A, %eq3A_200 : vector<16xi32>
      %jit3A_202 = arith.constant 0 : i32
      %broadcast_in_dim3A_203 = vector.broadcast %jit3A_202 : i32 to vector<16xi32>
      %select_n3A_204 = arith.select %eq3A_201, %get3A_22, %broadcast_in_dim3A_203 : vector<16xi1>, vector<16xi32>
      %reduce_sum3A_205 = arith.constant true
      %reduce_sum3A_206 = vector.broadcast %reduce_sum3A_205 : i1 to vector<16xi1>
      %reduce_sum3A_207 = tpu.scan <sum>, %select_n3A_204 masked %reduce_sum3A_206 : vector<16xi32>, vector<16xi1> -> vector<16xi32>
      %reduce_sum3A_208 = vector.extract %reduce_sum3A_207[15] : i32 from vector<16xi32>
      %broadcast_in_dim3A_209 = vector.broadcast %reduce_sum3A_208 : i32 to vector<16xi32>
      %eq3A_210 = arith.constant 1 : i32
      %eq3A_211 = vector.broadcast %eq3A_210 : i32 to vector<16xi32>
      %eq3A_212 = arith.cmpi eq, %iota3A, %eq3A_211 : vector<16xi32>
      %jit3A_213 = arith.constant 0 : i32
      %broadcast_in_dim3A_214 = vector.broadcast %jit3A_213 : i32 to vector<16xi32>
      %select_n3A_215 = arith.select %eq3A_212, %get3A_22, %broadcast_in_dim3A_214 : vector<16xi1>, vector<16xi32>
      %reduce_sum3A_216 = arith.constant true
      %reduce_sum3A_217 = vector.broadcast %reduce_sum3A_216 : i1 to vector<16xi1>
      %reduce_sum3A_218 = tpu.scan <sum>, %select_n3A_215 masked %reduce_sum3A_217 : vector<16xi32>, vector<16xi1> -> vector<16xi32>
      %reduce_sum3A_219 = vector.extract %reduce_sum3A_218[15] : i32 from vector<16xi32>
      %broadcast_in_dim3A_220 = vector.broadcast %reduce_sum3A_219 : i32 to vector<16xi32>
      %eq3A_221 = arith.constant 2 : i32
      %eq3A_222 = vector.broadcast %eq3A_221 : i32 to vector<16xi32>
      %eq3A_223 = arith.cmpi eq, %iota3A, %eq3A_222 : vector<16xi32>
      %jit3A_224 = arith.constant 0 : i32
      %broadcast_in_dim3A_225 = vector.broadcast %jit3A_224 : i32 to vector<16xi32>
      %select_n3A_226 = arith.select %eq3A_223, %get3A_22, %broadcast_in_dim3A_225 : vector<16xi1>, vector<16xi32>
      %reduce_sum3A_227 = arith.constant true
      %reduce_sum3A_228 = vector.broadcast %reduce_sum3A_227 : i1 to vector<16xi1>
      %reduce_sum3A_229 = tpu.scan <sum>, %select_n3A_226 masked %reduce_sum3A_228 : vector<16xi32>, vector<16xi1> -> vector<16xi32>
      %reduce_sum3A_230 = vector.extract %reduce_sum3A_229[15] : i32 from vector<16xi32>
      %broadcast_in_dim3A_231 = vector.broadcast %reduce_sum3A_230 : i32 to vector<16xi32>
      %eq3A_232 = arith.constant 3 : i32
      %eq3A_233 = vector.broadcast %eq3A_232 : i32 to vector<16xi32>
      %eq3A_234 = arith.cmpi eq, %iota3A, %eq3A_233 : vector<16xi32>
      %jit3A_235 = arith.constant 0 : i32
      %broadcast_in_dim3A_236 = vector.broadcast %jit3A_235 : i32 to vector<16xi32>
      %select_n3A_237 = arith.select %eq3A_234, %get3A_22, %broadcast_in_dim3A_236 : vector<16xi1>, vector<16xi32>
      %reduce_sum3A_238 = arith.constant true
      %reduce_sum3A_239 = vector.broadcast %reduce_sum3A_238 : i1 to vector<16xi1>
      %reduce_sum3A_240 = tpu.scan <sum>, %select_n3A_237 masked %reduce_sum3A_239 : vector<16xi32>, vector<16xi1> -> vector<16xi32>
      %reduce_sum3A_241 = vector.extract %reduce_sum3A_240[15] : i32 from vector<16xi32>
      %broadcast_in_dim3A_242 = vector.broadcast %reduce_sum3A_241 : i32 to vector<16xi32>
      %eq3A_243 = arith.constant 4 : i32
      %eq3A_244 = vector.broadcast %eq3A_243 : i32 to vector<16xi32>
      %eq3A_245 = arith.cmpi eq, %iota3A, %eq3A_244 : vector<16xi32>
      %jit3A_246 = arith.constant 0 : i32
      %broadcast_in_dim3A_247 = vector.broadcast %jit3A_246 : i32 to vector<16xi32>
      %select_n3A_248 = arith.select %eq3A_245, %get3A_22, %broadcast_in_dim3A_247 : vector<16xi1>, vector<16xi32>
      %reduce_sum3A_249 = arith.constant true
      %reduce_sum3A_250 = vector.broadcast %reduce_sum3A_249 : i1 to vector<16xi1>
      %reduce_sum3A_251 = tpu.scan <sum>, %select_n3A_248 masked %reduce_sum3A_250 : vector<16xi32>, vector<16xi1> -> vector<16xi32>
      %reduce_sum3A_252 = vector.extract %reduce_sum3A_251[15] : i32 from vector<16xi32>
      %broadcast_in_dim3A_253 = vector.broadcast %reduce_sum3A_252 : i32 to vector<16xi32>
      %eq3A_254 = arith.constant 5 : i32
      %eq3A_255 = vector.broadcast %eq3A_254 : i32 to vector<16xi32>
      %eq3A_256 = arith.cmpi eq, %iota3A, %eq3A_255 : vector<16xi32>
      %jit3A_257 = arith.constant 0 : i32
      %broadcast_in_dim3A_258 = vector.broadcast %jit3A_257 : i32 to vector<16xi32>
      %select_n3A_259 = arith.select %eq3A_256, %get3A_22, %broadcast_in_dim3A_258 : vector<16xi1>, vector<16xi32>
      %reduce_sum3A_260 = arith.constant true
      %reduce_sum3A_261 = vector.broadcast %reduce_sum3A_260 : i1 to vector<16xi1>
      %reduce_sum3A_262 = tpu.scan <sum>, %select_n3A_259 masked %reduce_sum3A_261 : vector<16xi32>, vector<16xi1> -> vector<16xi32>
      %reduce_sum3A_263 = vector.extract %reduce_sum3A_262[15] : i32 from vector<16xi32>
      %broadcast_in_dim3A_264 = vector.broadcast %reduce_sum3A_263 : i32 to vector<16xi32>
      %eq3A_265 = arith.constant 6 : i32
      %eq3A_266 = vector.broadcast %eq3A_265 : i32 to vector<16xi32>
      %eq3A_267 = arith.cmpi eq, %iota3A, %eq3A_266 : vector<16xi32>
      %jit3A_268 = arith.constant 0 : i32
      %broadcast_in_dim3A_269 = vector.broadcast %jit3A_268 : i32 to vector<16xi32>
      %select_n3A_270 = arith.select %eq3A_267, %get3A_22, %broadcast_in_dim3A_269 : vector<16xi1>, vector<16xi32>
      %reduce_sum3A_271 = arith.constant true
      %reduce_sum3A_272 = vector.broadcast %reduce_sum3A_271 : i1 to vector<16xi1>
      %reduce_sum3A_273 = tpu.scan <sum>, %select_n3A_270 masked %reduce_sum3A_272 : vector<16xi32>, vector<16xi1> -> vector<16xi32>
      %reduce_sum3A_274 = vector.extract %reduce_sum3A_273[15] : i32 from vector<16xi32>
      %broadcast_in_dim3A_275 = vector.broadcast %reduce_sum3A_274 : i32 to vector<16xi32>
      %eq3A_276 = arith.constant 7 : i32
      %eq3A_277 = vector.broadcast %eq3A_276 : i32 to vector<16xi32>
      %eq3A_278 = arith.cmpi eq, %iota3A, %eq3A_277 : vector<16xi32>
      %jit3A_279 = arith.constant 0 : i32
      %broadcast_in_dim3A_280 = vector.broadcast %jit3A_279 : i32 to vector<16xi32>
      %select_n3A_281 = arith.select %eq3A_278, %get3A_22, %broadcast_in_dim3A_280 : vector<16xi1>, vector<16xi32>
      %reduce_sum3A_282 = arith.constant true
      %reduce_sum3A_283 = vector.broadcast %reduce_sum3A_282 : i1 to vector<16xi1>
      %reduce_sum3A_284 = tpu.scan <sum>, %select_n3A_281 masked %reduce_sum3A_283 : vector<16xi32>, vector<16xi1> -> vector<16xi32>
      %reduce_sum3A_285 = vector.extract %reduce_sum3A_284[15] : i32 from vector<16xi32>
      %broadcast_in_dim3A_286 = vector.broadcast %reduce_sum3A_285 : i32 to vector<16xi32>
      %eq3A_287 = arith.constant 8 : i32
      %eq3A_288 = vector.broadcast %eq3A_287 : i32 to vector<16xi32>
      %eq3A_289 = arith.cmpi eq, %iota3A, %eq3A_288 : vector<16xi32>
      %jit3A_290 = arith.constant 0 : i32
      %broadcast_in_dim3A_291 = vector.broadcast %jit3A_290 : i32 to vector<16xi32>
      %select_n3A_292 = arith.select %eq3A_289, %get3A_22, %broadcast_in_dim3A_291 : vector<16xi1>, vector<16xi32>
      %reduce_sum3A_293 = arith.constant true
      %reduce_sum3A_294 = vector.broadcast %reduce_sum3A_293 : i1 to vector<16xi1>
      %reduce_sum3A_295 = tpu.scan <sum>, %select_n3A_292 masked %reduce_sum3A_294 : vector<16xi32>, vector<16xi1> -> vector<16xi32>
      %reduce_sum3A_296 = vector.extract %reduce_sum3A_295[15] : i32 from vector<16xi32>
      %broadcast_in_dim3A_297 = vector.broadcast %reduce_sum3A_296 : i32 to vector<16xi32>
      %eq3A_298 = arith.constant 9 : i32
      %eq3A_299 = vector.broadcast %eq3A_298 : i32 to vector<16xi32>
      %eq3A_300 = arith.cmpi eq, %iota3A, %eq3A_299 : vector<16xi32>
      %jit3A_301 = arith.constant 0 : i32
      %broadcast_in_dim3A_302 = vector.broadcast %jit3A_301 : i32 to vector<16xi32>
      %select_n3A_303 = arith.select %eq3A_300, %get3A_22, %broadcast_in_dim3A_302 : vector<16xi1>, vector<16xi32>
      %reduce_sum3A_304 = arith.constant true
      %reduce_sum3A_305 = vector.broadcast %reduce_sum3A_304 : i1 to vector<16xi1>
      %reduce_sum3A_306 = tpu.scan <sum>, %select_n3A_303 masked %reduce_sum3A_305 : vector<16xi32>, vector<16xi1> -> vector<16xi32>
      %reduce_sum3A_307 = vector.extract %reduce_sum3A_306[15] : i32 from vector<16xi32>
      %broadcast_in_dim3A_308 = vector.broadcast %reduce_sum3A_307 : i32 to vector<16xi32>
      %eq3A_309 = arith.constant 10 : i32
      %eq3A_310 = vector.broadcast %eq3A_309 : i32 to vector<16xi32>
      %eq3A_311 = arith.cmpi eq, %iota3A, %eq3A_310 : vector<16xi32>
      %jit3A_312 = arith.constant 0 : i32
      %broadcast_in_dim3A_313 = vector.broadcast %jit3A_312 : i32 to vector<16xi32>
      %select_n3A_314 = arith.select %eq3A_311, %get3A_22, %broadcast_in_dim3A_313 : vector<16xi1>, vector<16xi32>
      %reduce_sum3A_315 = arith.constant true
      %reduce_sum3A_316 = vector.broadcast %reduce_sum3A_315 : i1 to vector<16xi1>
      %reduce_sum3A_317 = tpu.scan <sum>, %select_n3A_314 masked %reduce_sum3A_316 : vector<16xi32>, vector<16xi1> -> vector<16xi32>
      %reduce_sum3A_318 = vector.extract %reduce_sum3A_317[15] : i32 from vector<16xi32>
      %broadcast_in_dim3A_319 = vector.broadcast %reduce_sum3A_318 : i32 to vector<16xi32>
      %eq3A_320 = arith.constant 11 : i32
      %eq3A_321 = vector.broadcast %eq3A_320 : i32 to vector<16xi32>
      %eq3A_322 = arith.cmpi eq, %iota3A, %eq3A_321 : vector<16xi32>
      %jit3A_323 = arith.constant 0 : i32
      %broadcast_in_dim3A_324 = vector.broadcast %jit3A_323 : i32 to vector<16xi32>
      %select_n3A_325 = arith.select %eq3A_322, %get3A_22, %broadcast_in_dim3A_324 : vector<16xi1>, vector<16xi32>
      %reduce_sum3A_326 = arith.constant true
      %reduce_sum3A_327 = vector.broadcast %reduce_sum3A_326 : i1 to vector<16xi1>
      %reduce_sum3A_328 = tpu.scan <sum>, %select_n3A_325 masked %reduce_sum3A_327 : vector<16xi32>, vector<16xi1> -> vector<16xi32>
      %reduce_sum3A_329 = vector.extract %reduce_sum3A_328[15] : i32 from vector<16xi32>
      %broadcast_in_dim3A_330 = vector.broadcast %reduce_sum3A_329 : i32 to vector<16xi32>
      %eq3A_331 = arith.constant 12 : i32
      %eq3A_332 = vector.broadcast %eq3A_331 : i32 to vector<16xi32>
      %eq3A_333 = arith.cmpi eq, %iota3A, %eq3A_332 : vector<16xi32>
      %jit3A_334 = arith.constant 0 : i32
      %broadcast_in_dim3A_335 = vector.broadcast %jit3A_334 : i32 to vector<16xi32>
      %select_n3A_336 = arith.select %eq3A_333, %get3A_22, %broadcast_in_dim3A_335 : vector<16xi1>, vector<16xi32>
      %reduce_sum3A_337 = arith.constant true
      %reduce_sum3A_338 = vector.broadcast %reduce_sum3A_337 : i1 to vector<16xi1>
      %reduce_sum3A_339 = tpu.scan <sum>, %select_n3A_336 masked %reduce_sum3A_338 : vector<16xi32>, vector<16xi1> -> vector<16xi32>
      %reduce_sum3A_340 = vector.extract %reduce_sum3A_339[15] : i32 from vector<16xi32>
      %broadcast_in_dim3A_341 = vector.broadcast %reduce_sum3A_340 : i32 to vector<16xi32>
      %eq3A_342 = arith.constant 13 : i32
      %eq3A_343 = vector.broadcast %eq3A_342 : i32 to vector<16xi32>
      %eq3A_344 = arith.cmpi eq, %iota3A, %eq3A_343 : vector<16xi32>
      %jit3A_345 = arith.constant 0 : i32
      %broadcast_in_dim3A_346 = vector.broadcast %jit3A_345 : i32 to vector<16xi32>
      %select_n3A_347 = arith.select %eq3A_344, %get3A_22, %broadcast_in_dim3A_346 : vector<16xi1>, vector<16xi32>
      %reduce_sum3A_348 = arith.constant true
      %reduce_sum3A_349 = vector.broadcast %reduce_sum3A_348 : i1 to vector<16xi1>
      %reduce_sum3A_350 = tpu.scan <sum>, %select_n3A_347 masked %reduce_sum3A_349 : vector<16xi32>, vector<16xi1> -> vector<16xi32>
      %reduce_sum3A_351 = vector.extract %reduce_sum3A_350[15] : i32 from vector<16xi32>
      %broadcast_in_dim3A_352 = vector.broadcast %reduce_sum3A_351 : i32 to vector<16xi32>
      %eq3A_353 = arith.constant 14 : i32
      %eq3A_354 = vector.broadcast %eq3A_353 : i32 to vector<16xi32>
      %eq3A_355 = arith.cmpi eq, %iota3A, %eq3A_354 : vector<16xi32>
      %jit3A_356 = arith.constant 0 : i32
      %broadcast_in_dim3A_357 = vector.broadcast %jit3A_356 : i32 to vector<16xi32>
      %select_n3A_358 = arith.select %eq3A_355, %get3A_22, %broadcast_in_dim3A_357 : vector<16xi1>, vector<16xi32>
      %reduce_sum3A_359 = arith.constant true
      %reduce_sum3A_360 = vector.broadcast %reduce_sum3A_359 : i1 to vector<16xi1>
      %reduce_sum3A_361 = tpu.scan <sum>, %select_n3A_358 masked %reduce_sum3A_360 : vector<16xi32>, vector<16xi1> -> vector<16xi32>
      %reduce_sum3A_362 = vector.extract %reduce_sum3A_361[15] : i32 from vector<16xi32>
      %broadcast_in_dim3A_363 = vector.broadcast %reduce_sum3A_362 : i32 to vector<16xi32>
      %eq3A_364 = arith.constant 15 : i32
      %eq3A_365 = vector.broadcast %eq3A_364 : i32 to vector<16xi32>
      %eq3A_366 = arith.cmpi eq, %iota3A, %eq3A_365 : vector<16xi32>
      %jit3A_367 = arith.constant 0 : i32
      %broadcast_in_dim3A_368 = vector.broadcast %jit3A_367 : i32 to vector<16xi32>
      %select_n3A_369 = arith.select %eq3A_366, %get3A_22, %broadcast_in_dim3A_368 : vector<16xi1>, vector<16xi32>
      %reduce_sum3A_370 = arith.constant true
      %reduce_sum3A_371 = vector.broadcast %reduce_sum3A_370 : i1 to vector<16xi1>
      %reduce_sum3A_372 = tpu.scan <sum>, %select_n3A_369 masked %reduce_sum3A_371 : vector<16xi32>, vector<16xi1> -> vector<16xi32>
      %reduce_sum3A_373 = vector.extract %reduce_sum3A_372[15] : i32 from vector<16xi32>
      %broadcast_in_dim3A_374 = vector.broadcast %reduce_sum3A_373 : i32 to vector<16xi32>
      %parallel_loop3A_375 = arith.constant 0 : i32
      %parallel_loop3A_376 = arith.constant 256 : i32
      %parallel_loop3A_377 = arith.constant 1 : i32
      scf.for %parallel_loop3A_378 = %parallel_loop3A_375 to %parallel_loop3A_376 step %parallel_loop3A_377  : i32 {
        %parallel_loop3A_379 = arith.constant 16 : i32
        %parallel_loop3A_380 = arith.muli %parallel_loop3A_378, %parallel_loop3A_379 : i32
        %parallel_loop3A_381 = vector.broadcast %parallel_loop3A_380 : i32 to vector<16xi32>
        %parallel_loop3A_382 = arith.addi %iota3A, %parallel_loop3A_381 : vector<16xi32>
        %parallel_loop3A_383 = arith.addi %broadcast_in_dim3A_209, %parallel_loop3A_382 : vector<16xi32>
        %parallel_loop3A_384 = tpu.vector_load_idx %arg6[%parallel_loop3A_383] : memref<8192xf32, #tpu.memory_space<vmem>>[vector<16xi32>], vector<16xf32>,
        %parallel_loop3A_385 = arith.mulf %broadcast_in_dim3A_33, %parallel_loop3A_384 : vector<16xf32>
        %parallel_loop3A_386 = arith.addi %broadcast_in_dim3A_220, %parallel_loop3A_382 : vector<16xi32>
        %parallel_loop3A_387 = tpu.vector_load_idx %arg6[%parallel_loop3A_386] : memref<8192xf32, #tpu.memory_space<vmem>>[vector<16xi32>], vector<16xf32>,
        %parallel_loop3A_388 = arith.mulf %broadcast_in_dim3A_44, %parallel_loop3A_387 : vector<16xf32>
        %parallel_loop3A_389 = arith.addf %parallel_loop3A_385, %parallel_loop3A_388 : vector<16xf32>
        %parallel_loop3A_390 = arith.addi %broadcast_in_dim3A_231, %parallel_loop3A_382 : vector<16xi32>
        %parallel_loop3A_391 = tpu.vector_load_idx %arg6[%parallel_loop3A_390] : memref<8192xf32, #tpu.memory_space<vmem>>[vector<16xi32>], vector<16xf32>,
        %parallel_loop3A_392 = arith.mulf %broadcast_in_dim3A_55, %parallel_loop3A_391 : vector<16xf32>
        %parallel_loop3A_393 = arith.addf %parallel_loop3A_389, %parallel_loop3A_392 : vector<16xf32>
        %parallel_loop3A_394 = arith.addi %broadcast_in_dim3A_242, %parallel_loop3A_382 : vector<16xi32>
        %parallel_loop3A_395 = tpu.vector_load_idx %arg6[%parallel_loop3A_394] : memref<8192xf32, #tpu.memory_space<vmem>>[vector<16xi32>], vector<16xf32>,
        %parallel_loop3A_396 = arith.mulf %broadcast_in_dim3A_66, %parallel_loop3A_395 : vector<16xf32>
        %parallel_loop3A_397 = arith.addf %parallel_loop3A_393, %parallel_loop3A_396 : vector<16xf32>
        %parallel_loop3A_398 = arith.addi %broadcast_in_dim3A_253, %parallel_loop3A_382 : vector<16xi32>
        %parallel_loop3A_399 = tpu.vector_load_idx %arg6[%parallel_loop3A_398] : memref<8192xf32, #tpu.memory_space<vmem>>[vector<16xi32>], vector<16xf32>,
        %parallel_loop3A_400 = arith.mulf %broadcast_in_dim3A_77, %parallel_loop3A_399 : vector<16xf32>
        %parallel_loop3A_401 = arith.addf %parallel_loop3A_397, %parallel_loop3A_400 : vector<16xf32>
        %parallel_loop3A_402 = arith.addi %broadcast_in_dim3A_264, %parallel_loop3A_382 : vector<16xi32>
        %parallel_loop3A_403 = tpu.vector_load_idx %arg6[%parallel_loop3A_402] : memref<8192xf32, #tpu.memory_space<vmem>>[vector<16xi32>], vector<16xf32>,
        %parallel_loop3A_404 = arith.mulf %broadcast_in_dim3A_88, %parallel_loop3A_403 : vector<16xf32>
        %parallel_loop3A_405 = arith.addf %parallel_loop3A_401, %parallel_loop3A_404 : vector<16xf32>
        %parallel_loop3A_406 = arith.addi %broadcast_in_dim3A_275, %parallel_loop3A_382 : vector<16xi32>
        %parallel_loop3A_407 = tpu.vector_load_idx %arg6[%parallel_loop3A_406] : memref<8192xf32, #tpu.memory_space<vmem>>[vector<16xi32>], vector<16xf32>,
        %parallel_loop3A_408 = arith.mulf %broadcast_in_dim3A_99, %parallel_loop3A_407 : vector<16xf32>
        %parallel_loop3A_409 = arith.addf %parallel_loop3A_405, %parallel_loop3A_408 : vector<16xf32>
        %parallel_loop3A_410 = arith.addi %broadcast_in_dim3A_286, %parallel_loop3A_382 : vector<16xi32>
        %parallel_loop3A_411 = tpu.vector_load_idx %arg6[%parallel_loop3A_410] : memref<8192xf32, #tpu.memory_space<vmem>>[vector<16xi32>], vector<16xf32>,
        %parallel_loop3A_412 = arith.mulf %broadcast_in_dim3A_110, %parallel_loop3A_411 : vector<16xf32>
        %parallel_loop3A_413 = arith.addf %parallel_loop3A_409, %parallel_loop3A_412 : vector<16xf32>
        %parallel_loop3A_414 = arith.addi %broadcast_in_dim3A_297, %parallel_loop3A_382 : vector<16xi32>
        %parallel_loop3A_415 = tpu.vector_load_idx %arg6[%parallel_loop3A_414] : memref<8192xf32, #tpu.memory_space<vmem>>[vector<16xi32>], vector<16xf32>,
        %parallel_loop3A_416 = arith.mulf %broadcast_in_dim3A_121, %parallel_loop3A_415 : vector<16xf32>
        %parallel_loop3A_417 = arith.addf %parallel_loop3A_413, %parallel_loop3A_416 : vector<16xf32>
        %parallel_loop3A_418 = arith.addi %broadcast_in_dim3A_308, %parallel_loop3A_382 : vector<16xi32>
        %parallel_loop3A_419 = tpu.vector_load_idx %arg6[%parallel_loop3A_418] : memref<8192xf32, #tpu.memory_space<vmem>>[vector<16xi32>], vector<16xf32>,
        %parallel_loop3A_420 = arith.mulf %broadcast_in_dim3A_132, %parallel_loop3A_419 : vector<16xf32>
        %parallel_loop3A_421 = arith.addf %parallel_loop3A_417, %parallel_loop3A_420 : vector<16xf32>
        %parallel_loop3A_422 = arith.addi %broadcast_in_dim3A_319, %parallel_loop3A_382 : vector<16xi32>
        %parallel_loop3A_423 = tpu.vector_load_idx %arg6[%parallel_loop3A_422] : memref<8192xf32, #tpu.memory_space<vmem>>[vector<16xi32>], vector<16xf32>,
        %parallel_loop3A_424 = arith.mulf %broadcast_in_dim3A_143, %parallel_loop3A_423 : vector<16xf32>
        %parallel_loop3A_425 = arith.addf %parallel_loop3A_421, %parallel_loop3A_424 : vector<16xf32>
        %parallel_loop3A_426 = arith.addi %broadcast_in_dim3A_330, %parallel_loop3A_382 : vector<16xi32>
        %parallel_loop3A_427 = tpu.vector_load_idx %arg6[%parallel_loop3A_426] : memref<8192xf32, #tpu.memory_space<vmem>>[vector<16xi32>], vector<16xf32>,
        %parallel_loop3A_428 = arith.mulf %broadcast_in_dim3A_154, %parallel_loop3A_427 : vector<16xf32>
        %parallel_loop3A_429 = arith.addf %parallel_loop3A_425, %parallel_loop3A_428 : vector<16xf32>
        %parallel_loop3A_430 = arith.addi %broadcast_in_dim3A_341, %parallel_loop3A_382 : vector<16xi32>
        %parallel_loop3A_431 = tpu.vector_load_idx %arg6[%parallel_loop3A_430] : memref<8192xf32, #tpu.memory_space<vmem>>[vector<16xi32>], vector<16xf32>,
        %parallel_loop3A_432 = arith.mulf %broadcast_in_dim3A_165, %parallel_loop3A_431 : vector<16xf32>
        %parallel_loop3A_433 = arith.addf %parallel_loop3A_429, %parallel_loop3A_432 : vector<16xf32>
        %parallel_loop3A_434 = arith.addi %broadcast_in_dim3A_352, %parallel_loop3A_382 : vector<16xi32>
        %parallel_loop3A_435 = tpu.vector_load_idx %arg6[%parallel_loop3A_434] : memref<8192xf32, #tpu.memory_space<vmem>>[vector<16xi32>], vector<16xf32>,
        %parallel_loop3A_436 = arith.mulf %broadcast_in_dim3A_176, %parallel_loop3A_435 : vector<16xf32>
        %parallel_loop3A_437 = arith.addf %parallel_loop3A_433, %parallel_loop3A_436 : vector<16xf32>
        %parallel_loop3A_438 = arith.addi %broadcast_in_dim3A_363, %parallel_loop3A_382 : vector<16xi32>
        %parallel_loop3A_439 = tpu.vector_load_idx %arg6[%parallel_loop3A_438] : memref<8192xf32, #tpu.memory_space<vmem>>[vector<16xi32>], vector<16xf32>,
        %parallel_loop3A_440 = arith.mulf %broadcast_in_dim3A_187, %parallel_loop3A_439 : vector<16xf32>
        %parallel_loop3A_441 = arith.addf %parallel_loop3A_437, %parallel_loop3A_440 : vector<16xf32>
        %parallel_loop3A_442 = arith.addi %broadcast_in_dim3A_374, %parallel_loop3A_382 : vector<16xi32>
        %parallel_loop3A_443 = tpu.vector_load_idx %arg6[%parallel_loop3A_442] : memref<8192xf32, #tpu.memory_space<vmem>>[vector<16xi32>], vector<16xf32>,
        %parallel_loop3A_444 = arith.mulf %broadcast_in_dim3A_198, %parallel_loop3A_443 : vector<16xf32>
        %parallel_loop3A_445 = arith.addf %parallel_loop3A_441, %parallel_loop3A_444 : vector<16xf32>
        %parallel_loop3A_446 = arith.constant 16 : i32
        %parallel_loop3A_447 = arith.muli %parallel_loop3A_378, %parallel_loop3A_446 : i32
        %parallel_loop3A_448 = arith.index_cast %parallel_loop3A_447 : i32 to index
        %parallel_loop3A_449 = tpu.vector_load %arg9[%parallel_loop3A_448] {strides = array<i32>} : memref<4096xf32, #tpu.memory_space<vmem>>, vector<16xf32>,
        tpu.vector_store %arg9[%parallel_loop3A_448], %parallel_loop3A_445 {strides = array<i32>} : memref<4096xf32, #tpu.memory_space<vmem>>, vector<16xf32>,
      } {sc.loop_unroll_factor = 2 : i64, sc.parallel_access}
      "tpu.region"() ({
        %run_scoped3A = tpu.sem_alloc : memref<!tpu.dma_semaphore, #tpu.memory_space<semaphore_mem>>
        %dma_start3A = arith.constant 0 : i32
        %dma_start3A_378 = tpu.memref_slice %arg5[%add3A_9, %dma_start3A] : memref<1536x4096xf32, #tpu.memory_space<hbm>> -> memref<1x4096xf32, #tpu.memory_space<hbm>>
        %dma_start3A_379 = tpu.memref_squeeze %dma_start3A_378 : memref<1x4096xf32, #tpu.memory_space<hbm>> -> memref<4096xf32, #tpu.memory_space<hbm>>
        %dma_start3A_380 = arith.constant 0 : i32
        %dma_start3A_381 = tpu.memref_slice %arg5[%add3A_9, %dma_start3A_380] : memref<1536x4096xf32, #tpu.memory_space<hbm>> -> memref<1x4096xf32, #tpu.memory_space<hbm>>
        %dma_start3A_382 = tpu.memref_squeeze %dma_start3A_381 : memref<1x4096xf32, #tpu.memory_space<hbm>> -> memref<4096xf32, #tpu.memory_space<hbm>>
        tpu.enqueue_dma source(%arg9 : memref<4096xf32, #tpu.memory_space<vmem>>) target(%dma_start3A_382 : memref<4096xf32, #tpu.memory_space<hbm>>) target_semaphore(%run_scoped3A : memref<!tpu.dma_semaphore, #tpu.memory_space<semaphore_mem>>)
        %dma_wait3A = arith.constant 0 : i32
        %dma_wait3A_383 = tpu.memref_slice %arg5[%add3A_9, %dma_wait3A] : memref<1536x4096xf32, #tpu.memory_space<hbm>> -> memref<1x4096xf32, #tpu.memory_space<hbm>>
        %dma_wait3A_384 = tpu.memref_squeeze %dma_wait3A_383 : memref<1x4096xf32, #tpu.memory_space<hbm>> -> memref<4096xf32, #tpu.memory_space<hbm>>
        %dma_wait3A_385 = arith.constant 0 : i32
        %dma_wait3A_386 = tpu.memref_slice %arg5[%add3A_9, %dma_wait3A_385] : memref<1536x4096xf32, #tpu.memory_space<hbm>> -> memref<1x4096xf32, #tpu.memory_space<hbm>>
        %dma_wait3A_387 = tpu.memref_squeeze %dma_wait3A_386 : memref<1x4096xf32, #tpu.memory_space<hbm>> -> memref<4096xf32, #tpu.memory_space<hbm>>
        tpu.wait_dma2 semaphore(%run_scoped3A : memref<!tpu.dma_semaphore, #tpu.memory_space<semaphore_mem>>) src(%arg9 : memref<4096xf32, #tpu.memory_space<vmem>>) dst(%dma_wait3A_387 : memref<4096xf32, #tpu.memory_space<hbm>>)
        tpu.yield
      }) : () -> ()
    }
    %scan3A_7 = arith.constant 48 : i32
    return
  }
}

#map = affine_map<(d0, d1) -> (0, 0)>
module attributes {stable_mosaic.version = 14 : i64} {
  func.func @_agg_sc_body(%arg0: i32, %arg1: i32, %arg2: memref<1536x4096xf32, #tpu.memory_space<hbm>>, %arg3: memref<1536x16xf32, #tpu.memory_space<hbm>>, %arg4: memref<1536x16xi32, #tpu.memory_space<hbm>>, %arg5: memref<1536x4096xf32, #tpu.memory_space<hbm>>, %arg6: memref<8192xf32, #tpu.memory_space<vmem>>, %arg7: memref<16xf32, #tpu.memory_space<vmem>>, %arg8: memref<16xi32, #tpu.memory_space<vmem>>, %arg9: memref<4096xf32, #tpu.memory_space<vmem>>) attributes {dimension_semantics = [#tpu.dimension_semantics<core_parallel>, #tpu.dimension_semantics<subcore_parallel>], iteration_bounds = array<i64: 2, 16>, scalar_prefetch = 0 : i64, scratch_operands = 4 : i64, tpu.core_type = #tpu.core_type<sc_vector_subcore>, window_params = [{transform_indices = #map}, {transform_indices = #map}, {transform_indices = #map}, {transform_indices = #map}]} {
    %mul3A = arith.constant 2 : i32
    %mul3A_0 = arith.muli %arg1, %mul3A : i32
    %add3A = arith.addi %mul3A_0, %arg0 : i32
    %mul3A_1 = arith.constant 48 : i32
    %mul3A_2 = arith.muli %add3A, %mul3A_1 : i32
    %iota3A = tpu.iota {dimensions = array<i32: 0>} : vector<16xi32>
    %scan3A = arith.constant 0 : i32
    %scan3A_3 = arith.constant 0 : i32
    %scan3A_4 = arith.constant 48 : i32
    %scan3A_5 = arith.addi %scan3A_3, %scan3A_4 : i32
    %scan3A_6 = arith.constant 1 : i32
    scf.for %scan3A_8 = %scan3A_3 to %scan3A_5 step %scan3A_6  : i32 {
      %add3A_9 = arith.addi %mul3A_2, %scan3A_8 : i32
      "tpu.region"() ({
        %run_scoped3A = tpu.sem_alloc : memref<!tpu.dma_semaphore, #tpu.memory_space<semaphore_mem>>
        %dma_start3A = arith.constant 0 : i32
        %dma_start3A_378 = tpu.memref_slice %arg6[%dma_start3A] : memref<8192xf32, #tpu.memory_space<vmem>> -> memref<4096xf32, #tpu.memory_space<vmem>>
        %dma_start3A_379 = arith.constant 0 : i32
        %dma_start3A_380 = tpu.memref_slice %arg2[%add3A_9, %dma_start3A_379] : memref<1536x4096xf32, #tpu.memory_space<hbm>> -> memref<1x4096xf32, #tpu.memory_space<hbm>>
        %dma_start3A_381 = tpu.memref_squeeze %dma_start3A_380 : memref<1x4096xf32, #tpu.memory_space<hbm>> -> memref<4096xf32, #tpu.memory_space<hbm>>
        %dma_start3A_382 = arith.constant 0 : i32
        %dma_start3A_383 = tpu.memref_slice %arg6[%dma_start3A_382] : memref<8192xf32, #tpu.memory_space<vmem>> -> memref<4096xf32, #tpu.memory_space<vmem>>
        %dma_start3A_384 = arith.constant 0 : i32
        %dma_start3A_385 = tpu.memref_slice %arg2[%add3A_9, %dma_start3A_384] : memref<1536x4096xf32, #tpu.memory_space<hbm>> -> memref<1x4096xf32, #tpu.memory_space<hbm>>
        %dma_start3A_386 = tpu.memref_squeeze %dma_start3A_385 : memref<1x4096xf32, #tpu.memory_space<hbm>> -> memref<4096xf32, #tpu.memory_space<hbm>>
        tpu.enqueue_dma source(%dma_start3A_386 : memref<4096xf32, #tpu.memory_space<hbm>>) target(%dma_start3A_383 : memref<4096xf32, #tpu.memory_space<vmem>>) target_semaphore(%run_scoped3A : memref<!tpu.dma_semaphore, #tpu.memory_space<semaphore_mem>>)
        %dma_wait3A = arith.constant 0 : i32
        %dma_wait3A_387 = tpu.memref_slice %arg6[%dma_wait3A] : memref<8192xf32, #tpu.memory_space<vmem>> -> memref<4096xf32, #tpu.memory_space<vmem>>
        %dma_wait3A_388 = arith.constant 0 : i32
        %dma_wait3A_389 = tpu.memref_slice %arg2[%add3A_9, %dma_wait3A_388] : memref<1536x4096xf32, #tpu.memory_space<hbm>> -> memref<1x4096xf32, #tpu.memory_space<hbm>>
        %dma_wait3A_390 = tpu.memref_squeeze %dma_wait3A_389 : memref<1x4096xf32, #tpu.memory_space<hbm>> -> memref<4096xf32, #tpu.memory_space<hbm>>
        %dma_wait3A_391 = arith.constant 0 : i32
        %dma_wait3A_392 = tpu.memref_slice %arg6[%dma_wait3A_391] : memref<8192xf32, #tpu.memory_space<vmem>> -> memref<4096xf32, #tpu.memory_space<vmem>>
        %dma_wait3A_393 = arith.constant 0 : i32
        %dma_wait3A_394 = tpu.memref_slice %arg2[%add3A_9, %dma_wait3A_393] : memref<1536x4096xf32, #tpu.memory_space<hbm>> -> memref<1x4096xf32, #tpu.memory_space<hbm>>
        %dma_wait3A_395 = tpu.memref_squeeze %dma_wait3A_394 : memref<1x4096xf32, #tpu.memory_space<hbm>> -> memref<4096xf32, #tpu.memory_space<hbm>>
        tpu.wait_dma2 semaphore(%run_scoped3A : memref<!tpu.dma_semaphore, #tpu.memory_space<semaphore_mem>>) src(%dma_wait3A_395 : memref<4096xf32, #tpu.memory_space<hbm>>) dst(%dma_wait3A_392 : memref<4096xf32, #tpu.memory_space<vmem>>)
        tpu.yield
      }) : () -> ()
      "tpu.region"() ({
        %run_scoped3A = tpu.sem_alloc : memref<!tpu.dma_semaphore, #tpu.memory_space<semaphore_mem>>
        %dma_start3A = arith.constant 0 : i32
        %dma_start3A_378 = tpu.memref_slice %arg3[%add3A_9, %dma_start3A] : memref<1536x16xf32, #tpu.memory_space<hbm>> -> memref<1x16xf32, #tpu.memory_space<hbm>>
        %dma_start3A_379 = tpu.memref_squeeze %dma_start3A_378 : memref<1x16xf32, #tpu.memory_space<hbm>> -> memref<16xf32, #tpu.memory_space<hbm>>
        %dma_start3A_380 = arith.constant 0 : i32
        %dma_start3A_381 = tpu.memref_slice %arg3[%add3A_9, %dma_start3A_380] : memref<1536x16xf32, #tpu.memory_space<hbm>> -> memref<1x16xf32, #tpu.memory_space<hbm>>
        %dma_start3A_382 = tpu.memref_squeeze %dma_start3A_381 : memref<1x16xf32, #tpu.memory_space<hbm>> -> memref<16xf32, #tpu.memory_space<hbm>>
        tpu.enqueue_dma source(%dma_start3A_382 : memref<16xf32, #tpu.memory_space<hbm>>) target(%arg7 : memref<16xf32, #tpu.memory_space<vmem>>) target_semaphore(%run_scoped3A : memref<!tpu.dma_semaphore, #tpu.memory_space<semaphore_mem>>)
        %dma_wait3A = arith.constant 0 : i32
        %dma_wait3A_383 = tpu.memref_slice %arg3[%add3A_9, %dma_wait3A] : memref<1536x16xf32, #tpu.memory_space<hbm>> -> memref<1x16xf32, #tpu.memory_space<hbm>>
        %dma_wait3A_384 = tpu.memref_squeeze %dma_wait3A_383 : memref<1x16xf32, #tpu.memory_space<hbm>> -> memref<16xf32, #tpu.memory_space<hbm>>
        %dma_wait3A_385 = arith.constant 0 : i32
        %dma_wait3A_386 = tpu.memref_slice %arg3[%add3A_9, %dma_wait3A_385] : memref<1536x16xf32, #tpu.memory_space<hbm>> -> memref<1x16xf32, #tpu.memory_space<hbm>>
        %dma_wait3A_387 = tpu.memref_squeeze %dma_wait3A_386 : memref<1x16xf32, #tpu.memory_space<hbm>> -> memref<16xf32, #tpu.memory_space<hbm>>
        tpu.wait_dma2 semaphore(%run_scoped3A : memref<!tpu.dma_semaphore, #tpu.memory_space<semaphore_mem>>) src(%dma_wait3A_387 : memref<16xf32, #tpu.memory_space<hbm>>) dst(%arg7 : memref<16xf32, #tpu.memory_space<vmem>>)
        tpu.yield
      }) : () -> ()
      "tpu.region"() ({
        %run_scoped3A = tpu.sem_alloc : memref<!tpu.dma_semaphore, #tpu.memory_space<semaphore_mem>>
        %dma_start3A = arith.constant 0 : i32
        %dma_start3A_378 = tpu.memref_slice %arg4[%add3A_9, %dma_start3A] : memref<1536x16xi32, #tpu.memory_space<hbm>> -> memref<1x16xi32, #tpu.memory_space<hbm>>
        %dma_start3A_379 = tpu.memref_squeeze %dma_start3A_378 : memref<1x16xi32, #tpu.memory_space<hbm>> -> memref<16xi32, #tpu.memory_space<hbm>>
        %dma_start3A_380 = arith.constant 0 : i32
        %dma_start3A_381 = tpu.memref_slice %arg4[%add3A_9, %dma_start3A_380] : memref<1536x16xi32, #tpu.memory_space<hbm>> -> memref<1x16xi32, #tpu.memory_space<hbm>>
        %dma_start3A_382 = tpu.memref_squeeze %dma_start3A_381 : memref<1x16xi32, #tpu.memory_space<hbm>> -> memref<16xi32, #tpu.memory_space<hbm>>
        tpu.enqueue_dma source(%dma_start3A_382 : memref<16xi32, #tpu.memory_space<hbm>>) target(%arg8 : memref<16xi32, #tpu.memory_space<vmem>>) target_semaphore(%run_scoped3A : memref<!tpu.dma_semaphore, #tpu.memory_space<semaphore_mem>>)
        %dma_wait3A = arith.constant 0 : i32
        %dma_wait3A_383 = tpu.memref_slice %arg4[%add3A_9, %dma_wait3A] : memref<1536x16xi32, #tpu.memory_space<hbm>> -> memref<1x16xi32, #tpu.memory_space<hbm>>
        %dma_wait3A_384 = tpu.memref_squeeze %dma_wait3A_383 : memref<1x16xi32, #tpu.memory_space<hbm>> -> memref<16xi32, #tpu.memory_space<hbm>>
        %dma_wait3A_385 = arith.constant 0 : i32
        %dma_wait3A_386 = tpu.memref_slice %arg4[%add3A_9, %dma_wait3A_385] : memref<1536x16xi32, #tpu.memory_space<hbm>> -> memref<1x16xi32, #tpu.memory_space<hbm>>
        %dma_wait3A_387 = tpu.memref_squeeze %dma_wait3A_386 : memref<1x16xi32, #tpu.memory_space<hbm>> -> memref<16xi32, #tpu.memory_space<hbm>>
        tpu.wait_dma2 semaphore(%run_scoped3A : memref<!tpu.dma_semaphore, #tpu.memory_space<semaphore_mem>>) src(%dma_wait3A_387 : memref<16xi32, #tpu.memory_space<hbm>>) dst(%arg8 : memref<16xi32, #tpu.memory_space<vmem>>)
        tpu.yield
      }) : () -> ()
      %get3A = arith.constant 4080 : index
      %get3A_10 = tpu.vector_load %arg6[%get3A] {strides = array<i32>} : memref<8192xf32, #tpu.memory_space<vmem>>, vector<16xf32>,
      %eq3A = arith.constant 15 : i32
      %eq3A_11 = vector.broadcast %eq3A : i32 to vector<16xi32>
      %eq3A_12 = arith.cmpi eq, %iota3A, %eq3A_11 : vector<16xi32>
      %jit3A = arith.constant 0.000000e+00 : f32
      %broadcast_in_dim3A = vector.broadcast %jit3A : f32 to vector<16xf32>
      %select_n3A = arith.select %eq3A_12, %get3A_10, %broadcast_in_dim3A : vector<16xi1>, vector<16xf32>
      %reduce_sum3A = arith.constant true
      %reduce_sum3A_13 = vector.broadcast %reduce_sum3A : i1 to vector<16xi1>
      %reduce_sum3A_14 = tpu.scan <sum>, %select_n3A masked %reduce_sum3A_13 : vector<16xf32>, vector<16xi1> -> vector<16xf32>
      %reduce_sum3A_15 = vector.extract %reduce_sum3A_14[15] : f32 from vector<16xf32>
      %broadcast_in_dim3A_16 = vector.broadcast %reduce_sum3A_15 : f32 to vector<16xf32>
      %parallel_loop3A = arith.constant 0 : i32
      %parallel_loop3A_17 = arith.constant 256 : i32
      %parallel_loop3A_18 = arith.constant 1 : i32
      scf.for %parallel_loop3A_378 = %parallel_loop3A to %parallel_loop3A_17 step %parallel_loop3A_18  : i32 {
        %parallel_loop3A_379 = arith.constant 16 : i32
        %parallel_loop3A_380 = arith.muli %parallel_loop3A_378, %parallel_loop3A_379 : i32
        %parallel_loop3A_381 = arith.constant 4096 : i32
        %parallel_loop3A_382 = arith.addi %parallel_loop3A_381, %parallel_loop3A_380 : i32
        %parallel_loop3A_383 = arith.index_cast %parallel_loop3A_382 : i32 to index
        %parallel_loop3A_384 = tpu.vector_load %arg6[%parallel_loop3A_383] {strides = array<i32>} : memref<8192xf32, #tpu.memory_space<vmem>>, vector<16xf32>,
        tpu.vector_store %arg6[%parallel_loop3A_383], %broadcast_in_dim3A_16 {strides = array<i32>} : memref<8192xf32, #tpu.memory_space<vmem>>, vector<16xf32>,
      } {sc.loop_unroll_factor = 4 : i64, sc.parallel_access}
      %get3A_19 = arith.constant 0 : index
      %get3A_20 = tpu.vector_load %arg7[%get3A_19] {strides = array<i32>} : memref<16xf32, #tpu.memory_space<vmem>>, vector<16xf32>,
      %get3A_21 = arith.constant 0 : index
      %get3A_22 = tpu.vector_load %arg8[%get3A_21] {strides = array<i32>} : memref<16xi32, #tpu.memory_space<vmem>>, vector<16xi32>,
      %eq3A_23 = arith.constant 0 : i32
      %eq3A_24 = vector.broadcast %eq3A_23 : i32 to vector<16xi32>
      %eq3A_25 = arith.cmpi eq, %iota3A, %eq3A_24 : vector<16xi32>
      %jit3A_26 = arith.constant 0.000000e+00 : f32
      %broadcast_in_dim3A_27 = vector.broadcast %jit3A_26 : f32 to vector<16xf32>
      %select_n3A_28 = arith.select %eq3A_25, %get3A_20, %broadcast_in_dim3A_27 : vector<16xi1>, vector<16xf32>
      %reduce_sum3A_29 = arith.constant true
      %reduce_sum3A_30 = vector.broadcast %reduce_sum3A_29 : i1 to vector<16xi1>
      %reduce_sum3A_31 = tpu.scan <sum>, %select_n3A_28 masked %reduce_sum3A_30 : vector<16xf32>, vector<16xi1> -> vector<16xf32>
      %reduce_sum3A_32 = vector.extract %reduce_sum3A_31[15] : f32 from vector<16xf32>
      %broadcast_in_dim3A_33 = vector.broadcast %reduce_sum3A_32 : f32 to vector<16xf32>
      %eq3A_34 = arith.constant 1 : i32
      %eq3A_35 = vector.broadcast %eq3A_34 : i32 to vector<16xi32>
      %eq3A_36 = arith.cmpi eq, %iota3A, %eq3A_35 : vector<16xi32>
      %jit3A_37 = arith.constant 0.000000e+00 : f32
      %broadcast_in_dim3A_38 = vector.broadcast %jit3A_37 : f32 to vector<16xf32>
      %select_n3A_39 = arith.select %eq3A_36, %get3A_20, %broadcast_in_dim3A_38 : vector<16xi1>, vector<16xf32>
      %reduce_sum3A_40 = arith.constant true
      %reduce_sum3A_41 = vector.broadcast %reduce_sum3A_40 : i1 to vector<16xi1>
      %reduce_sum3A_42 = tpu.scan <sum>, %select_n3A_39 masked %reduce_sum3A_41 : vector<16xf32>, vector<16xi1> -> vector<16xf32>
      %reduce_sum3A_43 = vector.extract %reduce_sum3A_42[15] : f32 from vector<16xf32>
      %broadcast_in_dim3A_44 = vector.broadcast %reduce_sum3A_43 : f32 to vector<16xf32>
      %eq3A_45 = arith.constant 2 : i32
      %eq3A_46 = vector.broadcast %eq3A_45 : i32 to vector<16xi32>
      %eq3A_47 = arith.cmpi eq, %iota3A, %eq3A_46 : vector<16xi32>
      %jit3A_48 = arith.constant 0.000000e+00 : f32
      %broadcast_in_dim3A_49 = vector.broadcast %jit3A_48 : f32 to vector<16xf32>
      %select_n3A_50 = arith.select %eq3A_47, %get3A_20, %broadcast_in_dim3A_49 : vector<16xi1>, vector<16xf32>
      %reduce_sum3A_51 = arith.constant true
      %reduce_sum3A_52 = vector.broadcast %reduce_sum3A_51 : i1 to vector<16xi1>
      %reduce_sum3A_53 = tpu.scan <sum>, %select_n3A_50 masked %reduce_sum3A_52 : vector<16xf32>, vector<16xi1> -> vector<16xf32>
      %reduce_sum3A_54 = vector.extract %reduce_sum3A_53[15] : f32 from vector<16xf32>
      %broadcast_in_dim3A_55 = vector.broadcast %reduce_sum3A_54 : f32 to vector<16xf32>
      %eq3A_56 = arith.constant 3 : i32
      %eq3A_57 = vector.broadcast %eq3A_56 : i32 to vector<16xi32>
      %eq3A_58 = arith.cmpi eq, %iota3A, %eq3A_57 : vector<16xi32>
      %jit3A_59 = arith.constant 0.000000e+00 : f32
      %broadcast_in_dim3A_60 = vector.broadcast %jit3A_59 : f32 to vector<16xf32>
      %select_n3A_61 = arith.select %eq3A_58, %get3A_20, %broadcast_in_dim3A_60 : vector<16xi1>, vector<16xf32>
      %reduce_sum3A_62 = arith.constant true
      %reduce_sum3A_63 = vector.broadcast %reduce_sum3A_62 : i1 to vector<16xi1>
      %reduce_sum3A_64 = tpu.scan <sum>, %select_n3A_61 masked %reduce_sum3A_63 : vector<16xf32>, vector<16xi1> -> vector<16xf32>
      %reduce_sum3A_65 = vector.extract %reduce_sum3A_64[15] : f32 from vector<16xf32>
      %broadcast_in_dim3A_66 = vector.broadcast %reduce_sum3A_65 : f32 to vector<16xf32>
      %eq3A_67 = arith.constant 4 : i32
      %eq3A_68 = vector.broadcast %eq3A_67 : i32 to vector<16xi32>
      %eq3A_69 = arith.cmpi eq, %iota3A, %eq3A_68 : vector<16xi32>
      %jit3A_70 = arith.constant 0.000000e+00 : f32
      %broadcast_in_dim3A_71 = vector.broadcast %jit3A_70 : f32 to vector<16xf32>
      %select_n3A_72 = arith.select %eq3A_69, %get3A_20, %broadcast_in_dim3A_71 : vector<16xi1>, vector<16xf32>
      %reduce_sum3A_73 = arith.constant true
      %reduce_sum3A_74 = vector.broadcast %reduce_sum3A_73 : i1 to vector<16xi1>
      %reduce_sum3A_75 = tpu.scan <sum>, %select_n3A_72 masked %reduce_sum3A_74 : vector<16xf32>, vector<16xi1> -> vector<16xf32>
      %reduce_sum3A_76 = vector.extract %reduce_sum3A_75[15] : f32 from vector<16xf32>
      %broadcast_in_dim3A_77 = vector.broadcast %reduce_sum3A_76 : f32 to vector<16xf32>
      %eq3A_78 = arith.constant 5 : i32
      %eq3A_79 = vector.broadcast %eq3A_78 : i32 to vector<16xi32>
      %eq3A_80 = arith.cmpi eq, %iota3A, %eq3A_79 : vector<16xi32>
      %jit3A_81 = arith.constant 0.000000e+00 : f32
      %broadcast_in_dim3A_82 = vector.broadcast %jit3A_81 : f32 to vector<16xf32>
      %select_n3A_83 = arith.select %eq3A_80, %get3A_20, %broadcast_in_dim3A_82 : vector<16xi1>, vector<16xf32>
      %reduce_sum3A_84 = arith.constant true
      %reduce_sum3A_85 = vector.broadcast %reduce_sum3A_84 : i1 to vector<16xi1>
      %reduce_sum3A_86 = tpu.scan <sum>, %select_n3A_83 masked %reduce_sum3A_85 : vector<16xf32>, vector<16xi1> -> vector<16xf32>
      %reduce_sum3A_87 = vector.extract %reduce_sum3A_86[15] : f32 from vector<16xf32>
      %broadcast_in_dim3A_88 = vector.broadcast %reduce_sum3A_87 : f32 to vector<16xf32>
      %eq3A_89 = arith.constant 6 : i32
      %eq3A_90 = vector.broadcast %eq3A_89 : i32 to vector<16xi32>
      %eq3A_91 = arith.cmpi eq, %iota3A, %eq3A_90 : vector<16xi32>
      %jit3A_92 = arith.constant 0.000000e+00 : f32
      %broadcast_in_dim3A_93 = vector.broadcast %jit3A_92 : f32 to vector<16xf32>
      %select_n3A_94 = arith.select %eq3A_91, %get3A_20, %broadcast_in_dim3A_93 : vector<16xi1>, vector<16xf32>
      %reduce_sum3A_95 = arith.constant true
      %reduce_sum3A_96 = vector.broadcast %reduce_sum3A_95 : i1 to vector<16xi1>
      %reduce_sum3A_97 = tpu.scan <sum>, %select_n3A_94 masked %reduce_sum3A_96 : vector<16xf32>, vector<16xi1> -> vector<16xf32>
      %reduce_sum3A_98 = vector.extract %reduce_sum3A_97[15] : f32 from vector<16xf32>
      %broadcast_in_dim3A_99 = vector.broadcast %reduce_sum3A_98 : f32 to vector<16xf32>
      %eq3A_100 = arith.constant 7 : i32
      %eq3A_101 = vector.broadcast %eq3A_100 : i32 to vector<16xi32>
      %eq3A_102 = arith.cmpi eq, %iota3A, %eq3A_101 : vector<16xi32>
      %jit3A_103 = arith.constant 0.000000e+00 : f32
      %broadcast_in_dim3A_104 = vector.broadcast %jit3A_103 : f32 to vector<16xf32>
      %select_n3A_105 = arith.select %eq3A_102, %get3A_20, %broadcast_in_dim3A_104 : vector<16xi1>, vector<16xf32>
      %reduce_sum3A_106 = arith.constant true
      %reduce_sum3A_107 = vector.broadcast %reduce_sum3A_106 : i1 to vector<16xi1>
      %reduce_sum3A_108 = tpu.scan <sum>, %select_n3A_105 masked %reduce_sum3A_107 : vector<16xf32>, vector<16xi1> -> vector<16xf32>
      %reduce_sum3A_109 = vector.extract %reduce_sum3A_108[15] : f32 from vector<16xf32>
      %broadcast_in_dim3A_110 = vector.broadcast %reduce_sum3A_109 : f32 to vector<16xf32>
      %eq3A_111 = arith.constant 8 : i32
      %eq3A_112 = vector.broadcast %eq3A_111 : i32 to vector<16xi32>
      %eq3A_113 = arith.cmpi eq, %iota3A, %eq3A_112 : vector<16xi32>
      %jit3A_114 = arith.constant 0.000000e+00 : f32
      %broadcast_in_dim3A_115 = vector.broadcast %jit3A_114 : f32 to vector<16xf32>
      %select_n3A_116 = arith.select %eq3A_113, %get3A_20, %broadcast_in_dim3A_115 : vector<16xi1>, vector<16xf32>
      %reduce_sum3A_117 = arith.constant true
      %reduce_sum3A_118 = vector.broadcast %reduce_sum3A_117 : i1 to vector<16xi1>
      %reduce_sum3A_119 = tpu.scan <sum>, %select_n3A_116 masked %reduce_sum3A_118 : vector<16xf32>, vector<16xi1> -> vector<16xf32>
      %reduce_sum3A_120 = vector.extract %reduce_sum3A_119[15] : f32 from vector<16xf32>
      %broadcast_in_dim3A_121 = vector.broadcast %reduce_sum3A_120 : f32 to vector<16xf32>
      %eq3A_122 = arith.constant 9 : i32
      %eq3A_123 = vector.broadcast %eq3A_122 : i32 to vector<16xi32>
      %eq3A_124 = arith.cmpi eq, %iota3A, %eq3A_123 : vector<16xi32>
      %jit3A_125 = arith.constant 0.000000e+00 : f32
      %broadcast_in_dim3A_126 = vector.broadcast %jit3A_125 : f32 to vector<16xf32>
      %select_n3A_127 = arith.select %eq3A_124, %get3A_20, %broadcast_in_dim3A_126 : vector<16xi1>, vector<16xf32>
      %reduce_sum3A_128 = arith.constant true
      %reduce_sum3A_129 = vector.broadcast %reduce_sum3A_128 : i1 to vector<16xi1>
      %reduce_sum3A_130 = tpu.scan <sum>, %select_n3A_127 masked %reduce_sum3A_129 : vector<16xf32>, vector<16xi1> -> vector<16xf32>
      %reduce_sum3A_131 = vector.extract %reduce_sum3A_130[15] : f32 from vector<16xf32>
      %broadcast_in_dim3A_132 = vector.broadcast %reduce_sum3A_131 : f32 to vector<16xf32>
      %eq3A_133 = arith.constant 10 : i32
      %eq3A_134 = vector.broadcast %eq3A_133 : i32 to vector<16xi32>
      %eq3A_135 = arith.cmpi eq, %iota3A, %eq3A_134 : vector<16xi32>
      %jit3A_136 = arith.constant 0.000000e+00 : f32
      %broadcast_in_dim3A_137 = vector.broadcast %jit3A_136 : f32 to vector<16xf32>
      %select_n3A_138 = arith.select %eq3A_135, %get3A_20, %broadcast_in_dim3A_137 : vector<16xi1>, vector<16xf32>
      %reduce_sum3A_139 = arith.constant true
      %reduce_sum3A_140 = vector.broadcast %reduce_sum3A_139 : i1 to vector<16xi1>
      %reduce_sum3A_141 = tpu.scan <sum>, %select_n3A_138 masked %reduce_sum3A_140 : vector<16xf32>, vector<16xi1> -> vector<16xf32>
      %reduce_sum3A_142 = vector.extract %reduce_sum3A_141[15] : f32 from vector<16xf32>
      %broadcast_in_dim3A_143 = vector.broadcast %reduce_sum3A_142 : f32 to vector<16xf32>
      %eq3A_144 = arith.constant 11 : i32
      %eq3A_145 = vector.broadcast %eq3A_144 : i32 to vector<16xi32>
      %eq3A_146 = arith.cmpi eq, %iota3A, %eq3A_145 : vector<16xi32>
      %jit3A_147 = arith.constant 0.000000e+00 : f32
      %broadcast_in_dim3A_148 = vector.broadcast %jit3A_147 : f32 to vector<16xf32>
      %select_n3A_149 = arith.select %eq3A_146, %get3A_20, %broadcast_in_dim3A_148 : vector<16xi1>, vector<16xf32>
      %reduce_sum3A_150 = arith.constant true
      %reduce_sum3A_151 = vector.broadcast %reduce_sum3A_150 : i1 to vector<16xi1>
      %reduce_sum3A_152 = tpu.scan <sum>, %select_n3A_149 masked %reduce_sum3A_151 : vector<16xf32>, vector<16xi1> -> vector<16xf32>
      %reduce_sum3A_153 = vector.extract %reduce_sum3A_152[15] : f32 from vector<16xf32>
      %broadcast_in_dim3A_154 = vector.broadcast %reduce_sum3A_153 : f32 to vector<16xf32>
      %eq3A_155 = arith.constant 12 : i32
      %eq3A_156 = vector.broadcast %eq3A_155 : i32 to vector<16xi32>
      %eq3A_157 = arith.cmpi eq, %iota3A, %eq3A_156 : vector<16xi32>
      %jit3A_158 = arith.constant 0.000000e+00 : f32
      %broadcast_in_dim3A_159 = vector.broadcast %jit3A_158 : f32 to vector<16xf32>
      %select_n3A_160 = arith.select %eq3A_157, %get3A_20, %broadcast_in_dim3A_159 : vector<16xi1>, vector<16xf32>
      %reduce_sum3A_161 = arith.constant true
      %reduce_sum3A_162 = vector.broadcast %reduce_sum3A_161 : i1 to vector<16xi1>
      %reduce_sum3A_163 = tpu.scan <sum>, %select_n3A_160 masked %reduce_sum3A_162 : vector<16xf32>, vector<16xi1> -> vector<16xf32>
      %reduce_sum3A_164 = vector.extract %reduce_sum3A_163[15] : f32 from vector<16xf32>
      %broadcast_in_dim3A_165 = vector.broadcast %reduce_sum3A_164 : f32 to vector<16xf32>
      %eq3A_166 = arith.constant 13 : i32
      %eq3A_167 = vector.broadcast %eq3A_166 : i32 to vector<16xi32>
      %eq3A_168 = arith.cmpi eq, %iota3A, %eq3A_167 : vector<16xi32>
      %jit3A_169 = arith.constant 0.000000e+00 : f32
      %broadcast_in_dim3A_170 = vector.broadcast %jit3A_169 : f32 to vector<16xf32>
      %select_n3A_171 = arith.select %eq3A_168, %get3A_20, %broadcast_in_dim3A_170 : vector<16xi1>, vector<16xf32>
      %reduce_sum3A_172 = arith.constant true
      %reduce_sum3A_173 = vector.broadcast %reduce_sum3A_172 : i1 to vector<16xi1>
      %reduce_sum3A_174 = tpu.scan <sum>, %select_n3A_171 masked %reduce_sum3A_173 : vector<16xf32>, vector<16xi1> -> vector<16xf32>
      %reduce_sum3A_175 = vector.extract %reduce_sum3A_174[15] : f32 from vector<16xf32>
      %broadcast_in_dim3A_176 = vector.broadcast %reduce_sum3A_175 : f32 to vector<16xf32>
      %eq3A_177 = arith.constant 14 : i32
      %eq3A_178 = vector.broadcast %eq3A_177 : i32 to vector<16xi32>
      %eq3A_179 = arith.cmpi eq, %iota3A, %eq3A_178 : vector<16xi32>
      %jit3A_180 = arith.constant 0.000000e+00 : f32
      %broadcast_in_dim3A_181 = vector.broadcast %jit3A_180 : f32 to vector<16xf32>
      %select_n3A_182 = arith.select %eq3A_179, %get3A_20, %broadcast_in_dim3A_181 : vector<16xi1>, vector<16xf32>
      %reduce_sum3A_183 = arith.constant true
      %reduce_sum3A_184 = vector.broadcast %reduce_sum3A_183 : i1 to vector<16xi1>
      %reduce_sum3A_185 = tpu.scan <sum>, %select_n3A_182 masked %reduce_sum3A_184 : vector<16xf32>, vector<16xi1> -> vector<16xf32>
      %reduce_sum3A_186 = vector.extract %reduce_sum3A_185[15] : f32 from vector<16xf32>
      %broadcast_in_dim3A_187 = vector.broadcast %reduce_sum3A_186 : f32 to vector<16xf32>
      %eq3A_188 = arith.constant 15 : i32
      %eq3A_189 = vector.broadcast %eq3A_188 : i32 to vector<16xi32>
      %eq3A_190 = arith.cmpi eq, %iota3A, %eq3A_189 : vector<16xi32>
      %jit3A_191 = arith.constant 0.000000e+00 : f32
      %broadcast_in_dim3A_192 = vector.broadcast %jit3A_191 : f32 to vector<16xf32>
      %select_n3A_193 = arith.select %eq3A_190, %get3A_20, %broadcast_in_dim3A_192 : vector<16xi1>, vector<16xf32>
      %reduce_sum3A_194 = arith.constant true
      %reduce_sum3A_195 = vector.broadcast %reduce_sum3A_194 : i1 to vector<16xi1>
      %reduce_sum3A_196 = tpu.scan <sum>, %select_n3A_193 masked %reduce_sum3A_195 : vector<16xf32>, vector<16xi1> -> vector<16xf32>
      %reduce_sum3A_197 = vector.extract %reduce_sum3A_196[15] : f32 from vector<16xf32>
      %broadcast_in_dim3A_198 = vector.broadcast %reduce_sum3A_197 : f32 to vector<16xf32>
      %eq3A_199 = arith.constant 0 : i32
      %eq3A_200 = vector.broadcast %eq3A_199 : i32 to vector<16xi32>
      %eq3A_201 = arith.cmpi eq, %iota3A, %eq3A_200 : vector<16xi32>
      %jit3A_202 = arith.constant 0 : i32
      %broadcast_in_dim3A_203 = vector.broadcast %jit3A_202 : i32 to vector<16xi32>
      %select_n3A_204 = arith.select %eq3A_201, %get3A_22, %broadcast_in_dim3A_203 : vector<16xi1>, vector<16xi32>
      %reduce_sum3A_205 = arith.constant true
      %reduce_sum3A_206 = vector.broadcast %reduce_sum3A_205 : i1 to vector<16xi1>
      %reduce_sum3A_207 = tpu.scan <sum>, %select_n3A_204 masked %reduce_sum3A_206 : vector<16xi32>, vector<16xi1> -> vector<16xi32>
      %reduce_sum3A_208 = vector.extract %reduce_sum3A_207[15] : i32 from vector<16xi32>
      %broadcast_in_dim3A_209 = vector.broadcast %reduce_sum3A_208 : i32 to vector<16xi32>
      %eq3A_210 = arith.constant 1 : i32
      %eq3A_211 = vector.broadcast %eq3A_210 : i32 to vector<16xi32>
      %eq3A_212 = arith.cmpi eq, %iota3A, %eq3A_211 : vector<16xi32>
      %jit3A_213 = arith.constant 0 : i32
      %broadcast_in_dim3A_214 = vector.broadcast %jit3A_213 : i32 to vector<16xi32>
      %select_n3A_215 = arith.select %eq3A_212, %get3A_22, %broadcast_in_dim3A_214 : vector<16xi1>, vector<16xi32>
      %reduce_sum3A_216 = arith.constant true
      %reduce_sum3A_217 = vector.broadcast %reduce_sum3A_216 : i1 to vector<16xi1>
      %reduce_sum3A_218 = tpu.scan <sum>, %select_n3A_215 masked %reduce_sum3A_217 : vector<16xi32>, vector<16xi1> -> vector<16xi32>
      %reduce_sum3A_219 = vector.extract %reduce_sum3A_218[15] : i32 from vector<16xi32>
      %broadcast_in_dim3A_220 = vector.broadcast %reduce_sum3A_219 : i32 to vector<16xi32>
      %eq3A_221 = arith.constant 2 : i32
      %eq3A_222 = vector.broadcast %eq3A_221 : i32 to vector<16xi32>
      %eq3A_223 = arith.cmpi eq, %iota3A, %eq3A_222 : vector<16xi32>
      %jit3A_224 = arith.constant 0 : i32
      %broadcast_in_dim3A_225 = vector.broadcast %jit3A_224 : i32 to vector<16xi32>
      %select_n3A_226 = arith.select %eq3A_223, %get3A_22, %broadcast_in_dim3A_225 : vector<16xi1>, vector<16xi32>
      %reduce_sum3A_227 = arith.constant true
      %reduce_sum3A_228 = vector.broadcast %reduce_sum3A_227 : i1 to vector<16xi1>
      %reduce_sum3A_229 = tpu.scan <sum>, %select_n3A_226 masked %reduce_sum3A_228 : vector<16xi32>, vector<16xi1> -> vector<16xi32>
      %reduce_sum3A_230 = vector.extract %reduce_sum3A_229[15] : i32 from vector<16xi32>
      %broadcast_in_dim3A_231 = vector.broadcast %reduce_sum3A_230 : i32 to vector<16xi32>
      %eq3A_232 = arith.constant 3 : i32
      %eq3A_233 = vector.broadcast %eq3A_232 : i32 to vector<16xi32>
      %eq3A_234 = arith.cmpi eq, %iota3A, %eq3A_233 : vector<16xi32>
      %jit3A_235 = arith.constant 0 : i32
      %broadcast_in_dim3A_236 = vector.broadcast %jit3A_235 : i32 to vector<16xi32>
      %select_n3A_237 = arith.select %eq3A_234, %get3A_22, %broadcast_in_dim3A_236 : vector<16xi1>, vector<16xi32>
      %reduce_sum3A_238 = arith.constant true
      %reduce_sum3A_239 = vector.broadcast %reduce_sum3A_238 : i1 to vector<16xi1>
      %reduce_sum3A_240 = tpu.scan <sum>, %select_n3A_237 masked %reduce_sum3A_239 : vector<16xi32>, vector<16xi1> -> vector<16xi32>
      %reduce_sum3A_241 = vector.extract %reduce_sum3A_240[15] : i32 from vector<16xi32>
      %broadcast_in_dim3A_242 = vector.broadcast %reduce_sum3A_241 : i32 to vector<16xi32>
      %eq3A_243 = arith.constant 4 : i32
      %eq3A_244 = vector.broadcast %eq3A_243 : i32 to vector<16xi32>
      %eq3A_245 = arith.cmpi eq, %iota3A, %eq3A_244 : vector<16xi32>
      %jit3A_246 = arith.constant 0 : i32
      %broadcast_in_dim3A_247 = vector.broadcast %jit3A_246 : i32 to vector<16xi32>
      %select_n3A_248 = arith.select %eq3A_245, %get3A_22, %broadcast_in_dim3A_247 : vector<16xi1>, vector<16xi32>
      %reduce_sum3A_249 = arith.constant true
      %reduce_sum3A_250 = vector.broadcast %reduce_sum3A_249 : i1 to vector<16xi1>
      %reduce_sum3A_251 = tpu.scan <sum>, %select_n3A_248 masked %reduce_sum3A_250 : vector<16xi32>, vector<16xi1> -> vector<16xi32>
      %reduce_sum3A_252 = vector.extract %reduce_sum3A_251[15] : i32 from vector<16xi32>
      %broadcast_in_dim3A_253 = vector.broadcast %reduce_sum3A_252 : i32 to vector<16xi32>
      %eq3A_254 = arith.constant 5 : i32
      %eq3A_255 = vector.broadcast %eq3A_254 : i32 to vector<16xi32>
      %eq3A_256 = arith.cmpi eq, %iota3A, %eq3A_255 : vector<16xi32>
      %jit3A_257 = arith.constant 0 : i32
      %broadcast_in_dim3A_258 = vector.broadcast %jit3A_257 : i32 to vector<16xi32>
      %select_n3A_259 = arith.select %eq3A_256, %get3A_22, %broadcast_in_dim3A_258 : vector<16xi1>, vector<16xi32>
      %reduce_sum3A_260 = arith.constant true
      %reduce_sum3A_261 = vector.broadcast %reduce_sum3A_260 : i1 to vector<16xi1>
      %reduce_sum3A_262 = tpu.scan <sum>, %select_n3A_259 masked %reduce_sum3A_261 : vector<16xi32>, vector<16xi1> -> vector<16xi32>
      %reduce_sum3A_263 = vector.extract %reduce_sum3A_262[15] : i32 from vector<16xi32>
      %broadcast_in_dim3A_264 = vector.broadcast %reduce_sum3A_263 : i32 to vector<16xi32>
      %eq3A_265 = arith.constant 6 : i32
      %eq3A_266 = vector.broadcast %eq3A_265 : i32 to vector<16xi32>
      %eq3A_267 = arith.cmpi eq, %iota3A, %eq3A_266 : vector<16xi32>
      %jit3A_268 = arith.constant 0 : i32
      %broadcast_in_dim3A_269 = vector.broadcast %jit3A_268 : i32 to vector<16xi32>
      %select_n3A_270 = arith.select %eq3A_267, %get3A_22, %broadcast_in_dim3A_269 : vector<16xi1>, vector<16xi32>
      %reduce_sum3A_271 = arith.constant true
      %reduce_sum3A_272 = vector.broadcast %reduce_sum3A_271 : i1 to vector<16xi1>
      %reduce_sum3A_273 = tpu.scan <sum>, %select_n3A_270 masked %reduce_sum3A_272 : vector<16xi32>, vector<16xi1> -> vector<16xi32>
      %reduce_sum3A_274 = vector.extract %reduce_sum3A_273[15] : i32 from vector<16xi32>
      %broadcast_in_dim3A_275 = vector.broadcast %reduce_sum3A_274 : i32 to vector<16xi32>
      %eq3A_276 = arith.constant 7 : i32
      %eq3A_277 = vector.broadcast %eq3A_276 : i32 to vector<16xi32>
      %eq3A_278 = arith.cmpi eq, %iota3A, %eq3A_277 : vector<16xi32>
      %jit3A_279 = arith.constant 0 : i32
      %broadcast_in_dim3A_280 = vector.broadcast %jit3A_279 : i32 to vector<16xi32>
      %select_n3A_281 = arith.select %eq3A_278, %get3A_22, %broadcast_in_dim3A_280 : vector<16xi1>, vector<16xi32>
      %reduce_sum3A_282 = arith.constant true
      %reduce_sum3A_283 = vector.broadcast %reduce_sum3A_282 : i1 to vector<16xi1>
      %reduce_sum3A_284 = tpu.scan <sum>, %select_n3A_281 masked %reduce_sum3A_283 : vector<16xi32>, vector<16xi1> -> vector<16xi32>
      %reduce_sum3A_285 = vector.extract %reduce_sum3A_284[15] : i32 from vector<16xi32>
      %broadcast_in_dim3A_286 = vector.broadcast %reduce_sum3A_285 : i32 to vector<16xi32>
      %eq3A_287 = arith.constant 8 : i32
      %eq3A_288 = vector.broadcast %eq3A_287 : i32 to vector<16xi32>
      %eq3A_289 = arith.cmpi eq, %iota3A, %eq3A_288 : vector<16xi32>
      %jit3A_290 = arith.constant 0 : i32
      %broadcast_in_dim3A_291 = vector.broadcast %jit3A_290 : i32 to vector<16xi32>
      %select_n3A_292 = arith.select %eq3A_289, %get3A_22, %broadcast_in_dim3A_291 : vector<16xi1>, vector<16xi32>
      %reduce_sum3A_293 = arith.constant true
      %reduce_sum3A_294 = vector.broadcast %reduce_sum3A_293 : i1 to vector<16xi1>
      %reduce_sum3A_295 = tpu.scan <sum>, %select_n3A_292 masked %reduce_sum3A_294 : vector<16xi32>, vector<16xi1> -> vector<16xi32>
      %reduce_sum3A_296 = vector.extract %reduce_sum3A_295[15] : i32 from vector<16xi32>
      %broadcast_in_dim3A_297 = vector.broadcast %reduce_sum3A_296 : i32 to vector<16xi32>
      %eq3A_298 = arith.constant 9 : i32
      %eq3A_299 = vector.broadcast %eq3A_298 : i32 to vector<16xi32>
      %eq3A_300 = arith.cmpi eq, %iota3A, %eq3A_299 : vector<16xi32>
      %jit3A_301 = arith.constant 0 : i32
      %broadcast_in_dim3A_302 = vector.broadcast %jit3A_301 : i32 to vector<16xi32>
      %select_n3A_303 = arith.select %eq3A_300, %get3A_22, %broadcast_in_dim3A_302 : vector<16xi1>, vector<16xi32>
      %reduce_sum3A_304 = arith.constant true
      %reduce_sum3A_305 = vector.broadcast %reduce_sum3A_304 : i1 to vector<16xi1>
      %reduce_sum3A_306 = tpu.scan <sum>, %select_n3A_303 masked %reduce_sum3A_305 : vector<16xi32>, vector<16xi1> -> vector<16xi32>
      %reduce_sum3A_307 = vector.extract %reduce_sum3A_306[15] : i32 from vector<16xi32>
      %broadcast_in_dim3A_308 = vector.broadcast %reduce_sum3A_307 : i32 to vector<16xi32>
      %eq3A_309 = arith.constant 10 : i32
      %eq3A_310 = vector.broadcast %eq3A_309 : i32 to vector<16xi32>
      %eq3A_311 = arith.cmpi eq, %iota3A, %eq3A_310 : vector<16xi32>
      %jit3A_312 = arith.constant 0 : i32
      %broadcast_in_dim3A_313 = vector.broadcast %jit3A_312 : i32 to vector<16xi32>
      %select_n3A_314 = arith.select %eq3A_311, %get3A_22, %broadcast_in_dim3A_313 : vector<16xi1>, vector<16xi32>
      %reduce_sum3A_315 = arith.constant true
      %reduce_sum3A_316 = vector.broadcast %reduce_sum3A_315 : i1 to vector<16xi1>
      %reduce_sum3A_317 = tpu.scan <sum>, %select_n3A_314 masked %reduce_sum3A_316 : vector<16xi32>, vector<16xi1> -> vector<16xi32>
      %reduce_sum3A_318 = vector.extract %reduce_sum3A_317[15] : i32 from vector<16xi32>
      %broadcast_in_dim3A_319 = vector.broadcast %reduce_sum3A_318 : i32 to vector<16xi32>
      %eq3A_320 = arith.constant 11 : i32
      %eq3A_321 = vector.broadcast %eq3A_320 : i32 to vector<16xi32>
      %eq3A_322 = arith.cmpi eq, %iota3A, %eq3A_321 : vector<16xi32>
      %jit3A_323 = arith.constant 0 : i32
      %broadcast_in_dim3A_324 = vector.broadcast %jit3A_323 : i32 to vector<16xi32>
      %select_n3A_325 = arith.select %eq3A_322, %get3A_22, %broadcast_in_dim3A_324 : vector<16xi1>, vector<16xi32>
      %reduce_sum3A_326 = arith.constant true
      %reduce_sum3A_327 = vector.broadcast %reduce_sum3A_326 : i1 to vector<16xi1>
      %reduce_sum3A_328 = tpu.scan <sum>, %select_n3A_325 masked %reduce_sum3A_327 : vector<16xi32>, vector<16xi1> -> vector<16xi32>
      %reduce_sum3A_329 = vector.extract %reduce_sum3A_328[15] : i32 from vector<16xi32>
      %broadcast_in_dim3A_330 = vector.broadcast %reduce_sum3A_329 : i32 to vector<16xi32>
      %eq3A_331 = arith.constant 12 : i32
      %eq3A_332 = vector.broadcast %eq3A_331 : i32 to vector<16xi32>
      %eq3A_333 = arith.cmpi eq, %iota3A, %eq3A_332 : vector<16xi32>
      %jit3A_334 = arith.constant 0 : i32
      %broadcast_in_dim3A_335 = vector.broadcast %jit3A_334 : i32 to vector<16xi32>
      %select_n3A_336 = arith.select %eq3A_333, %get3A_22, %broadcast_in_dim3A_335 : vector<16xi1>, vector<16xi32>
      %reduce_sum3A_337 = arith.constant true
      %reduce_sum3A_338 = vector.broadcast %reduce_sum3A_337 : i1 to vector<16xi1>
      %reduce_sum3A_339 = tpu.scan <sum>, %select_n3A_336 masked %reduce_sum3A_338 : vector<16xi32>, vector<16xi1> -> vector<16xi32>
      %reduce_sum3A_340 = vector.extract %reduce_sum3A_339[15] : i32 from vector<16xi32>
      %broadcast_in_dim3A_341 = vector.broadcast %reduce_sum3A_340 : i32 to vector<16xi32>
      %eq3A_342 = arith.constant 13 : i32
      %eq3A_343 = vector.broadcast %eq3A_342 : i32 to vector<16xi32>
      %eq3A_344 = arith.cmpi eq, %iota3A, %eq3A_343 : vector<16xi32>
      %jit3A_345 = arith.constant 0 : i32
      %broadcast_in_dim3A_346 = vector.broadcast %jit3A_345 : i32 to vector<16xi32>
      %select_n3A_347 = arith.select %eq3A_344, %get3A_22, %broadcast_in_dim3A_346 : vector<16xi1>, vector<16xi32>
      %reduce_sum3A_348 = arith.constant true
      %reduce_sum3A_349 = vector.broadcast %reduce_sum3A_348 : i1 to vector<16xi1>
      %reduce_sum3A_350 = tpu.scan <sum>, %select_n3A_347 masked %reduce_sum3A_349 : vector<16xi32>, vector<16xi1> -> vector<16xi32>
      %reduce_sum3A_351 = vector.extract %reduce_sum3A_350[15] : i32 from vector<16xi32>
      %broadcast_in_dim3A_352 = vector.broadcast %reduce_sum3A_351 : i32 to vector<16xi32>
      %eq3A_353 = arith.constant 14 : i32
      %eq3A_354 = vector.broadcast %eq3A_353 : i32 to vector<16xi32>
      %eq3A_355 = arith.cmpi eq, %iota3A, %eq3A_354 : vector<16xi32>
      %jit3A_356 = arith.constant 0 : i32
      %broadcast_in_dim3A_357 = vector.broadcast %jit3A_356 : i32 to vector<16xi32>
      %select_n3A_358 = arith.select %eq3A_355, %get3A_22, %broadcast_in_dim3A_357 : vector<16xi1>, vector<16xi32>
      %reduce_sum3A_359 = arith.constant true
      %reduce_sum3A_360 = vector.broadcast %reduce_sum3A_359 : i1 to vector<16xi1>
      %reduce_sum3A_361 = tpu.scan <sum>, %select_n3A_358 masked %reduce_sum3A_360 : vector<16xi32>, vector<16xi1> -> vector<16xi32>
      %reduce_sum3A_362 = vector.extract %reduce_sum3A_361[15] : i32 from vector<16xi32>
      %broadcast_in_dim3A_363 = vector.broadcast %reduce_sum3A_362 : i32 to vector<16xi32>
      %eq3A_364 = arith.constant 15 : i32
      %eq3A_365 = vector.broadcast %eq3A_364 : i32 to vector<16xi32>
      %eq3A_366 = arith.cmpi eq, %iota3A, %eq3A_365 : vector<16xi32>
      %jit3A_367 = arith.constant 0 : i32
      %broadcast_in_dim3A_368 = vector.broadcast %jit3A_367 : i32 to vector<16xi32>
      %select_n3A_369 = arith.select %eq3A_366, %get3A_22, %broadcast_in_dim3A_368 : vector<16xi1>, vector<16xi32>
      %reduce_sum3A_370 = arith.constant true
      %reduce_sum3A_371 = vector.broadcast %reduce_sum3A_370 : i1 to vector<16xi1>
      %reduce_sum3A_372 = tpu.scan <sum>, %select_n3A_369 masked %reduce_sum3A_371 : vector<16xi32>, vector<16xi1> -> vector<16xi32>
      %reduce_sum3A_373 = vector.extract %reduce_sum3A_372[15] : i32 from vector<16xi32>
      %broadcast_in_dim3A_374 = vector.broadcast %reduce_sum3A_373 : i32 to vector<16xi32>
      %parallel_loop3A_375 = arith.constant 0 : i32
      %parallel_loop3A_376 = arith.constant 256 : i32
      %parallel_loop3A_377 = arith.constant 1 : i32
      scf.for %parallel_loop3A_378 = %parallel_loop3A_375 to %parallel_loop3A_376 step %parallel_loop3A_377  : i32 {
        %parallel_loop3A_379 = arith.constant 16 : i32
        %parallel_loop3A_380 = arith.muli %parallel_loop3A_378, %parallel_loop3A_379 : i32
        %parallel_loop3A_381 = vector.broadcast %parallel_loop3A_380 : i32 to vector<16xi32>
        %parallel_loop3A_382 = arith.addi %iota3A, %parallel_loop3A_381 : vector<16xi32>
        %parallel_loop3A_383 = arith.addi %broadcast_in_dim3A_209, %parallel_loop3A_382 : vector<16xi32>
        %parallel_loop3A_384 = tpu.vector_load_idx %arg6[%parallel_loop3A_383] : memref<8192xf32, #tpu.memory_space<vmem>>[vector<16xi32>], vector<16xf32>,
        %parallel_loop3A_385 = arith.mulf %broadcast_in_dim3A_33, %parallel_loop3A_384 : vector<16xf32>
        %parallel_loop3A_386 = arith.addi %broadcast_in_dim3A_220, %parallel_loop3A_382 : vector<16xi32>
        %parallel_loop3A_387 = tpu.vector_load_idx %arg6[%parallel_loop3A_386] : memref<8192xf32, #tpu.memory_space<vmem>>[vector<16xi32>], vector<16xf32>,
        %parallel_loop3A_388 = arith.mulf %broadcast_in_dim3A_44, %parallel_loop3A_387 : vector<16xf32>
        %parallel_loop3A_389 = arith.addf %parallel_loop3A_385, %parallel_loop3A_388 : vector<16xf32>
        %parallel_loop3A_390 = arith.addi %broadcast_in_dim3A_231, %parallel_loop3A_382 : vector<16xi32>
        %parallel_loop3A_391 = tpu.vector_load_idx %arg6[%parallel_loop3A_390] : memref<8192xf32, #tpu.memory_space<vmem>>[vector<16xi32>], vector<16xf32>,
        %parallel_loop3A_392 = arith.mulf %broadcast_in_dim3A_55, %parallel_loop3A_391 : vector<16xf32>
        %parallel_loop3A_393 = arith.addf %parallel_loop3A_389, %parallel_loop3A_392 : vector<16xf32>
        %parallel_loop3A_394 = arith.addi %broadcast_in_dim3A_242, %parallel_loop3A_382 : vector<16xi32>
        %parallel_loop3A_395 = tpu.vector_load_idx %arg6[%parallel_loop3A_394] : memref<8192xf32, #tpu.memory_space<vmem>>[vector<16xi32>], vector<16xf32>,
        %parallel_loop3A_396 = arith.mulf %broadcast_in_dim3A_66, %parallel_loop3A_395 : vector<16xf32>
        %parallel_loop3A_397 = arith.addf %parallel_loop3A_393, %parallel_loop3A_396 : vector<16xf32>
        %parallel_loop3A_398 = arith.addi %broadcast_in_dim3A_253, %parallel_loop3A_382 : vector<16xi32>
        %parallel_loop3A_399 = tpu.vector_load_idx %arg6[%parallel_loop3A_398] : memref<8192xf32, #tpu.memory_space<vmem>>[vector<16xi32>], vector<16xf32>,
        %parallel_loop3A_400 = arith.mulf %broadcast_in_dim3A_77, %parallel_loop3A_399 : vector<16xf32>
        %parallel_loop3A_401 = arith.addf %parallel_loop3A_397, %parallel_loop3A_400 : vector<16xf32>
        %parallel_loop3A_402 = arith.addi %broadcast_in_dim3A_264, %parallel_loop3A_382 : vector<16xi32>
        %parallel_loop3A_403 = tpu.vector_load_idx %arg6[%parallel_loop3A_402] : memref<8192xf32, #tpu.memory_space<vmem>>[vector<16xi32>], vector<16xf32>,
        %parallel_loop3A_404 = arith.mulf %broadcast_in_dim3A_88, %parallel_loop3A_403 : vector<16xf32>
        %parallel_loop3A_405 = arith.addf %parallel_loop3A_401, %parallel_loop3A_404 : vector<16xf32>
        %parallel_loop3A_406 = arith.addi %broadcast_in_dim3A_275, %parallel_loop3A_382 : vector<16xi32>
        %parallel_loop3A_407 = tpu.vector_load_idx %arg6[%parallel_loop3A_406] : memref<8192xf32, #tpu.memory_space<vmem>>[vector<16xi32>], vector<16xf32>,
        %parallel_loop3A_408 = arith.mulf %broadcast_in_dim3A_99, %parallel_loop3A_407 : vector<16xf32>
        %parallel_loop3A_409 = arith.addf %parallel_loop3A_405, %parallel_loop3A_408 : vector<16xf32>
        %parallel_loop3A_410 = arith.addi %broadcast_in_dim3A_286, %parallel_loop3A_382 : vector<16xi32>
        %parallel_loop3A_411 = tpu.vector_load_idx %arg6[%parallel_loop3A_410] : memref<8192xf32, #tpu.memory_space<vmem>>[vector<16xi32>], vector<16xf32>,
        %parallel_loop3A_412 = arith.mulf %broadcast_in_dim3A_110, %parallel_loop3A_411 : vector<16xf32>
        %parallel_loop3A_413 = arith.addf %parallel_loop3A_409, %parallel_loop3A_412 : vector<16xf32>
        %parallel_loop3A_414 = arith.addi %broadcast_in_dim3A_297, %parallel_loop3A_382 : vector<16xi32>
        %parallel_loop3A_415 = tpu.vector_load_idx %arg6[%parallel_loop3A_414] : memref<8192xf32, #tpu.memory_space<vmem>>[vector<16xi32>], vector<16xf32>,
        %parallel_loop3A_416 = arith.mulf %broadcast_in_dim3A_121, %parallel_loop3A_415 : vector<16xf32>
        %parallel_loop3A_417 = arith.addf %parallel_loop3A_413, %parallel_loop3A_416 : vector<16xf32>
        %parallel_loop3A_418 = arith.addi %broadcast_in_dim3A_308, %parallel_loop3A_382 : vector<16xi32>
        %parallel_loop3A_419 = tpu.vector_load_idx %arg6[%parallel_loop3A_418] : memref<8192xf32, #tpu.memory_space<vmem>>[vector<16xi32>], vector<16xf32>,
        %parallel_loop3A_420 = arith.mulf %broadcast_in_dim3A_132, %parallel_loop3A_419 : vector<16xf32>
        %parallel_loop3A_421 = arith.addf %parallel_loop3A_417, %parallel_loop3A_420 : vector<16xf32>
        %parallel_loop3A_422 = arith.addi %broadcast_in_dim3A_319, %parallel_loop3A_382 : vector<16xi32>
        %parallel_loop3A_423 = tpu.vector_load_idx %arg6[%parallel_loop3A_422] : memref<8192xf32, #tpu.memory_space<vmem>>[vector<16xi32>], vector<16xf32>,
        %parallel_loop3A_424 = arith.mulf %broadcast_in_dim3A_143, %parallel_loop3A_423 : vector<16xf32>
        %parallel_loop3A_425 = arith.addf %parallel_loop3A_421, %parallel_loop3A_424 : vector<16xf32>
        %parallel_loop3A_426 = arith.addi %broadcast_in_dim3A_330, %parallel_loop3A_382 : vector<16xi32>
        %parallel_loop3A_427 = tpu.vector_load_idx %arg6[%parallel_loop3A_426] : memref<8192xf32, #tpu.memory_space<vmem>>[vector<16xi32>], vector<16xf32>,
        %parallel_loop3A_428 = arith.mulf %broadcast_in_dim3A_154, %parallel_loop3A_427 : vector<16xf32>
        %parallel_loop3A_429 = arith.addf %parallel_loop3A_425, %parallel_loop3A_428 : vector<16xf32>
        %parallel_loop3A_430 = arith.addi %broadcast_in_dim3A_341, %parallel_loop3A_382 : vector<16xi32>
        %parallel_loop3A_431 = tpu.vector_load_idx %arg6[%parallel_loop3A_430] : memref<8192xf32, #tpu.memory_space<vmem>>[vector<16xi32>], vector<16xf32>,
        %parallel_loop3A_432 = arith.mulf %broadcast_in_dim3A_165, %parallel_loop3A_431 : vector<16xf32>
        %parallel_loop3A_433 = arith.addf %parallel_loop3A_429, %parallel_loop3A_432 : vector<16xf32>
        %parallel_loop3A_434 = arith.addi %broadcast_in_dim3A_352, %parallel_loop3A_382 : vector<16xi32>
        %parallel_loop3A_435 = tpu.vector_load_idx %arg6[%parallel_loop3A_434] : memref<8192xf32, #tpu.memory_space<vmem>>[vector<16xi32>], vector<16xf32>,
        %parallel_loop3A_436 = arith.mulf %broadcast_in_dim3A_176, %parallel_loop3A_435 : vector<16xf32>
        %parallel_loop3A_437 = arith.addf %parallel_loop3A_433, %parallel_loop3A_436 : vector<16xf32>
        %parallel_loop3A_438 = arith.addi %broadcast_in_dim3A_363, %parallel_loop3A_382 : vector<16xi32>
        %parallel_loop3A_439 = tpu.vector_load_idx %arg6[%parallel_loop3A_438] : memref<8192xf32, #tpu.memory_space<vmem>>[vector<16xi32>], vector<16xf32>,
        %parallel_loop3A_440 = arith.mulf %broadcast_in_dim3A_187, %parallel_loop3A_439 : vector<16xf32>
        %parallel_loop3A_441 = arith.addf %parallel_loop3A_437, %parallel_loop3A_440 : vector<16xf32>
        %parallel_loop3A_442 = arith.addi %broadcast_in_dim3A_374, %parallel_loop3A_382 : vector<16xi32>
        %parallel_loop3A_443 = tpu.vector_load_idx %arg6[%parallel_loop3A_442] : memref<8192xf32, #tpu.memory_space<vmem>>[vector<16xi32>], vector<16xf32>,
        %parallel_loop3A_444 = arith.mulf %broadcast_in_dim3A_198, %parallel_loop3A_443 : vector<16xf32>
        %parallel_loop3A_445 = arith.addf %parallel_loop3A_441, %parallel_loop3A_444 : vector<16xf32>
        %parallel_loop3A_446 = arith.constant 16 : i32
        %parallel_loop3A_447 = arith.muli %parallel_loop3A_378, %parallel_loop3A_446 : i32
        %parallel_loop3A_448 = arith.index_cast %parallel_loop3A_447 : i32 to index
        %parallel_loop3A_449 = tpu.vector_load %arg9[%parallel_loop3A_448] {strides = array<i32>} : memref<4096xf32, #tpu.memory_space<vmem>>, vector<16xf32>,
        tpu.vector_store %arg9[%parallel_loop3A_448], %parallel_loop3A_445 {strides = array<i32>} : memref<4096xf32, #tpu.memory_space<vmem>>, vector<16xf32>,
      } {sc.loop_unroll_factor = 2 : i64, sc.parallel_access}
      "tpu.region"() ({
        %run_scoped3A = tpu.sem_alloc : memref<!tpu.dma_semaphore, #tpu.memory_space<semaphore_mem>>
        %dma_start3A = arith.constant 0 : i32
        %dma_start3A_378 = tpu.memref_slice %arg5[%add3A_9, %dma_start3A] : memref<1536x4096xf32, #tpu.memory_space<hbm>> -> memref<1x4096xf32, #tpu.memory_space<hbm>>
        %dma_start3A_379 = tpu.memref_squeeze %dma_start3A_378 : memref<1x4096xf32, #tpu.memory_space<hbm>> -> memref<4096xf32, #tpu.memory_space<hbm>>
        %dma_start3A_380 = arith.constant 0 : i32
        %dma_start3A_381 = tpu.memref_slice %arg5[%add3A_9, %dma_start3A_380] : memref<1536x4096xf32, #tpu.memory_space<hbm>> -> memref<1x4096xf32, #tpu.memory_space<hbm>>
        %dma_start3A_382 = tpu.memref_squeeze %dma_start3A_381 : memref<1x4096xf32, #tpu.memory_space<hbm>> -> memref<4096xf32, #tpu.memory_space<hbm>>
        tpu.enqueue_dma source(%arg9 : memref<4096xf32, #tpu.memory_space<vmem>>) target(%dma_start3A_382 : memref<4096xf32, #tpu.memory_space<hbm>>) target_semaphore(%run_scoped3A : memref<!tpu.dma_semaphore, #tpu.memory_space<semaphore_mem>>)
        %dma_wait3A = arith.constant 0 : i32
        %dma_wait3A_383 = tpu.memref_slice %arg5[%add3A_9, %dma_wait3A] : memref<1536x4096xf32, #tpu.memory_space<hbm>> -> memref<1x4096xf32, #tpu.memory_space<hbm>>
        %dma_wait3A_384 = tpu.memref_squeeze %dma_wait3A_383 : memref<1x4096xf32, #tpu.memory_space<hbm>> -> memref<4096xf32, #tpu.memory_space<hbm>>
        %dma_wait3A_385 = arith.constant 0 : i32
        %dma_wait3A_386 = tpu.memref_slice %arg5[%add3A_9, %dma_wait3A_385] : memref<1536x4096xf32, #tpu.memory_space<hbm>> -> memref<1x4096xf32, #tpu.memory_space<hbm>>
        %dma_wait3A_387 = tpu.memref_squeeze %dma_wait3A_386 : memref<1x4096xf32, #tpu.memory_space<hbm>> -> memref<4096xf32, #tpu.memory_space<hbm>>
        tpu.wait_dma2 semaphore(%run_scoped3A : memref<!tpu.dma_semaphore, #tpu.memory_space<semaphore_mem>>) src(%arg9 : memref<4096xf32, #tpu.memory_space<vmem>>) dst(%dma_wait3A_387 : memref<4096xf32, #tpu.memory_space<hbm>>)
        tpu.yield
      }) : () -> ()
    }
    %scan3A_7 = arith.constant 48 : i32
    return
  }
}

module attributes {stable_mosaic.version = 14 : i64} {
  func.func @_corr_topk_body(%arg0: i32, %arg1: memref<1x4096x128xf32, #tpu.memory_space<vmem>>, %arg2: memref<1x4096x128xf32, #tpu.memory_space<vmem>>, %arg3: memref<64x64xf32, #tpu.memory_space<vmem>>, %arg4: memref<64x64xf32, #tpu.memory_space<vmem>>, %arg5: memref<64x64xf32, #tpu.memory_space<vmem>>, %arg6: memref<64x64xf32, #tpu.memory_space<vmem>>, %arg7: memref<64x64xf32, #tpu.memory_space<vmem>>, %arg8: memref<64x64xf32, #tpu.memory_space<vmem>>, %arg9: memref<1x16x128xf32, #tpu.memory_space<vmem>>, %arg10: memref<1x16x128xi32, #tpu.memory_space<vmem>>) attributes {dimension_semantics = [#tpu.dimension_semantics<arbitrary>], iteration_bounds = array<i64: 12>, scalar_prefetch = 0 : i64, scratch_operands = 0 : i64, tpu.core_type = #tpu.core_type<tc>, window_params = [{transform_indices = @transform_0, window_bounds = array<i64: 1, 4096, 128>}, {transform_indices = @transform_1, window_bounds = array<i64: 1, 4096, 128>}, {pipeline_mode = #tpu.pipeline_mode<synchronous>, transform_indices = @transform_2, window_bounds = array<i64: 64, 64>}, {pipeline_mode = #tpu.pipeline_mode<synchronous>, transform_indices = @transform_3, window_bounds = array<i64: 64, 64>}, {pipeline_mode = #tpu.pipeline_mode<synchronous>, transform_indices = @transform_4, window_bounds = array<i64: 64, 64>}, {pipeline_mode = #tpu.pipeline_mode<synchronous>, transform_indices = @transform_5, window_bounds = array<i64: 64, 64>}, {pipeline_mode = #tpu.pipeline_mode<synchronous>, transform_indices = @transform_6, window_bounds = array<i64: 64, 64>}, {pipeline_mode = #tpu.pipeline_mode<synchronous>, transform_indices = @transform_7, window_bounds = array<i64: 64, 64>}, {transform_indices = @transform_8, window_bounds = array<i64: 1, 16, 128>}, {transform_indices = @transform_9, window_bounds = array<i64: 1, 16, 128>}]} {
    %get3A = arith.constant 0 : index
    %get3A_0 = arith.constant 0 : index
    %get3A_1 = vector.load %arg3[%get3A, %get3A_0] : memref<64x64xf32, #tpu.memory_space<vmem>>, vector<64x64xf32>
    %get3A_2 = arith.constant 0 : index
    %get3A_3 = arith.constant 0 : index
    %get3A_4 = vector.load %arg4[%get3A_2, %get3A_3] : memref<64x64xf32, #tpu.memory_space<vmem>>, vector<64x64xf32>
    %get3A_5 = arith.constant 0 : index
    %get3A_6 = arith.constant 0 : index
    %get3A_7 = vector.load %arg5[%get3A_5, %get3A_6] : memref<64x64xf32, #tpu.memory_space<vmem>>, vector<64x64xf32>
    %get3A_8 = arith.constant 0 : index
    %get3A_9 = arith.constant 0 : index
    %get3A_10 = vector.load %arg6[%get3A_8, %get3A_9] : memref<64x64xf32, #tpu.memory_space<vmem>>, vector<64x64xf32>
    %get3A_11 = arith.constant 0 : index
    %get3A_12 = arith.constant 0 : index
    %get3A_13 = vector.load %arg7[%get3A_11, %get3A_12] : memref<64x64xf32, #tpu.memory_space<vmem>>, vector<64x64xf32>
    %get3A_14 = arith.constant 0 : index
    %get3A_15 = arith.constant 0 : index
    %get3A_16 = vector.load %arg8[%get3A_14, %get3A_15] : memref<64x64xf32, #tpu.memory_space<vmem>>, vector<64x64xf32>
    %get3A_17 = arith.constant 0 : index
    %get3A_18 = arith.constant 0 : index
    %get3A_19 = arith.constant 0 : index
    %get3A_20 = vector.load %arg1[%get3A_17, %get3A_18, %get3A_19] : memref<1x4096x128xf32, #tpu.memory_space<vmem>>, vector<1x4096x128xf32>
    %get3A_21 = vector.shape_cast %get3A_20 : vector<1x4096x128xf32> to vector<4096x128xf32>
    %get3A_22 = arith.constant 0 : index
    %get3A_23 = arith.constant 0 : index
    %get3A_24 = arith.constant 0 : index
    %get3A_25 = vector.load %arg2[%get3A_22, %get3A_23, %get3A_24] : memref<1x4096x128xf32, #tpu.memory_space<vmem>>, vector<1x4096x128xf32>
    %get3A_26 = vector.shape_cast %get3A_25 : vector<1x4096x128xf32> to vector<4096x128xf32>
    %reshape3A = vector.shape_cast %get3A_21 : vector<4096x128xf32> to vector<64x8192xf32>
    %dot_general3A = arith.constant dense<0.000000e+00> : vector<64x8192xf32>
    %dot_general3A_27 = tpu.matmul %get3A_1, %reshape3A, %dot_general3A {dimension_numbers = #tpu.dot_dimension_numbers<[1], [0], [0], [1], [0, 0, 1, 1], [], []>, precision = #tpu.contract_precision<fp32>, transpose_lhs_hint = false} : vector<64x64xf32>, vector<64x8192xf32>, vector<64x8192xf32> -> vector<64x8192xf32>
    %dot_general3A_28 = arith.constant dense<0.000000e+00> : vector<64x8192xf32>
    %dot_general3A_29 = tpu.matmul %get3A_4, %reshape3A, %dot_general3A_28 {dimension_numbers = #tpu.dot_dimension_numbers<[1], [0], [0], [1], [0, 0, 1, 1], [], []>, precision = #tpu.contract_precision<fp32>, transpose_lhs_hint = false} : vector<64x64xf32>, vector<64x8192xf32>, vector<64x8192xf32> -> vector<64x8192xf32>
    %reshape3A_30 = vector.shape_cast %dot_general3A_27 : vector<64x8192xf32> to vector<64x64x128xf32>
    %reshape3A_31 = vector.shape_cast %dot_general3A_29 : vector<64x8192xf32> to vector<64x64x128xf32>
    %broadcast_in_dim3A = vector.shape_cast %get3A_7 : vector<64x64xf32> to vector<64x64x1xf32>
    %broadcast_in_dim3A_32 = vector.shape_cast %get3A_10 : vector<64x64xf32> to vector<64x64x1xf32>
    %mul3A = vector.broadcast %broadcast_in_dim3A : vector<64x64x1xf32> to vector<64x64x128xf32>
    %mul3A_33 = arith.mulf %reshape3A_30, %mul3A : vector<64x64x128xf32>
    %mul3A_34 = vector.broadcast %broadcast_in_dim3A_32 : vector<64x64x1xf32> to vector<64x64x128xf32>
    %mul3A_35 = arith.mulf %reshape3A_31, %mul3A_34 : vector<64x64x128xf32>
    %sub3A = arith.subf %mul3A_33, %mul3A_35 : vector<64x64x128xf32>
    %mul3A_36 = vector.broadcast %broadcast_in_dim3A_32 : vector<64x64x1xf32> to vector<64x64x128xf32>
    %mul3A_37 = arith.mulf %reshape3A_30, %mul3A_36 : vector<64x64x128xf32>
    %mul3A_38 = vector.broadcast %broadcast_in_dim3A : vector<64x64x1xf32> to vector<64x64x128xf32>
    %mul3A_39 = arith.mulf %reshape3A_31, %mul3A_38 : vector<64x64x128xf32>
    %add3A = arith.addf %mul3A_37, %mul3A_39 : vector<64x64x128xf32>
    %transpose3A = tpu.transpose %sub3A, [1, 0, 2] : vector<64x64x128xf32> -> vector<64x64x128xf32>
    %reshape3A_40 = vector.shape_cast %transpose3A : vector<64x64x128xf32> to vector<64x8192xf32>
    %transpose3A_41 = tpu.transpose %add3A, [1, 0, 2] : vector<64x64x128xf32> -> vector<64x64x128xf32>
    %reshape3A_42 = vector.shape_cast %transpose3A_41 : vector<64x64x128xf32> to vector<64x8192xf32>
    %dot_general3A_43 = arith.constant dense<0.000000e+00> : vector<64x8192xf32>
    %dot_general3A_44 = tpu.matmul %get3A_1, %reshape3A_40, %dot_general3A_43 {dimension_numbers = #tpu.dot_dimension_numbers<[1], [0], [0], [1], [0, 0, 1, 1], [], []>, precision = #tpu.contract_precision<fp32>, transpose_lhs_hint = false} : vector<64x64xf32>, vector<64x8192xf32>, vector<64x8192xf32> -> vector<64x8192xf32>
    %dot_general3A_45 = arith.constant dense<0.000000e+00> : vector<64x8192xf32>
    %dot_general3A_46 = tpu.matmul %get3A_4, %reshape3A_42, %dot_general3A_45 {dimension_numbers = #tpu.dot_dimension_numbers<[1], [0], [0], [1], [0, 0, 1, 1], [], []>, precision = #tpu.contract_precision<fp32>, transpose_lhs_hint = false} : vector<64x64xf32>, vector<64x8192xf32>, vector<64x8192xf32> -> vector<64x8192xf32>
    %sub3A_47 = arith.subf %dot_general3A_44, %dot_general3A_46 : vector<64x8192xf32>
    %dot_general3A_48 = arith.constant dense<0.000000e+00> : vector<64x8192xf32>
    %dot_general3A_49 = tpu.matmul %get3A_1, %reshape3A_42, %dot_general3A_48 {dimension_numbers = #tpu.dot_dimension_numbers<[1], [0], [0], [1], [0, 0, 1, 1], [], []>, precision = #tpu.contract_precision<fp32>, transpose_lhs_hint = false} : vector<64x64xf32>, vector<64x8192xf32>, vector<64x8192xf32> -> vector<64x8192xf32>
    %dot_general3A_50 = arith.constant dense<0.000000e+00> : vector<64x8192xf32>
    %dot_general3A_51 = tpu.matmul %get3A_4, %reshape3A_40, %dot_general3A_50 {dimension_numbers = #tpu.dot_dimension_numbers<[1], [0], [0], [1], [0, 0, 1, 1], [], []>, precision = #tpu.contract_precision<fp32>, transpose_lhs_hint = false} : vector<64x64xf32>, vector<64x8192xf32>, vector<64x8192xf32> -> vector<64x8192xf32>
    %add3A_52 = arith.addf %dot_general3A_49, %dot_general3A_51 : vector<64x8192xf32>
    %reshape3A_53 = vector.shape_cast %get3A_26 : vector<4096x128xf32> to vector<64x8192xf32>
    %dot_general3A_54 = arith.constant dense<0.000000e+00> : vector<64x8192xf32>
    %dot_general3A_55 = tpu.matmul %get3A_1, %reshape3A_53, %dot_general3A_54 {dimension_numbers = #tpu.dot_dimension_numbers<[1], [0], [0], [1], [0, 0, 1, 1], [], []>, precision = #tpu.contract_precision<fp32>, transpose_lhs_hint = false} : vector<64x64xf32>, vector<64x8192xf32>, vector<64x8192xf32> -> vector<64x8192xf32>
    %dot_general3A_56 = arith.constant dense<0.000000e+00> : vector<64x8192xf32>
    %dot_general3A_57 = tpu.matmul %get3A_4, %reshape3A_53, %dot_general3A_56 {dimension_numbers = #tpu.dot_dimension_numbers<[1], [0], [0], [1], [0, 0, 1, 1], [], []>, precision = #tpu.contract_precision<fp32>, transpose_lhs_hint = false} : vector<64x64xf32>, vector<64x8192xf32>, vector<64x8192xf32> -> vector<64x8192xf32>
    %reshape3A_58 = vector.shape_cast %dot_general3A_55 : vector<64x8192xf32> to vector<64x64x128xf32>
    %reshape3A_59 = vector.shape_cast %dot_general3A_57 : vector<64x8192xf32> to vector<64x64x128xf32>
    %broadcast_in_dim3A_60 = vector.shape_cast %get3A_7 : vector<64x64xf32> to vector<64x64x1xf32>
    %broadcast_in_dim3A_61 = vector.shape_cast %get3A_10 : vector<64x64xf32> to vector<64x64x1xf32>
    %mul3A_62 = vector.broadcast %broadcast_in_dim3A_60 : vector<64x64x1xf32> to vector<64x64x128xf32>
    %mul3A_63 = arith.mulf %reshape3A_58, %mul3A_62 : vector<64x64x128xf32>
    %mul3A_64 = vector.broadcast %broadcast_in_dim3A_61 : vector<64x64x1xf32> to vector<64x64x128xf32>
    %mul3A_65 = arith.mulf %reshape3A_59, %mul3A_64 : vector<64x64x128xf32>
    %sub3A_66 = arith.subf %mul3A_63, %mul3A_65 : vector<64x64x128xf32>
    %mul3A_67 = vector.broadcast %broadcast_in_dim3A_61 : vector<64x64x1xf32> to vector<64x64x128xf32>
    %mul3A_68 = arith.mulf %reshape3A_58, %mul3A_67 : vector<64x64x128xf32>
    %mul3A_69 = vector.broadcast %broadcast_in_dim3A_60 : vector<64x64x1xf32> to vector<64x64x128xf32>
    %mul3A_70 = arith.mulf %reshape3A_59, %mul3A_69 : vector<64x64x128xf32>
    %add3A_71 = arith.addf %mul3A_68, %mul3A_70 : vector<64x64x128xf32>
    %transpose3A_72 = tpu.transpose %sub3A_66, [1, 0, 2] : vector<64x64x128xf32> -> vector<64x64x128xf32>
    %reshape3A_73 = vector.shape_cast %transpose3A_72 : vector<64x64x128xf32> to vector<64x8192xf32>
    %transpose3A_74 = tpu.transpose %add3A_71, [1, 0, 2] : vector<64x64x128xf32> -> vector<64x64x128xf32>
    %reshape3A_75 = vector.shape_cast %transpose3A_74 : vector<64x64x128xf32> to vector<64x8192xf32>
    %dot_general3A_76 = arith.constant dense<0.000000e+00> : vector<64x8192xf32>
    %dot_general3A_77 = tpu.matmul %get3A_1, %reshape3A_73, %dot_general3A_76 {dimension_numbers = #tpu.dot_dimension_numbers<[1], [0], [0], [1], [0, 0, 1, 1], [], []>, precision = #tpu.contract_precision<fp32>, transpose_lhs_hint = false} : vector<64x64xf32>, vector<64x8192xf32>, vector<64x8192xf32> -> vector<64x8192xf32>
    %dot_general3A_78 = arith.constant dense<0.000000e+00> : vector<64x8192xf32>
    %dot_general3A_79 = tpu.matmul %get3A_4, %reshape3A_75, %dot_general3A_78 {dimension_numbers = #tpu.dot_dimension_numbers<[1], [0], [0], [1], [0, 0, 1, 1], [], []>, precision = #tpu.contract_precision<fp32>, transpose_lhs_hint = false} : vector<64x64xf32>, vector<64x8192xf32>, vector<64x8192xf32> -> vector<64x8192xf32>
    %sub3A_80 = arith.subf %dot_general3A_77, %dot_general3A_79 : vector<64x8192xf32>
    %dot_general3A_81 = arith.constant dense<0.000000e+00> : vector<64x8192xf32>
    %dot_general3A_82 = tpu.matmul %get3A_1, %reshape3A_75, %dot_general3A_81 {dimension_numbers = #tpu.dot_dimension_numbers<[1], [0], [0], [1], [0, 0, 1, 1], [], []>, precision = #tpu.contract_precision<fp32>, transpose_lhs_hint = false} : vector<64x64xf32>, vector<64x8192xf32>, vector<64x8192xf32> -> vector<64x8192xf32>
    %dot_general3A_83 = arith.constant dense<0.000000e+00> : vector<64x8192xf32>
    %dot_general3A_84 = tpu.matmul %get3A_4, %reshape3A_73, %dot_general3A_83 {dimension_numbers = #tpu.dot_dimension_numbers<[1], [0], [0], [1], [0, 0, 1, 1], [], []>, precision = #tpu.contract_precision<fp32>, transpose_lhs_hint = false} : vector<64x64xf32>, vector<64x8192xf32>, vector<64x8192xf32> -> vector<64x8192xf32>
    %add3A_85 = arith.addf %dot_general3A_82, %dot_general3A_84 : vector<64x8192xf32>
    %mul3A_86 = arith.mulf %sub3A_47, %sub3A_80 : vector<64x8192xf32>
    %mul3A_87 = arith.mulf %add3A_52, %add3A_85 : vector<64x8192xf32>
    %add3A_88 = arith.addf %mul3A_86, %mul3A_87 : vector<64x8192xf32>
    %mul3A_89 = arith.mulf %add3A_52, %sub3A_80 : vector<64x8192xf32>
    %mul3A_90 = arith.mulf %sub3A_47, %add3A_85 : vector<64x8192xf32>
    %sub3A_91 = arith.subf %mul3A_89, %mul3A_90 : vector<64x8192xf32>
    %dot_general3A_92 = arith.constant dense<0.000000e+00> : vector<64x8192xf32>
    %dot_general3A_93 = tpu.matmul %get3A_1, %add3A_88, %dot_general3A_92 {dimension_numbers = #tpu.dot_dimension_numbers<[1], [0], [0], [1], [0, 0, 1, 1], [], []>, precision = #tpu.contract_precision<fp32>, transpose_lhs_hint = false} : vector<64x64xf32>, vector<64x8192xf32>, vector<64x8192xf32> -> vector<64x8192xf32>
    %dot_general3A_94 = arith.constant dense<0.000000e+00> : vector<64x8192xf32>
    %dot_general3A_95 = tpu.matmul %get3A_4, %sub3A_91, %dot_general3A_94 {dimension_numbers = #tpu.dot_dimension_numbers<[1], [0], [0], [1], [0, 0, 1, 1], [], []>, precision = #tpu.contract_precision<fp32>, transpose_lhs_hint = false} : vector<64x64xf32>, vector<64x8192xf32>, vector<64x8192xf32> -> vector<64x8192xf32>
    %add3A_96 = arith.addf %dot_general3A_93, %dot_general3A_95 : vector<64x8192xf32>
    %dot_general3A_97 = arith.constant dense<0.000000e+00> : vector<64x8192xf32>
    %dot_general3A_98 = tpu.matmul %get3A_1, %sub3A_91, %dot_general3A_97 {dimension_numbers = #tpu.dot_dimension_numbers<[1], [0], [0], [1], [0, 0, 1, 1], [], []>, precision = #tpu.contract_precision<fp32>, transpose_lhs_hint = false} : vector<64x64xf32>, vector<64x8192xf32>, vector<64x8192xf32> -> vector<64x8192xf32>
    %dot_general3A_99 = arith.constant dense<0.000000e+00> : vector<64x8192xf32>
    %dot_general3A_100 = tpu.matmul %get3A_4, %add3A_88, %dot_general3A_99 {dimension_numbers = #tpu.dot_dimension_numbers<[1], [0], [0], [1], [0, 0, 1, 1], [], []>, precision = #tpu.contract_precision<fp32>, transpose_lhs_hint = false} : vector<64x64xf32>, vector<64x8192xf32>, vector<64x8192xf32> -> vector<64x8192xf32>
    %sub3A_101 = arith.subf %dot_general3A_98, %dot_general3A_100 : vector<64x8192xf32>
    %reshape3A_102 = vector.shape_cast %add3A_96 : vector<64x8192xf32> to vector<64x64x128xf32>
    %reshape3A_103 = vector.shape_cast %sub3A_101 : vector<64x8192xf32> to vector<64x64x128xf32>
    %broadcast_in_dim3A_104 = vector.shape_cast %get3A_13 : vector<64x64xf32> to vector<64x64x1xf32>
    %broadcast_in_dim3A_105 = vector.shape_cast %get3A_16 : vector<64x64xf32> to vector<64x64x1xf32>
    %mul3A_106 = vector.broadcast %broadcast_in_dim3A_104 : vector<64x64x1xf32> to vector<64x64x128xf32>
    %mul3A_107 = arith.mulf %reshape3A_102, %mul3A_106 : vector<64x64x128xf32>
    %mul3A_108 = vector.broadcast %broadcast_in_dim3A_105 : vector<64x64x1xf32> to vector<64x64x128xf32>
    %mul3A_109 = arith.mulf %reshape3A_103, %mul3A_108 : vector<64x64x128xf32>
    %sub3A_110 = arith.subf %mul3A_107, %mul3A_109 : vector<64x64x128xf32>
    %mul3A_111 = vector.broadcast %broadcast_in_dim3A_105 : vector<64x64x1xf32> to vector<64x64x128xf32>
    %mul3A_112 = arith.mulf %reshape3A_102, %mul3A_111 : vector<64x64x128xf32>
    %mul3A_113 = vector.broadcast %broadcast_in_dim3A_104 : vector<64x64x1xf32> to vector<64x64x128xf32>
    %mul3A_114 = arith.mulf %reshape3A_103, %mul3A_113 : vector<64x64x128xf32>
    %add3A_115 = arith.addf %mul3A_112, %mul3A_114 : vector<64x64x128xf32>
    %transpose3A_116 = tpu.transpose %sub3A_110, [1, 0, 2] : vector<64x64x128xf32> -> vector<64x64x128xf32>
    %reshape3A_117 = vector.shape_cast %transpose3A_116 : vector<64x64x128xf32> to vector<64x8192xf32>
    %transpose3A_118 = tpu.transpose %add3A_115, [1, 0, 2] : vector<64x64x128xf32> -> vector<64x64x128xf32>
    %reshape3A_119 = vector.shape_cast %transpose3A_118 : vector<64x64x128xf32> to vector<64x8192xf32>
    %dot_general3A_120 = arith.constant dense<0.000000e+00> : vector<64x8192xf32>
    %dot_general3A_121 = tpu.matmul %get3A_1, %reshape3A_117, %dot_general3A_120 {dimension_numbers = #tpu.dot_dimension_numbers<[1], [0], [0], [1], [0, 0, 1, 1], [], []>, precision = #tpu.contract_precision<fp32>, transpose_lhs_hint = false} : vector<64x64xf32>, vector<64x8192xf32>, vector<64x8192xf32> -> vector<64x8192xf32>
    %dot_general3A_122 = arith.constant dense<0.000000e+00> : vector<64x8192xf32>
    %dot_general3A_123 = tpu.matmul %get3A_4, %reshape3A_119, %dot_general3A_122 {dimension_numbers = #tpu.dot_dimension_numbers<[1], [0], [0], [1], [0, 0, 1, 1], [], []>, precision = #tpu.contract_precision<fp32>, transpose_lhs_hint = false} : vector<64x64xf32>, vector<64x8192xf32>, vector<64x8192xf32> -> vector<64x8192xf32>
    %add3A_124 = arith.addf %dot_general3A_121, %dot_general3A_123 : vector<64x8192xf32>
    %reshape3A_125 = vector.shape_cast %add3A_124 : vector<64x8192xf32> to vector<4096x128xf32>
    %mul3A_126 = arith.constant 2.44140625E-4 : f32
    %mul3A_127 = vector.broadcast %mul3A_126 : f32 to vector<4096x128xf32>
    %mul3A_128 = arith.mulf %reshape3A_125, %mul3A_127 : vector<4096x128xf32>
    %iota3A = tpu.iota {dimensions = array<i32: 0>} : vector<4096x128xi32>
    %reduce_max3A = arith.constant dense<0xFF800000> : vector<128xf32>
    %reduce_max3A_129 = vector.multi_reduction <maximumf>, %mul3A_128, %reduce_max3A [0] : vector<4096x128xf32> to vector<128xf32>
    %broadcast_in_dim3A_130 = vector.shape_cast %reduce_max3A_129 : vector<128xf32> to vector<1x128xf32>
    %eq3A = vector.broadcast %broadcast_in_dim3A_130 : vector<1x128xf32> to vector<4096x128xf32>
    %eq3A_131 = arith.cmpf oeq, %mul3A_128, %eq3A : vector<4096x128xf32>
    %jit3A = arith.constant 4096 : i32
    %broadcast_in_dim3A_132 = vector.broadcast %jit3A : i32 to vector<4096x128xi32>
    %select_n3A = arith.select %eq3A_131, %iota3A, %broadcast_in_dim3A_132 : vector<4096x128xi1>, vector<4096x128xi32>
    %reduce_min3A = arith.constant dense<2147483647> : vector<128xi32>
    %reduce_min3A_133 = vector.multi_reduction <minsi>, %select_n3A, %reduce_min3A [0] : vector<4096x128xi32> to vector<128xi32>
    %broadcast_in_dim3A_134 = vector.shape_cast %reduce_min3A_133 : vector<128xi32> to vector<1x128xi32>
    %eq3A_135 = vector.broadcast %broadcast_in_dim3A_134 : vector<1x128xi32> to vector<4096x128xi32>
    %eq3A_136 = arith.cmpi eq, %iota3A, %eq3A_135 : vector<4096x128xi32>
    %jit3A_137 = arith.constant 0xFF800000 : f32
    %broadcast_in_dim3A_138 = vector.broadcast %jit3A_137 : f32 to vector<4096x128xf32>
    %select_n3A_139 = arith.select %eq3A_136, %broadcast_in_dim3A_138, %mul3A_128 : vector<4096x128xi1>, vector<4096x128xf32>
    %reduce_max3A_140 = arith.constant dense<0xFF800000> : vector<128xf32>
    %reduce_max3A_141 = vector.multi_reduction <maximumf>, %select_n3A_139, %reduce_max3A_140 [0] : vector<4096x128xf32> to vector<128xf32>
    %broadcast_in_dim3A_142 = vector.shape_cast %reduce_max3A_141 : vector<128xf32> to vector<1x128xf32>
    %eq3A_143 = vector.broadcast %broadcast_in_dim3A_142 : vector<1x128xf32> to vector<4096x128xf32>
    %eq3A_144 = arith.cmpf oeq, %select_n3A_139, %eq3A_143 : vector<4096x128xf32>
    %jit3A_145 = arith.constant 4096 : i32
    %broadcast_in_dim3A_146 = vector.broadcast %jit3A_145 : i32 to vector<4096x128xi32>
    %select_n3A_147 = arith.select %eq3A_144, %iota3A, %broadcast_in_dim3A_146 : vector<4096x128xi1>, vector<4096x128xi32>
    %reduce_min3A_148 = arith.constant dense<2147483647> : vector<128xi32>
    %reduce_min3A_149 = vector.multi_reduction <minsi>, %select_n3A_147, %reduce_min3A_148 [0] : vector<4096x128xi32> to vector<128xi32>
    %broadcast_in_dim3A_150 = vector.shape_cast %reduce_min3A_149 : vector<128xi32> to vector<1x128xi32>
    %eq3A_151 = vector.broadcast %broadcast_in_dim3A_150 : vector<1x128xi32> to vector<4096x128xi32>
    %eq3A_152 = arith.cmpi eq, %iota3A, %eq3A_151 : vector<4096x128xi32>
    %jit3A_153 = arith.constant 0xFF800000 : f32
    %broadcast_in_dim3A_154 = vector.broadcast %jit3A_153 : f32 to vector<4096x128xf32>
    %select_n3A_155 = arith.select %eq3A_152, %broadcast_in_dim3A_154, %select_n3A_139 : vector<4096x128xi1>, vector<4096x128xf32>
    %reduce_max3A_156 = arith.constant dense<0xFF800000> : vector<128xf32>
    %reduce_max3A_157 = vector.multi_reduction <maximumf>, %select_n3A_155, %reduce_max3A_156 [0] : vector<4096x128xf32> to vector<128xf32>
    %broadcast_in_dim3A_158 = vector.shape_cast %reduce_max3A_157 : vector<128xf32> to vector<1x128xf32>
    %eq3A_159 = vector.broadcast %broadcast_in_dim3A_158 : vector<1x128xf32> to vector<4096x128xf32>
    %eq3A_160 = arith.cmpf oeq, %select_n3A_155, %eq3A_159 : vector<4096x128xf32>
    %jit3A_161 = arith.constant 4096 : i32
    %broadcast_in_dim3A_162 = vector.broadcast %jit3A_161 : i32 to vector<4096x128xi32>
    %select_n3A_163 = arith.select %eq3A_160, %iota3A, %broadcast_in_dim3A_162 : vector<4096x128xi1>, vector<4096x128xi32>
    %reduce_min3A_164 = arith.constant dense<2147483647> : vector<128xi32>
    %reduce_min3A_165 = vector.multi_reduction <minsi>, %select_n3A_163, %reduce_min3A_164 [0] : vector<4096x128xi32> to vector<128xi32>
    %broadcast_in_dim3A_166 = vector.shape_cast %reduce_min3A_165 : vector<128xi32> to vector<1x128xi32>
    %eq3A_167 = vector.broadcast %broadcast_in_dim3A_166 : vector<1x128xi32> to vector<4096x128xi32>
    %eq3A_168 = arith.cmpi eq, %iota3A, %eq3A_167 : vector<4096x128xi32>
    %jit3A_169 = arith.constant 0xFF800000 : f32
    %broadcast_in_dim3A_170 = vector.broadcast %jit3A_169 : f32 to vector<4096x128xf32>
    %select_n3A_171 = arith.select %eq3A_168, %broadcast_in_dim3A_170, %select_n3A_155 : vector<4096x128xi1>, vector<4096x128xf32>
    %reduce_max3A_172 = arith.constant dense<0xFF800000> : vector<128xf32>
    %reduce_max3A_173 = vector.multi_reduction <maximumf>, %select_n3A_171, %reduce_max3A_172 [0] : vector<4096x128xf32> to vector<128xf32>
    %broadcast_in_dim3A_174 = vector.shape_cast %reduce_max3A_173 : vector<128xf32> to vector<1x128xf32>
    %eq3A_175 = vector.broadcast %broadcast_in_dim3A_174 : vector<1x128xf32> to vector<4096x128xf32>
    %eq3A_176 = arith.cmpf oeq, %select_n3A_171, %eq3A_175 : vector<4096x128xf32>
    %jit3A_177 = arith.constant 4096 : i32
    %broadcast_in_dim3A_178 = vector.broadcast %jit3A_177 : i32 to vector<4096x128xi32>
    %select_n3A_179 = arith.select %eq3A_176, %iota3A, %broadcast_in_dim3A_178 : vector<4096x128xi1>, vector<4096x128xi32>
    %reduce_min3A_180 = arith.constant dense<2147483647> : vector<128xi32>
    %reduce_min3A_181 = vector.multi_reduction <minsi>, %select_n3A_179, %reduce_min3A_180 [0] : vector<4096x128xi32> to vector<128xi32>
    %broadcast_in_dim3A_182 = vector.shape_cast %reduce_min3A_181 : vector<128xi32> to vector<1x128xi32>
    %eq3A_183 = vector.broadcast %broadcast_in_dim3A_182 : vector<1x128xi32> to vector<4096x128xi32>
    %eq3A_184 = arith.cmpi eq, %iota3A, %eq3A_183 : vector<4096x128xi32>
    %jit3A_185 = arith.constant 0xFF800000 : f32
    %broadcast_in_dim3A_186 = vector.broadcast %jit3A_185 : f32 to vector<4096x128xf32>
    %select_n3A_187 = arith.select %eq3A_184, %broadcast_in_dim3A_186, %select_n3A_171 : vector<4096x128xi1>, vector<4096x128xf32>
    %reduce_max3A_188 = arith.constant dense<0xFF800000> : vector<128xf32>
    %reduce_max3A_189 = vector.multi_reduction <maximumf>, %select_n3A_187, %reduce_max3A_188 [0] : vector<4096x128xf32> to vector<128xf32>
    %broadcast_in_dim3A_190 = vector.shape_cast %reduce_max3A_189 : vector<128xf32> to vector<1x128xf32>
    %eq3A_191 = vector.broadcast %broadcast_in_dim3A_190 : vector<1x128xf32> to vector<4096x128xf32>
    %eq3A_192 = arith.cmpf oeq, %select_n3A_187, %eq3A_191 : vector<4096x128xf32>
    %jit3A_193 = arith.constant 4096 : i32
    %broadcast_in_dim3A_194 = vector.broadcast %jit3A_193 : i32 to vector<4096x128xi32>
    %select_n3A_195 = arith.select %eq3A_192, %iota3A, %broadcast_in_dim3A_194 : vector<4096x128xi1>, vector<4096x128xi32>
    %reduce_min3A_196 = arith.constant dense<2147483647> : vector<128xi32>
    %reduce_min3A_197 = vector.multi_reduction <minsi>, %select_n3A_195, %reduce_min3A_196 [0] : vector<4096x128xi32> to vector<128xi32>
    %broadcast_in_dim3A_198 = vector.shape_cast %reduce_min3A_197 : vector<128xi32> to vector<1x128xi32>
    %eq3A_199 = vector.broadcast %broadcast_in_dim3A_198 : vector<1x128xi32> to vector<4096x128xi32>
    %eq3A_200 = arith.cmpi eq, %iota3A, %eq3A_199 : vector<4096x128xi32>
    %jit3A_201 = arith.constant 0xFF800000 : f32
    %broadcast_in_dim3A_202 = vector.broadcast %jit3A_201 : f32 to vector<4096x128xf32>
    %select_n3A_203 = arith.select %eq3A_200, %broadcast_in_dim3A_202, %select_n3A_187 : vector<4096x128xi1>, vector<4096x128xf32>
    %reduce_max3A_204 = arith.constant dense<0xFF800000> : vector<128xf32>
    %reduce_max3A_205 = vector.multi_reduction <maximumf>, %select_n3A_203, %reduce_max3A_204 [0] : vector<4096x128xf32> to vector<128xf32>
    %broadcast_in_dim3A_206 = vector.shape_cast %reduce_max3A_205 : vector<128xf32> to vector<1x128xf32>
    %eq3A_207 = vector.broadcast %broadcast_in_dim3A_206 : vector<1x128xf32> to vector<4096x128xf32>
    %eq3A_208 = arith.cmpf oeq, %select_n3A_203, %eq3A_207 : vector<4096x128xf32>
    %jit3A_209 = arith.constant 4096 : i32
    %broadcast_in_dim3A_210 = vector.broadcast %jit3A_209 : i32 to vector<4096x128xi32>
    %select_n3A_211 = arith.select %eq3A_208, %iota3A, %broadcast_in_dim3A_210 : vector<4096x128xi1>, vector<4096x128xi32>
    %reduce_min3A_212 = arith.constant dense<2147483647> : vector<128xi32>
    %reduce_min3A_213 = vector.multi_reduction <minsi>, %select_n3A_211, %reduce_min3A_212 [0] : vector<4096x128xi32> to vector<128xi32>
    %broadcast_in_dim3A_214 = vector.shape_cast %reduce_min3A_213 : vector<128xi32> to vector<1x128xi32>
    %eq3A_215 = vector.broadcast %broadcast_in_dim3A_214 : vector<1x128xi32> to vector<4096x128xi32>
    %eq3A_216 = arith.cmpi eq, %iota3A, %eq3A_215 : vector<4096x128xi32>
    %jit3A_217 = arith.constant 0xFF800000 : f32
    %broadcast_in_dim3A_218 = vector.broadcast %jit3A_217 : f32 to vector<4096x128xf32>
    %select_n3A_219 = arith.select %eq3A_216, %broadcast_in_dim3A_218, %select_n3A_203 : vector<4096x128xi1>, vector<4096x128xf32>
    %reduce_max3A_220 = arith.constant dense<0xFF800000> : vector<128xf32>
    %reduce_max3A_221 = vector.multi_reduction <maximumf>, %select_n3A_219, %reduce_max3A_220 [0] : vector<4096x128xf32> to vector<128xf32>
    %broadcast_in_dim3A_222 = vector.shape_cast %reduce_max3A_221 : vector<128xf32> to vector<1x128xf32>
    %eq3A_223 = vector.broadcast %broadcast_in_dim3A_222 : vector<1x128xf32> to vector<4096x128xf32>
    %eq3A_224 = arith.cmpf oeq, %select_n3A_219, %eq3A_223 : vector<4096x128xf32>
    %jit3A_225 = arith.constant 4096 : i32
    %broadcast_in_dim3A_226 = vector.broadcast %jit3A_225 : i32 to vector<4096x128xi32>
    %select_n3A_227 = arith.select %eq3A_224, %iota3A, %broadcast_in_dim3A_226 : vector<4096x128xi1>, vector<4096x128xi32>
    %reduce_min3A_228 = arith.constant dense<2147483647> : vector<128xi32>
    %reduce_min3A_229 = vector.multi_reduction <minsi>, %select_n3A_227, %reduce_min3A_228 [0] : vector<4096x128xi32> to vector<128xi32>
    %broadcast_in_dim3A_230 = vector.shape_cast %reduce_min3A_229 : vector<128xi32> to vector<1x128xi32>
    %eq3A_231 = vector.broadcast %broadcast_in_dim3A_230 : vector<1x128xi32> to vector<4096x128xi32>
    %eq3A_232 = arith.cmpi eq, %iota3A, %eq3A_231 : vector<4096x128xi32>
    %jit3A_233 = arith.constant 0xFF800000 : f32
    %broadcast_in_dim3A_234 = vector.broadcast %jit3A_233 : f32 to vector<4096x128xf32>
    %select_n3A_235 = arith.select %eq3A_232, %broadcast_in_dim3A_234, %select_n3A_219 : vector<4096x128xi1>, vector<4096x128xf32>
    %reduce_max3A_236 = arith.constant dense<0xFF800000> : vector<128xf32>
    %reduce_max3A_237 = vector.multi_reduction <maximumf>, %select_n3A_235, %reduce_max3A_236 [0] : vector<4096x128xf32> to vector<128xf32>
    %broadcast_in_dim3A_238 = vector.shape_cast %reduce_max3A_237 : vector<128xf32> to vector<1x128xf32>
    %eq3A_239 = vector.broadcast %broadcast_in_dim3A_238 : vector<1x128xf32> to vector<4096x128xf32>
    %eq3A_240 = arith.cmpf oeq, %select_n3A_235, %eq3A_239 : vector<4096x128xf32>
    %jit3A_241 = arith.constant 4096 : i32
    %broadcast_in_dim3A_242 = vector.broadcast %jit3A_241 : i32 to vector<4096x128xi32>
    %select_n3A_243 = arith.select %eq3A_240, %iota3A, %broadcast_in_dim3A_242 : vector<4096x128xi1>, vector<4096x128xi32>
    %reduce_min3A_244 = arith.constant dense<2147483647> : vector<128xi32>
    %reduce_min3A_245 = vector.multi_reduction <minsi>, %select_n3A_243, %reduce_min3A_244 [0] : vector<4096x128xi32> to vector<128xi32>
    %broadcast_in_dim3A_246 = vector.shape_cast %reduce_min3A_245 : vector<128xi32> to vector<1x128xi32>
    %eq3A_247 = vector.broadcast %broadcast_in_dim3A_246 : vector<1x128xi32> to vector<4096x128xi32>
    %eq3A_248 = arith.cmpi eq, %iota3A, %eq3A_247 : vector<4096x128xi32>
    %jit3A_249 = arith.constant 0xFF800000 : f32
    %broadcast_in_dim3A_250 = vector.broadcast %jit3A_249 : f32 to vector<4096x128xf32>
    %select_n3A_251 = arith.select %eq3A_248, %broadcast_in_dim3A_250, %select_n3A_235 : vector<4096x128xi1>, vector<4096x128xf32>
    %reduce_max3A_252 = arith.constant dense<0xFF800000> : vector<128xf32>
    %reduce_max3A_253 = vector.multi_reduction <maximumf>, %select_n3A_251, %reduce_max3A_252 [0] : vector<4096x128xf32> to vector<128xf32>
    %broadcast_in_dim3A_254 = vector.shape_cast %reduce_max3A_253 : vector<128xf32> to vector<1x128xf32>
    %eq3A_255 = vector.broadcast %broadcast_in_dim3A_254 : vector<1x128xf32> to vector<4096x128xf32>
    %eq3A_256 = arith.cmpf oeq, %select_n3A_251, %eq3A_255 : vector<4096x128xf32>
    %jit3A_257 = arith.constant 4096 : i32
    %broadcast_in_dim3A_258 = vector.broadcast %jit3A_257 : i32 to vector<4096x128xi32>
    %select_n3A_259 = arith.select %eq3A_256, %iota3A, %broadcast_in_dim3A_258 : vector<4096x128xi1>, vector<4096x128xi32>
    %reduce_min3A_260 = arith.constant dense<2147483647> : vector<128xi32>
    %reduce_min3A_261 = vector.multi_reduction <minsi>, %select_n3A_259, %reduce_min3A_260 [0] : vector<4096x128xi32> to vector<128xi32>
    %broadcast_in_dim3A_262 = vector.shape_cast %reduce_min3A_261 : vector<128xi32> to vector<1x128xi32>
    %eq3A_263 = vector.broadcast %broadcast_in_dim3A_262 : vector<1x128xi32> to vector<4096x128xi32>
    %eq3A_264 = arith.cmpi eq, %iota3A, %eq3A_263 : vector<4096x128xi32>
    %jit3A_265 = arith.constant 0xFF800000 : f32
    %broadcast_in_dim3A_266 = vector.broadcast %jit3A_265 : f32 to vector<4096x128xf32>
    %select_n3A_267 = arith.select %eq3A_264, %broadcast_in_dim3A_266, %select_n3A_251 : vector<4096x128xi1>, vector<4096x128xf32>
    %reduce_max3A_268 = arith.constant dense<0xFF800000> : vector<128xf32>
    %reduce_max3A_269 = vector.multi_reduction <maximumf>, %select_n3A_267, %reduce_max3A_268 [0] : vector<4096x128xf32> to vector<128xf32>
    %broadcast_in_dim3A_270 = vector.shape_cast %reduce_max3A_269 : vector<128xf32> to vector<1x128xf32>
    %eq3A_271 = vector.broadcast %broadcast_in_dim3A_270 : vector<1x128xf32> to vector<4096x128xf32>
    %eq3A_272 = arith.cmpf oeq, %select_n3A_267, %eq3A_271 : vector<4096x128xf32>
    %jit3A_273 = arith.constant 4096 : i32
    %broadcast_in_dim3A_274 = vector.broadcast %jit3A_273 : i32 to vector<4096x128xi32>
    %select_n3A_275 = arith.select %eq3A_272, %iota3A, %broadcast_in_dim3A_274 : vector<4096x128xi1>, vector<4096x128xi32>
    %reduce_min3A_276 = arith.constant dense<2147483647> : vector<128xi32>
    %reduce_min3A_277 = vector.multi_reduction <minsi>, %select_n3A_275, %reduce_min3A_276 [0] : vector<4096x128xi32> to vector<128xi32>
    %broadcast_in_dim3A_278 = vector.shape_cast %reduce_min3A_277 : vector<128xi32> to vector<1x128xi32>
    %eq3A_279 = vector.broadcast %broadcast_in_dim3A_278 : vector<1x128xi32> to vector<4096x128xi32>
    %eq3A_280 = arith.cmpi eq, %iota3A, %eq3A_279 : vector<4096x128xi32>
    %jit3A_281 = arith.constant 0xFF800000 : f32
    %broadcast_in_dim3A_282 = vector.broadcast %jit3A_281 : f32 to vector<4096x128xf32>
    %select_n3A_283 = arith.select %eq3A_280, %broadcast_in_dim3A_282, %select_n3A_267 : vector<4096x128xi1>, vector<4096x128xf32>
    %reduce_max3A_284 = arith.constant dense<0xFF800000> : vector<128xf32>
    %reduce_max3A_285 = vector.multi_reduction <maximumf>, %select_n3A_283, %reduce_max3A_284 [0] : vector<4096x128xf32> to vector<128xf32>
    %broadcast_in_dim3A_286 = vector.shape_cast %reduce_max3A_285 : vector<128xf32> to vector<1x128xf32>
    %eq3A_287 = vector.broadcast %broadcast_in_dim3A_286 : vector<1x128xf32> to vector<4096x128xf32>
    %eq3A_288 = arith.cmpf oeq, %select_n3A_283, %eq3A_287 : vector<4096x128xf32>
    %jit3A_289 = arith.constant 4096 : i32
    %broadcast_in_dim3A_290 = vector.broadcast %jit3A_289 : i32 to vector<4096x128xi32>
    %select_n3A_291 = arith.select %eq3A_288, %iota3A, %broadcast_in_dim3A_290 : vector<4096x128xi1>, vector<4096x128xi32>
    %reduce_min3A_292 = arith.constant dense<2147483647> : vector<128xi32>
    %reduce_min3A_293 = vector.multi_reduction <minsi>, %select_n3A_291, %reduce_min3A_292 [0] : vector<4096x128xi32> to vector<128xi32>
    %broadcast_in_dim3A_294 = vector.shape_cast %reduce_min3A_293 : vector<128xi32> to vector<1x128xi32>
    %eq3A_295 = vector.broadcast %broadcast_in_dim3A_294 : vector<1x128xi32> to vector<4096x128xi32>
    %eq3A_296 = arith.cmpi eq, %iota3A, %eq3A_295 : vector<4096x128xi32>
    %jit3A_297 = arith.constant 0xFF800000 : f32
    %broadcast_in_dim3A_298 = vector.broadcast %jit3A_297 : f32 to vector<4096x128xf32>
    %select_n3A_299 = arith.select %eq3A_296, %broadcast_in_dim3A_298, %select_n3A_283 : vector<4096x128xi1>, vector<4096x128xf32>
    %reduce_max3A_300 = arith.constant dense<0xFF800000> : vector<128xf32>
    %reduce_max3A_301 = vector.multi_reduction <maximumf>, %select_n3A_299, %reduce_max3A_300 [0] : vector<4096x128xf32> to vector<128xf32>
    %broadcast_in_dim3A_302 = vector.shape_cast %reduce_max3A_301 : vector<128xf32> to vector<1x128xf32>
    %eq3A_303 = vector.broadcast %broadcast_in_dim3A_302 : vector<1x128xf32> to vector<4096x128xf32>
    %eq3A_304 = arith.cmpf oeq, %select_n3A_299, %eq3A_303 : vector<4096x128xf32>
    %jit3A_305 = arith.constant 4096 : i32
    %broadcast_in_dim3A_306 = vector.broadcast %jit3A_305 : i32 to vector<4096x128xi32>
    %select_n3A_307 = arith.select %eq3A_304, %iota3A, %broadcast_in_dim3A_306 : vector<4096x128xi1>, vector<4096x128xi32>
    %reduce_min3A_308 = arith.constant dense<2147483647> : vector<128xi32>
    %reduce_min3A_309 = vector.multi_reduction <minsi>, %select_n3A_307, %reduce_min3A_308 [0] : vector<4096x128xi32> to vector<128xi32>
    %broadcast_in_dim3A_310 = vector.shape_cast %reduce_min3A_309 : vector<128xi32> to vector<1x128xi32>
    %eq3A_311 = vector.broadcast %broadcast_in_dim3A_310 : vector<1x128xi32> to vector<4096x128xi32>
    %eq3A_312 = arith.cmpi eq, %iota3A, %eq3A_311 : vector<4096x128xi32>
    %jit3A_313 = arith.constant 0xFF800000 : f32
    %broadcast_in_dim3A_314 = vector.broadcast %jit3A_313 : f32 to vector<4096x128xf32>
    %select_n3A_315 = arith.select %eq3A_312, %broadcast_in_dim3A_314, %select_n3A_299 : vector<4096x128xi1>, vector<4096x128xf32>
    %reduce_max3A_316 = arith.constant dense<0xFF800000> : vector<128xf32>
    %reduce_max3A_317 = vector.multi_reduction <maximumf>, %select_n3A_315, %reduce_max3A_316 [0] : vector<4096x128xf32> to vector<128xf32>
    %broadcast_in_dim3A_318 = vector.shape_cast %reduce_max3A_317 : vector<128xf32> to vector<1x128xf32>
    %eq3A_319 = vector.broadcast %broadcast_in_dim3A_318 : vector<1x128xf32> to vector<4096x128xf32>
    %eq3A_320 = arith.cmpf oeq, %select_n3A_315, %eq3A_319 : vector<4096x128xf32>
    %jit3A_321 = arith.constant 4096 : i32
    %broadcast_in_dim3A_322 = vector.broadcast %jit3A_321 : i32 to vector<4096x128xi32>
    %select_n3A_323 = arith.select %eq3A_320, %iota3A, %broadcast_in_dim3A_322 : vector<4096x128xi1>, vector<4096x128xi32>
    %reduce_min3A_324 = arith.constant dense<2147483647> : vector<128xi32>
    %reduce_min3A_325 = vector.multi_reduction <minsi>, %select_n3A_323, %reduce_min3A_324 [0] : vector<4096x128xi32> to vector<128xi32>
    %broadcast_in_dim3A_326 = vector.shape_cast %reduce_min3A_325 : vector<128xi32> to vector<1x128xi32>
    %eq3A_327 = vector.broadcast %broadcast_in_dim3A_326 : vector<1x128xi32> to vector<4096x128xi32>
    %eq3A_328 = arith.cmpi eq, %iota3A, %eq3A_327 : vector<4096x128xi32>
    %jit3A_329 = arith.constant 0xFF800000 : f32
    %broadcast_in_dim3A_330 = vector.broadcast %jit3A_329 : f32 to vector<4096x128xf32>
    %select_n3A_331 = arith.select %eq3A_328, %broadcast_in_dim3A_330, %select_n3A_315 : vector<4096x128xi1>, vector<4096x128xf32>
    %reduce_max3A_332 = arith.constant dense<0xFF800000> : vector<128xf32>
    %reduce_max3A_333 = vector.multi_reduction <maximumf>, %select_n3A_331, %reduce_max3A_332 [0] : vector<4096x128xf32> to vector<128xf32>
    %broadcast_in_dim3A_334 = vector.shape_cast %reduce_max3A_333 : vector<128xf32> to vector<1x128xf32>
    %eq3A_335 = vector.broadcast %broadcast_in_dim3A_334 : vector<1x128xf32> to vector<4096x128xf32>
    %eq3A_336 = arith.cmpf oeq, %select_n3A_331, %eq3A_335 : vector<4096x128xf32>
    %jit3A_337 = arith.constant 4096 : i32
    %broadcast_in_dim3A_338 = vector.broadcast %jit3A_337 : i32 to vector<4096x128xi32>
    %select_n3A_339 = arith.select %eq3A_336, %iota3A, %broadcast_in_dim3A_338 : vector<4096x128xi1>, vector<4096x128xi32>
    %reduce_min3A_340 = arith.constant dense<2147483647> : vector<128xi32>
    %reduce_min3A_341 = vector.multi_reduction <minsi>, %select_n3A_339, %reduce_min3A_340 [0] : vector<4096x128xi32> to vector<128xi32>
    %broadcast_in_dim3A_342 = vector.shape_cast %reduce_min3A_341 : vector<128xi32> to vector<1x128xi32>
    %eq3A_343 = vector.broadcast %broadcast_in_dim3A_342 : vector<1x128xi32> to vector<4096x128xi32>
    %eq3A_344 = arith.cmpi eq, %iota3A, %eq3A_343 : vector<4096x128xi32>
    %jit3A_345 = arith.constant 0xFF800000 : f32
    %broadcast_in_dim3A_346 = vector.broadcast %jit3A_345 : f32 to vector<4096x128xf32>
    %select_n3A_347 = arith.select %eq3A_344, %broadcast_in_dim3A_346, %select_n3A_331 : vector<4096x128xi1>, vector<4096x128xf32>
    %reduce_max3A_348 = arith.constant dense<0xFF800000> : vector<128xf32>
    %reduce_max3A_349 = vector.multi_reduction <maximumf>, %select_n3A_347, %reduce_max3A_348 [0] : vector<4096x128xf32> to vector<128xf32>
    %broadcast_in_dim3A_350 = vector.shape_cast %reduce_max3A_349 : vector<128xf32> to vector<1x128xf32>
    %eq3A_351 = vector.broadcast %broadcast_in_dim3A_350 : vector<1x128xf32> to vector<4096x128xf32>
    %eq3A_352 = arith.cmpf oeq, %select_n3A_347, %eq3A_351 : vector<4096x128xf32>
    %jit3A_353 = arith.constant 4096 : i32
    %broadcast_in_dim3A_354 = vector.broadcast %jit3A_353 : i32 to vector<4096x128xi32>
    %select_n3A_355 = arith.select %eq3A_352, %iota3A, %broadcast_in_dim3A_354 : vector<4096x128xi1>, vector<4096x128xi32>
    %reduce_min3A_356 = arith.constant dense<2147483647> : vector<128xi32>
    %reduce_min3A_357 = vector.multi_reduction <minsi>, %select_n3A_355, %reduce_min3A_356 [0] : vector<4096x128xi32> to vector<128xi32>
    %broadcast_in_dim3A_358 = vector.shape_cast %reduce_min3A_357 : vector<128xi32> to vector<1x128xi32>
    %eq3A_359 = vector.broadcast %broadcast_in_dim3A_358 : vector<1x128xi32> to vector<4096x128xi32>
    %eq3A_360 = arith.cmpi eq, %iota3A, %eq3A_359 : vector<4096x128xi32>
    %jit3A_361 = arith.constant 0xFF800000 : f32
    %broadcast_in_dim3A_362 = vector.broadcast %jit3A_361 : f32 to vector<4096x128xf32>
    %select_n3A_363 = arith.select %eq3A_360, %broadcast_in_dim3A_362, %select_n3A_347 : vector<4096x128xi1>, vector<4096x128xf32>
    %reduce_max3A_364 = arith.constant dense<0xFF800000> : vector<128xf32>
    %reduce_max3A_365 = vector.multi_reduction <maximumf>, %select_n3A_363, %reduce_max3A_364 [0] : vector<4096x128xf32> to vector<128xf32>
    %broadcast_in_dim3A_366 = vector.shape_cast %reduce_max3A_365 : vector<128xf32> to vector<1x128xf32>
    %eq3A_367 = vector.broadcast %broadcast_in_dim3A_366 : vector<1x128xf32> to vector<4096x128xf32>
    %eq3A_368 = arith.cmpf oeq, %select_n3A_363, %eq3A_367 : vector<4096x128xf32>
    %jit3A_369 = arith.constant 4096 : i32
    %broadcast_in_dim3A_370 = vector.broadcast %jit3A_369 : i32 to vector<4096x128xi32>
    %select_n3A_371 = arith.select %eq3A_368, %iota3A, %broadcast_in_dim3A_370 : vector<4096x128xi1>, vector<4096x128xi32>
    %reduce_min3A_372 = arith.constant dense<2147483647> : vector<128xi32>
    %reduce_min3A_373 = vector.multi_reduction <minsi>, %select_n3A_371, %reduce_min3A_372 [0] : vector<4096x128xi32> to vector<128xi32>
    %broadcast_in_dim3A_374 = vector.shape_cast %reduce_min3A_373 : vector<128xi32> to vector<1x128xi32>
    %concatenate3A = tpu.concatenate %broadcast_in_dim3A_130, %broadcast_in_dim3A_142, %broadcast_in_dim3A_158, %broadcast_in_dim3A_174, %broadcast_in_dim3A_190, %broadcast_in_dim3A_206, %broadcast_in_dim3A_222, %broadcast_in_dim3A_238, %broadcast_in_dim3A_254, %broadcast_in_dim3A_270, %broadcast_in_dim3A_286, %broadcast_in_dim3A_302, %broadcast_in_dim3A_318, %broadcast_in_dim3A_334, %broadcast_in_dim3A_350, %broadcast_in_dim3A_366 in 0 : vector<1x128xf32>, vector<1x128xf32>, vector<1x128xf32>, vector<1x128xf32>, vector<1x128xf32>, vector<1x128xf32>, vector<1x128xf32>, vector<1x128xf32>, vector<1x128xf32>, vector<1x128xf32>, vector<1x128xf32>, vector<1x128xf32>, vector<1x128xf32>, vector<1x128xf32>, vector<1x128xf32>, vector<1x128xf32> -> vector<16x128xf32>
    %concatenate3A_375 = tpu.concatenate %broadcast_in_dim3A_134, %broadcast_in_dim3A_150, %broadcast_in_dim3A_166, %broadcast_in_dim3A_182, %broadcast_in_dim3A_198, %broadcast_in_dim3A_214, %broadcast_in_dim3A_230, %broadcast_in_dim3A_246, %broadcast_in_dim3A_262, %broadcast_in_dim3A_278, %broadcast_in_dim3A_294, %broadcast_in_dim3A_310, %broadcast_in_dim3A_326, %broadcast_in_dim3A_342, %broadcast_in_dim3A_358, %broadcast_in_dim3A_374 in 0 : vector<1x128xi32>, vector<1x128xi32>, vector<1x128xi32>, vector<1x128xi32>, vector<1x128xi32>, vector<1x128xi32>, vector<1x128xi32>, vector<1x128xi32>, vector<1x128xi32>, vector<1x128xi32>, vector<1x128xi32>, vector<1x128xi32>, vector<1x128xi32>, vector<1x128xi32>, vector<1x128xi32>, vector<1x128xi32> -> vector<16x128xi32>
    %reduce_max3A_376 = arith.constant dense<0xFF800000> : vector<128xf32>
    %reduce_max3A_377 = vector.multi_reduction <maximumf>, %concatenate3A, %reduce_max3A_376 [0] : vector<16x128xf32> to vector<128xf32>
    %broadcast_in_dim3A_378 = vector.shape_cast %reduce_max3A_377 : vector<128xf32> to vector<1x128xf32>
    %sub3A_379 = vector.broadcast %broadcast_in_dim3A_378 : vector<1x128xf32> to vector<16x128xf32>
    %sub3A_380 = arith.subf %concatenate3A, %sub3A_379 : vector<16x128xf32>
    %exp3A = math.exp %sub3A_380 : vector<16x128xf32>
    %reduce_sum3A = arith.constant dense<0.000000e+00> : vector<128xf32>
    %reduce_sum3A_381 = vector.multi_reduction <add>, %exp3A, %reduce_sum3A [0] : vector<16x128xf32> to vector<128xf32>
    %broadcast_in_dim3A_382 = vector.shape_cast %reduce_sum3A_381 : vector<128xf32> to vector<1x128xf32>
    %div3A = vector.broadcast %broadcast_in_dim3A_382 : vector<1x128xf32> to vector<16x128xf32>
    %div3A_383 = arith.divf %exp3A, %div3A : vector<16x128xf32>
    %swap3A = arith.constant 0 : index
    %swap3A_384 = arith.constant 0 : index
    %swap3A_385 = arith.constant 0 : index
    %swap3A_386 = vector.load %arg9[%swap3A, %swap3A_384, %swap3A_385] : memref<1x16x128xf32, #tpu.memory_space<vmem>>, vector<1x16x128xf32>
    %swap3A_387 = vector.shape_cast %swap3A_386 : vector<1x16x128xf32> to vector<16x128xf32>
    %swap3A_388 = vector.shape_cast %div3A_383 : vector<16x128xf32> to vector<1x16x128xf32>
    tpu.vector_store %arg9[%swap3A, %swap3A_384, %swap3A_385], %swap3A_388 {strides = array<i32>} : memref<1x16x128xf32, #tpu.memory_space<vmem>>, vector<1x16x128xf32>,
    %swap3A_389 = arith.constant 0 : index
    %swap3A_390 = arith.constant 0 : index
    %swap3A_391 = arith.constant 0 : index
    %swap3A_392 = vector.load %arg10[%swap3A_389, %swap3A_390, %swap3A_391] : memref<1x16x128xi32, #tpu.memory_space<vmem>>, vector<1x16x128xi32>
    %swap3A_393 = vector.shape_cast %swap3A_392 : vector<1x16x128xi32> to vector<16x128xi32>
    %swap3A_394 = vector.shape_cast %concatenate3A_375 : vector<16x128xi32> to vector<1x16x128xi32>
    tpu.vector_store %arg10[%swap3A_389, %swap3A_390, %swap3A_391], %swap3A_394 {strides = array<i32>} : memref<1x16x128xi32, #tpu.memory_space<vmem>>, vector<1x16x128xi32>,
    return
  }
  func.func @transform_0(%arg0: i32) -> (i32, i32, i32) {
    %jit3A = arith.constant 6 : i32
    %div3A = arith.divsi %arg0, %jit3A : i32
    %sign3A = arith.constant 0 : i32
    %sign3A_0 = arith.cmpi sgt, %arg0, %sign3A : i32
    %sign3A_1 = arith.extui %sign3A_0 : i1 to i32
    %sign3A_2 = arith.constant 0 : i32
    %sign3A_3 = arith.cmpi slt, %arg0, %sign3A_2 : i32
    %sign3A_4 = arith.extui %sign3A_3 : i1 to i32
    %sign3A_5 = arith.subi %sign3A_1, %sign3A_4 : i32
    %sign3A_6 = arith.constant 0 : i32
    %sign3A_7 = arith.cmpi sgt, %jit3A, %sign3A_6 : i32
    %sign3A_8 = arith.extui %sign3A_7 : i1 to i32
    %sign3A_9 = arith.constant 0 : i32
    %sign3A_10 = arith.cmpi slt, %jit3A, %sign3A_9 : i32
    %sign3A_11 = arith.extui %sign3A_10 : i1 to i32
    %sign3A_12 = arith.subi %sign3A_8, %sign3A_11 : i32
    %ne3A = arith.cmpi ne, %sign3A_5, %sign3A_12 : i32
    %rem3A = arith.remsi %arg0, %jit3A : i32
    %ne3A_13 = arith.constant 0 : i32
    %ne3A_14 = arith.cmpi ne, %rem3A, %ne3A_13 : i32
    %and3A = arith.andi %ne3A, %ne3A_14 : i1
    %sub3A = arith.constant 1 : i32
    %sub3A_15 = arith.subi %div3A, %sub3A : i32
    %select_n3A = arith.select %and3A, %sub3A_15, %div3A : i32
    %jit3A_16 = arith.constant 6 : i32
    %eq3A = arith.constant 0 : i32
    %eq3A_17 = arith.cmpi eq, %jit3A_16, %eq3A : i32
    %jit3A_18 = arith.constant 1 : i32
    %select_n3A_19 = arith.select %eq3A_17, %jit3A_18, %jit3A_16 : i32
    %rem3A_20 = arith.remsi %arg0, %select_n3A_19 : i32
    %ne3A_21 = arith.constant 0 : i32
    %ne3A_22 = arith.cmpi ne, %rem3A_20, %ne3A_21 : i32
    %lt3A = arith.constant 0 : i32
    %lt3A_23 = arith.cmpi slt, %rem3A_20, %lt3A : i32
    %lt3A_24 = arith.constant 0 : i32
    %lt3A_25 = arith.cmpi slt, %select_n3A_19, %lt3A_24 : i32
    %ne3A_26 = arith.xori %lt3A_23, %lt3A_25 : i1
    %and3A_27 = arith.andi %ne3A_26, %ne3A_22 : i1
    %add3A = arith.addi %rem3A_20, %select_n3A_19 : i32
    %select_n3A_28 = arith.select %and3A_27, %add3A, %rem3A_20 : i32
    %c0_i32 = arith.constant 0 : i32
    %c0_i32_29 = arith.constant 0 : i32
    return %select_n3A, %c0_i32, %select_n3A_28 : i32, i32, i32
  }
  func.func @transform_1(%arg0: i32) -> (i32, i32, i32) {
    %jit3A = arith.constant 6 : i32
    %div3A = arith.divsi %arg0, %jit3A : i32
    %sign3A = arith.constant 0 : i32
    %sign3A_0 = arith.cmpi sgt, %arg0, %sign3A : i32
    %sign3A_1 = arith.extui %sign3A_0 : i1 to i32
    %sign3A_2 = arith.constant 0 : i32
    %sign3A_3 = arith.cmpi slt, %arg0, %sign3A_2 : i32
    %sign3A_4 = arith.extui %sign3A_3 : i1 to i32
    %sign3A_5 = arith.subi %sign3A_1, %sign3A_4 : i32
    %sign3A_6 = arith.constant 0 : i32
    %sign3A_7 = arith.cmpi sgt, %jit3A, %sign3A_6 : i32
    %sign3A_8 = arith.extui %sign3A_7 : i1 to i32
    %sign3A_9 = arith.constant 0 : i32
    %sign3A_10 = arith.cmpi slt, %jit3A, %sign3A_9 : i32
    %sign3A_11 = arith.extui %sign3A_10 : i1 to i32
    %sign3A_12 = arith.subi %sign3A_8, %sign3A_11 : i32
    %ne3A = arith.cmpi ne, %sign3A_5, %sign3A_12 : i32
    %rem3A = arith.remsi %arg0, %jit3A : i32
    %ne3A_13 = arith.constant 0 : i32
    %ne3A_14 = arith.cmpi ne, %rem3A, %ne3A_13 : i32
    %and3A = arith.andi %ne3A, %ne3A_14 : i1
    %sub3A = arith.constant 1 : i32
    %sub3A_15 = arith.subi %div3A, %sub3A : i32
    %select_n3A = arith.select %and3A, %sub3A_15, %div3A : i32
    %jit3A_16 = arith.constant 6 : i32
    %eq3A = arith.constant 0 : i32
    %eq3A_17 = arith.cmpi eq, %jit3A_16, %eq3A : i32
    %jit3A_18 = arith.constant 1 : i32
    %select_n3A_19 = arith.select %eq3A_17, %jit3A_18, %jit3A_16 : i32
    %rem3A_20 = arith.remsi %arg0, %select_n3A_19 : i32
    %ne3A_21 = arith.constant 0 : i32
    %ne3A_22 = arith.cmpi ne, %rem3A_20, %ne3A_21 : i32
    %lt3A = arith.constant 0 : i32
    %lt3A_23 = arith.cmpi slt, %rem3A_20, %lt3A : i32
    %lt3A_24 = arith.constant 0 : i32
    %lt3A_25 = arith.cmpi slt, %select_n3A_19, %lt3A_24 : i32
    %ne3A_26 = arith.xori %lt3A_23, %lt3A_25 : i1
    %and3A_27 = arith.andi %ne3A_26, %ne3A_22 : i1
    %add3A = arith.addi %rem3A_20, %select_n3A_19 : i32
    %select_n3A_28 = arith.select %and3A_27, %add3A, %rem3A_20 : i32
    %c0_i32 = arith.constant 0 : i32
    %c0_i32_29 = arith.constant 0 : i32
    return %select_n3A, %c0_i32, %select_n3A_28 : i32, i32, i32
  }
  func.func @transform_2(%arg0: i32) -> (i32, i32) {
    %c0_i32 = arith.constant 0 : i32
    %c0_i32_0 = arith.constant 0 : i32
    %c0_i32_1 = arith.constant 0 : i32
    return %c0_i32, %c0_i32_0 : i32, i32
  }
  func.func @transform_3(%arg0: i32) -> (i32, i32) {
    %c0_i32 = arith.constant 0 : i32
    %c0_i32_0 = arith.constant 0 : i32
    %c0_i32_1 = arith.constant 0 : i32
    return %c0_i32, %c0_i32_0 : i32, i32
  }
  func.func @transform_4(%arg0: i32) -> (i32, i32) {
    %c0_i32 = arith.constant 0 : i32
    %c0_i32_0 = arith.constant 0 : i32
    %c0_i32_1 = arith.constant 0 : i32
    return %c0_i32, %c0_i32_0 : i32, i32
  }
  func.func @transform_5(%arg0: i32) -> (i32, i32) {
    %c0_i32 = arith.constant 0 : i32
    %c0_i32_0 = arith.constant 0 : i32
    %c0_i32_1 = arith.constant 0 : i32
    return %c0_i32, %c0_i32_0 : i32, i32
  }
  func.func @transform_6(%arg0: i32) -> (i32, i32) {
    %c0_i32 = arith.constant 0 : i32
    %c0_i32_0 = arith.constant 0 : i32
    %c0_i32_1 = arith.constant 0 : i32
    return %c0_i32, %c0_i32_0 : i32, i32
  }
  func.func @transform_7(%arg0: i32) -> (i32, i32) {
    %c0_i32 = arith.constant 0 : i32
    %c0_i32_0 = arith.constant 0 : i32
    %c0_i32_1 = arith.constant 0 : i32
    return %c0_i32, %c0_i32_0 : i32, i32
  }
  func.func @transform_8(%arg0: i32) -> (i32, i32, i32) {
    %c0_i32 = arith.constant 0 : i32
    %c0_i32_0 = arith.constant 0 : i32
    %c0_i32_1 = arith.constant 0 : i32
    return %arg0, %c0_i32, %c0_i32_0 : i32, i32, i32
  }
  func.func @transform_9(%arg0: i32) -> (i32, i32, i32) {
    %c0_i32 = arith.constant 0 : i32
    %c0_i32_0 = arith.constant 0 : i32
    %c0_i32_1 = arith.constant 0 : i32
    return %arg0, %c0_i32, %c0_i32_0 : i32, i32, i32
  }
}

</mosaic_0001>

<sc_bundles>
// kernel: kernel.6.cloned.1.call-start
scs
__scs_entry_jumppad:
0x0: {  	(pc) =	sbr.rel $0x88, $3  }
0x1: {  	(tag) =	ssettag $0x0;
	lr =	simm.s32 $0x1  }
0x2: {  	[smem:$0x3F9E] =	sst lr;
	_ =	strace $0xD0000000  }
0x3: {  	_ = 	snop  }
0x4: {  	_ = 	snop  }
0x5: {  	_ = 	snop  }
0x6: {  	_ = 	snop  }
0x7: {  	_ = 	snop  }
__scs_overlays_trampoline_lowered:
0x8: {  	[smem:$0x3FAD] =	sst s0  }
0x9: {  	[smem:$0x3FAE] =	sst s1  }
0xa: {  	[smem:$0x3FAF] =	sst s2  }
0xb: {  	[smem:$0x3FB0] =	sst s3  }
0xc: {  	[smem:$0x3FB1] =	sst s4  }
0xd: {  	[smem:$0x3FB2] =	sst s5  }
0xe: {  	[smem:$0x3FB3] =	sst s6  }
0xf: {  	[smem:$0x3FB4] =	sst s7  }
0x10: {  	[smem:$0x3FB5] =	sst s8  }
0x11: {  	[smem:$0x3FB6] =	sst s9;
	s0 =	simm.s32 @!p0 $0x0  }
0x12: {  	s1 =	sld [smem:$0x3F9C];
	s0 =	simm.s32 @p0 $0x1  }
0x13: {  	[smem:$0x3FB7] =	sst s0;
	s0 =	simm.s32 @!p1 $0x0  }
0x14: {  	s2 =	sld [smem:$0x3F9B];
	s0 =	simm.s32 @p1 $0x1  }
0x15: {  	[smem:$0x3FB8] =	sst s0;
	s0 =	simm.s32 @!p2 $0x0  }
0x16: {  	s3 =	sld [smem:$0x3FDB];
	s0 =	simm.s32 @p2 $0x1  }
0x17: {  	s4 =	simm.s32 $0x1BF5;
	[smem:$0x3FBA] =	sst s0  }
0x18: {  	s0 =	sld [smem:$0x3F9D];
	_ =	swait.ge [sflag:s4], $0x0  }
0x19: {  	s7 =	sld [smem:$0x3F9E]  }
0x1a: {  	s8 =	sadd.s32 $0xFFFFE003, lr  }
0x1b: {  	s9 =	sadd.s32 $0xFFFFFEF7, lr;
	s5 =	simm.s32 $0xFFFFFFFF;
	p2 =	slt.u32 s8, $0xFFFFF086  }
0x1c: {  	p1 =	slt.u32 s9, $0xF7A;
	s5 =	simm.s32 @!p2 $0x0  }
0x1d: {  	s5 =	simm.s32 @p1 $0x1;
	p0 =	seq.s32 s7, s2  }
0x1e: {  	s7 =	smul.u32 @!p0 $0xF7A, s2;
	p2 =	seq.s32 @!p0 s5, $0x0  }
0x1f: {  	s9 =	smul.u32 $0xF7A, s1;
	s8 =	simm.s32 @!p0 $0x1BF5;
	p2 =	por !p2, p0  }
0x20: {  	[sflag:s8] =	ssyncset.s32 @!p0 $0xFFFFF086;
	s6 =	sadd.s32 @!p0 s3, s7;
	s7 =	simm.s32 @!p0 $0x108  }
0x21: {  	s3 =	sadd.s32 s3, s9;
	s6 =	sadd.s32 @!p0 $0x88, s6;
	s7 =	simm.s32 @p2 $0x1082  }
0x22: {  	[simem:s7], [sflag:s8] =	dma.local @!p0 [hbm:s6], $0xF7A  }
0x23: {  	s9 =	sor.u32 $0xD0000000, s2;
	s6 =	simm.s32 $0x108;
	_ =	swait.ge @!p0 [sflag:s8], $0x0  }
0x24: {  	s3 =	sadd.s32 $0x88, s3;
	s6 =	simm.s32 @!p1 $0x1082;
	[sflag:s4] =	ssyncset.s32 $0xFFFFF086  }
0x25: {  	[simem:s6], [sflag:s4] =	dma.local [hbm:s3], $0xF7A  }
0x26: {  	[smem:$0x3F9E] =	sst s1;
	(tag) =	ssettag s2;
	_ =	strace s9  }
0x27: {  	s1 =	sld [smem:$0x3FAE]  }
0x28: {  	s2 =	sld [smem:$0x3FAF]  }
0x29: {  	s4 =	sld [smem:$0x3FB1]  }
0x2a: {  	p0 =	seq.s32 s5, $0x0;
	s5 =	sld [smem:$0x3FB2]  }
0x2b: {  	s6 =	sld [smem:$0x3FB3]  }
0x2c: {  	s7 =	sld [smem:$0x3FB4]  }
0x2d: {  	s3 =	simm.s32 $0x108;
	s8 =	sld [smem:$0x3FB5]  }
0x2e: {  	s3 =	simm.s32 @!p0 $0x1082;
	s9 =	sld [smem:$0x3FB6]  }
0x2f: {  	lr =	sadd.s32 s0, s3;
	s0 =	sld [smem:$0x3FAD]  }
0x30: {  	s3 =	sld [smem:$0x3FB0]  }
0x31: {  	[smem:$0x3FB9] =	sst s10  }
0x32: {  	s10 =	sld [smem:$0x3FB7];
	_ =	sdelay $0x3  }
0x33: {  	p0 =	seq.s32 s10, $0x1;
	s10 =	sld [smem:$0x3FB9];
	_ =	sdelay $0x3  }
0x34: {  	[smem:$0x3FB9] =	sst s10  }
0x35: {  	s10 =	sld [smem:$0x3FB8];
	_ =	sdelay $0x3  }
0x36: {  	p1 =	seq.s32 s10, $0x1;
	s10 =	sld [smem:$0x3FB9];
	_ =	sdelay $0x3  }
0x37: {  	[smem:$0x3FB9] =	sst s10  }
0x38: {  	s10 =	sld [smem:$0x3FBA]  }
0x39: {  	_ = 	snop;
	(pc) =	sbr.ind lr, $3  }
0x3a: {  	_ = 	snop  }
0x3b: {  	_ = 	snop  }
0x3c: {  	p2 =	seq.s32 s10, $0x1;
	s10 =	sld [smem:$0x3FB9]  }
0x3d: {  	_ =	shalt  }
0x3e: {  	_ =	shalt  }
0x3f: {  	_ =	shalt  }
0x40: {  	_ =	shalt  }
0x41: {  	_ =	shalt  }
0x42: {  	_ =	shalt  }
0x43: {  	_ =	shalt  }
0x44: {  	_ =	shalt  }
0x45: {  	_ =	shalt  }
0x46: {  	_ =	shalt  }
0x47: {  	_ =	shalt  }
0x48: {  	_ =	shalt  }
0x49: {  	_ =	shalt  }
0x4a: {  	_ =	shalt  }
0x4b: {  	_ =	shalt  }
0x4c: {  	_ =	shalt  }
0x4d: {  	_ =	shalt  }
0x4e: {  	_ =	shalt  }
0x4f: {  	_ =	shalt  }
0x50: {  	_ =	shalt  }
0x51: {  	_ =	shalt  }
0x52: {  	_ =	shalt  }
0x53: {  	_ =	shalt  }
0x54: {  	_ =	shalt  }
0x55: {  	_ =	shalt  }
0x56: {  	_ =	shalt  }
0x57: {  	_ =	shalt  }
0x58: {  	_ =	shalt  }
0x59: {  	_ =	shalt  }
0x5a: {  	_ =	shalt  }
0x5b: {  	_ =	shalt  }
0x5c: {  	_ =	shalt  }
0x5d: {  	_ =	shalt  }
0x5e: {  	_ =	shalt  }
0x5f: {  	_ =	shalt  }
0x60: {  	_ =	shalt  }
0x61: {  	_ =	shalt  }
0x62: {  	_ =	shalt  }
0x63: {  	_ =	shalt  }
0x64: {  	_ =	shalt  }
0x65: {  	_ =	shalt  }
0x66: {  	_ =	shalt  }
0x67: {  	_ =	shalt  }
0x68: {  	_ =	shalt  }
0x69: {  	_ =	shalt  }
0x6a: {  	_ =	shalt  }
0x6b: {  	_ =	shalt  }
0x6c: {  	_ =	shalt  }
0x6d: {  	_ =	shalt  }
0x6e: {  	_ =	shalt  }
0x6f: {  	_ =	shalt  }
0x70: {  	_ =	shalt  }
0x71: {  	_ =	shalt  }
0x72: {  	_ =	shalt  }
0x73: {  	_ =	shalt  }
0x74: {  	_ =	shalt  }
0x75: {  	_ =	shalt  }
0x76: {  	_ =	shalt  }
0x77: {  	_ =	shalt  }
0x78: {  	_ =	shalt  }
0x79: {  	_ =	shalt  }
0x7a: {  	_ =	shalt  }
0x7b: {  	_ =	shalt  }
0x7c: {  	_ =	shalt  }
0x7d: {  	_ =	shalt  }
0x7e: {  	_ =	shalt  }
0x7f: {  	_ =	shalt  }
0x80: {  	_ =	shalt  }
0x81: {  	_ =	shalt  }
0x82: {  	_ =	shalt  }
0x83: {  	_ =	shalt  }
0x84: {  	_ =	shalt  }
0x85: {  	_ =	shalt  }
0x86: {  	_ =	shalt  }
0x87: {  	_ =	shalt  }
.Lfunc_end0:
.L_simem_size_0:
called_computation.1_lowered:
.L_overlay_start_0:
0x88: {  	s2 =	sld [smem:$0x3FD9]  }
0x89: {  	s3 =	sld [smem:$0x3FFE];
	_ =	sdelay $0x1  }
0x8a: {  	s1 =	srdreg.scid  }
0x8b: {  	s0 =	sand.u32 $0x1, s1  }
0x8c: {  	s16 =	sshll.u32 s0, $0xA;
	s2 =	sadd.s32 s3, s2  }
0x8d: {  	s2 =	sadd.s32 s2, s16  }
0x8e: {  	[smem:$0x3FC5] =	sst s2  }
0x8f: {  	_ = 	snop  }
0x90: {  	(tm) =	ssettm $0x1  }
0x91: {  	s17 =	sld [smem:$0x3FFB];
	_ =	sdelay $0x3  }
0x92: {  	_ =	strace s17  }
0x93: {  	s2 =	sld [smem:$0x3FFC];
	_ =	sdelay $0x3  }
0x94: {  	_ =	strace s2  }
0x95: {  	s2 =	sld [smem:$0x3FFD];
	_ =	sdelay $0x3  }
0x96: {  	_ =	strace s2  }
0x97: {  	_ =	strace $0x8FFFFFFF  }
0x98: {  	s18 =	sld [smem:$0x3FDB];
	_ =	sdelay $0x1  }
0x99: {  	s19 =	simm.s32 $_scs_section_size  }
0x9a: {  	s4 =	simm.s32 $_size__tile_overlayer_lowered;
	s5 =	simm.s32 $_tile_overlayer_lowered  }
0x9b: {  	s22 =	simm.s32 $0x1BFF;
	s21 =	sshll.u32 s5, $0x1;
	s2 =	sadd.s32 s19, s18  }
0x9c: {  	s6 =	simm.s32 $0x0;
	s20 =	sshll.u32 s4, $0x1;
	s4 =	sadd.s32 s21, s2  }
0x9d: {  	[timem:s6], [sflag:s22] =	dma.local [hbm:s4], s20  }
0x9e: {  	_ =	swait.ge [sflag:s22], s20  }
0x9f: {  	s3 =	ssub.s32 $0x0, s20;
	[sflag:s22] =	ssyncset.done $0x0  }
0xa0: {  	[sflag:s22] =	ssyncadd.s32 s3;
	_ =	sdelay $0x1  }
0xa1: {  	s23 =	simm.s32 $0x1B8B  }
0xa2: {  	_ =	swait.ge [sflag:s23], $0x1  }
0xa3: {  	[sflag:s23] =	ssyncset.done $0x0  }
0xa4: {  	s25 =	simm.s32 $0x1B8E;
	s24 =	sld [smem:$0x3FFE];
	[sflag:s23] =	ssyncadd.s32 $0xFFFFFFFF  }
0xa5: {  	s26 =	simm.s32 $execute0_lowered;
	[smem:$0x3FD2] =	sst s25  }
0xa6: {  	s4 =	sshll.u32 s26, $0x1;
	_ =	strace $0x80000046;
	[dreg:$0x1] =	wrdreg $0xFFFFFFFF  }
0xa7: {  	s28 =	simm.s32 $_size_execute0_lowered;
	s2 =	sadd.s32 s2, s4;
	[dreg:$0x0] =	wrdreg $0x0  }
0xa8: {  	s4 =	sshll.u32 s28, $0x1;
	[dreg:$0x2] =	wrdreg s2  }
0xa9: {  	[dreg:$0x3] =	wrdreg s4  }
0xaa: {  	[dreg:$0x4] =	wrdreg $0xC0  }
0xab: {  	_ =	task [dreg:s6], $0x5FFFF  }
0xac: {  	[dreg:$0x1] =	wrdreg $0xFFFFFFFF  }
0xad: {  	[dreg:$0x0] =	wrdreg $0x60  }
0xae: {  	[dreg:$0x2] =	wrdreg s24  }
0xaf: {  	[dreg:$0x3] =	wrdreg $0x9  }
0xb0: {  	_ =	task.clear_ibuf [dreg:s6], $0x4FFFF;
	_ =	strace $0x90000046  }
0xb1: {  	s29 =	simm.s32 $0x9;
	_ =	strace $0x80000048  }
0xb2: {  	_ =	swait.ge [sflag:s29], $0x1  }
0xb3: {  	[sflag:s29] =	ssyncadd.s32 $0xFFFFFFFF  }
0xb4: {  	_ =	strace $0x90000048  }
0xb5: {  	_ =	sfence  }
0xb6: {  	s30 =	sld [smem:$0x0];
	_ =	sdelay $0x2  }
0xb7: {  	s31 =	sshll.u32 s1, $0xD;
	s1 =	sshrl.u32 s1, $0x2  }
0xb8: {  	s3 =	sand.u32 $0x4000, s31;
	s1 =	sadd.s32 s1, s30  }
0xb9: {  	s0 =	sor.u32 s3, s0;
	s1 =	sshll.u32 s1, $0x11  }
0xba: {  	s0 =	sor.u32 s1, s0  }
0xbb: {  	s0 =	sadd.s32 $0x8F2B, s0  }
0xbc: {  	[sflag:s0] =	ssyncadd.remote.s32 $0x1  }
0xbd: {  	_ =	sfence.sel $0xFFFF  }
0xbe: {  	[dreg:$0x0] =	wrdreg $0xFFFFFFFF;
	(pc) =	sbr.abs _section_cstart, $3  }
0xbf: {  	[dreg:$0x1] =	wrdreg $0xFFFFFFFF  }
0xc0: {  	_ =	task.clear_ibuf [dreg:s6], $0x2FFFF;
	_ =	strace $0x9FFFFFFF  }
0xc1: {  	(tm) =	ssettm $0x7FFFFFFF  }
tec
execute0_lowered:
.L_overlay_start_1:
0x0: {  	(tag) =	ssettag $0x1  }
0x1: {  	s6 =	rddreg [dreg:$0x0]  }
0x2: {  	s0 =	rddreg [dreg:$0x1]  }
0x3: {  	s1 =	simm.s32 $0x0;
	s2 =	srdreg.scid;
	s11 =	simm.s32 $0x1  }
0x4: {  	s12 =	simm.s32 $0x2000;
	s13 =	simm.s32 $0x2080;
	s14 =	simm.s32 $0x2100  }
0x5: {  	vm0 =	vmmov $0x7fff;
	vm1 =	vmmov $0x1;
	s15 =	simm.s32 $0x0;
	[smem:$0x7FF] =	sst s1;
	s3 =	sadd.s32 $0x241E00, s6  }
0x6: {  	vm2 =	vcmask $0x308;
	vm3 =	vcmask $0x70C;
	vm4 =	vcmask $0xB10;
	s7 =	sand.u32 $0x1, s2;
	s4 =	sadd.s32 $0x1E00, s6;
	s2 =	stileid.u32  }
0x7: {  	vm5 =	vcmask $0xF14;
	vm6 =	vcmask $0x1318;
	vm7 =	vcmask $0x171C;
	s5 =	sadd.s32 $0x7E00, s6;
	s6 =	sadd.s32 $0x301E00, s6;
	s8 =	ssub.s32 $0x2, s7  }
0x8: {  	vm8 =	vcmask $0x1B20;
	vm9 =	vcmask $0x1F24;
	vm10 =	vcmask $0x2328;
	_ =	strace $0x80000047;
	s10 =	sshll.u32 s2, $0x1;
	s9 =	sshrl.u32 s8, $0x1  }
0x9: {  	vm11 =	vcmask $0x272C;
	vm12 =	vcmask $0x2B30;
	vm13 =	vcmask $0x2F34;
	s7 =	sor.u32 s7, s10;
	s10 =	simm.s32 $0x400;
	s8 =	ssub.s32 s8, s9  }
0xa: {  	vm14 =	vcmask $0x3338;
	vm15 =	vcmask $0x373C;
	v55 =	vlaneseq.u32;
	s7 =	smul.u32 $0x30, s7;
	s9 =	simm.s32 $0x80;
	s8 =	smax.u32 s8, $0x1  }
.LBB2_1:
0xb: {  	s16 =	simm.s32 $0x0  }
.LBB2_2:
0xc: {  	s17 =	sadd.s32 s7, s16  }
0xd: {  	s30 =	sshll.u32 s16, $0x7;
	s19 =	sshrl.u32 s17, $0x3  }
0xe: {  	s20 =	sand.u32 $0x380, s30;
	s18 =	sshll.u32 s19, $0xF  }
0xf: {  	s17 =	sor.u32 s20, s18  }
0x10: {  	s17 =	sshrl.u32 s17, $0x3  }
0x11: {  	s19 =	sshll.u32 s19, $0xA;
	s18 =	simm.s32 $0x0;
	s21 =	sadd.s32 s3, s17  }
0x12: {  	[tilespmem:s18], [sflag:$0x1] =	stream.strided.gather [hbm4b:s21+s9], $0x1000, s10, s9, $0x38;
	[tilespmem:$0x3100] =	vst v63  }
0x13: {  	s19 =	sor.u32 s20, s19;
	_ =	swait.ge [sflag:s11], $0x1000  }
0x14: {  	s19 =	sshrl.u32 s19, $0x3;
	[sflag:s11] =	ssyncset.done $0x0  }
0x15: {  	s31 =	sadd.s32 s4, s19;
	[sflag:s11] =	ssyncadd.s32 $0xFFFFF000  }
0x16: {  	[tilespmem:s12], [sflag:$0x1] =	stream.linear.gather [hbm4b:s31+s18], $0x80, $0x38;
	[tilespmem:$0x3100] =	vst v63  }
0x17: {  	_ =	swait.ge [sflag:s11], $0x80  }
0x18: {  	[sflag:s11] =	ssyncset.done $0x0  }
0x19: {  	s19 =	sadd.s32 s5, s19;
	[sflag:s11] =	ssyncadd.s32 $0xFFFFFF80  }
0x1a: {  	[tilespmem:s13], [sflag:$0x1] =	stream.linear.gather [hbm4b:s19+s18], $0x80, $0x38;
	[tilespmem:$0x3100] =	vst v63  }
0x1b: {  	_ =	swait.ge [sflag:s11], $0x80  }
0x1c: {  	[sflag:s11] =	ssyncset.done $0x0  }
0x1d: {  	[sflag:s11] =	ssyncadd.s32 $0xFFFFFF80  }
0x1e: {  	v1 =	vld [tilespmem:$0xFF0];
	_ =	sdelay $0x4  }
0x1f: {  	v1 =	vsel vm0, $0x0, v1  }
0x20: {  	(xrf2) =	vadd.scan.msk.f32 $0xffff, v1;
	_ =	sdelay $0x9  }
0x21: {  	v1, _, _ =	vpop (xrf2)  }
0x22: {  	v1 =	vbroadcast v1, $0xF  }
0x23: {  	s19 =	simm.s32 $0x1030  }
0x24: {  	[tilespmem:s19+$0x0] =	vst v1  }
0x25: {  	[tilespmem:s19+$0xFFFFFFF0] =	vst v1  }
0x26: {  	s20 =	simm.s32 $0x0;
	s21 =	sand.u32 $0xFC0, s18;
	[tilespmem:s19+$0xFFFFFFE0] =	vst v1  }
.LBB2_3:
0x27: {  	s20 =	sadd.s32 $0x4, s20  }
0x28: {  	[tilespmem:s21+$0x1000] =	vst v1;
	s19 =	sadd.s32 $0x40, s19;
	s18 =	sadd.s32 $0x40, s18;
	p0 =	slt.u32 s20, $0xFC  }
.Ltmp0:
0x29: {  	(pc) =	sbr.rel @p0 .LBB2_3-.Ltmp0, $4  }
0x2a: {  	_ = 	snop  }
0x2b: {  	[tilespmem:s19+$0x0] =	vst v1  }
0x2c: {  	[tilespmem:s19+$0xFFFFFFF0] =	vst v1  }
0x2d: {  	s21 =	sand.u32 $0xFC0, s18;
	[tilespmem:s19+$0xFFFFFFE0] =	vst v1  }
0x2e: {  	[tilespmem:s21+$0x1000] =	vst v1  }
0x2f: {  	v1 =	vld [tilespmem:$0x2000];
	_ =	sdelay $0x4  }
0x30: {  	v2 =	vnsel vm1, $0x0, v1  }
0x31: {  	(xrf2) =	vadd.scan.msk.f32 $0xffff, v2;
	v2 =	vsel vm2, $0x0, v1  }
0x32: {  	(xrf2) =	vadd.scan.msk.f32 $0xffff, v2;
	v2 =	vsel vm3, $0x0, v1  }
0x33: {  	(xrf2) =	vadd.scan.msk.f32 $0xffff, v2;
	v2 =	vsel vm4, $0x0, v1  }
0x34: {  	(xrf2) =	vadd.scan.msk.f32 $0xffff, v2;
	v2 =	vsel vm5, $0x0, v1  }
0x35: {  	(xrf2) =	vadd.scan.msk.f32 $0xffff, v2;
	v2 =	vsel vm6, $0x0, v1  }
0x36: {  	(xrf2) =	vadd.scan.msk.f32 $0xffff, v2;
	v2 =	vsel vm7, $0x0, v1  }
0x37: {  	(xrf2) =	vadd.scan.msk.f32 $0xffff, v2;
	v2 =	vsel vm8, $0x0, v1  }
0x38: {  	(xrf2) =	vadd.scan.msk.f32 $0xffff, v2;
	v2 =	vsel vm9, $0x0, v1  }
0x39: {  	(xrf2) =	vadd.scan.msk.f32 $0xffff, v2;
	v2 =	vsel vm10, $0x0, v1  }
0x3a: {  	(xrf2) =	vadd.scan.msk.f32 $0xffff, v2;
	v2 =	vsel vm11, $0x0, v1  }
0x3b: {  	v23 =	vld [tilespmem:$0x2080];
	v3, _, _ =	vpop (xrf2);
	(xrf2) =	vadd.scan.msk.f32 $0xffff, v2;
	v2 =	vsel vm12, $0x0, v1  }
0x3c: {  	v4, _, _ =	vpop (xrf2);
	(xrf2) =	vadd.scan.msk.f32 $0xffff, v2  }
0x3d: {  	v2 =	vsel vm13, $0x0, v1;
	v5, _, _ =	vpop (xrf2)  }
0x3e: {  	(xrf2) =	vadd.scan.msk.f32 $0xffff, v2;
	v2 =	vsel vm14, $0x0, v1;
	v6, _, _ =	vpop (xrf2)  }
0x3f: {  	(xrf2) =	vadd.scan.msk.f32 $0xffff, v2;
	v2 =	vsel vm15, $0x0, v1;
	v7, _, _ =	vpop (xrf2)  }
0x40: {  	(xrf2) =	vadd.scan.msk.f32 $0xffff, v2;
	v2 =	vnsel vm1, $0x0, v23;
	v8, _, _ =	vpop (xrf2)  }
0x41: {  	v12 =	vsel vm0, $0x0, v1;
	(xrf0) =	vadd.scan.msk.s32 $0xffff, v2;
	v9, _, _ =	vpop (xrf2)  }
0x42: {  	v2 =	vsel vm2, $0x0, v23;
	(xrf2) =	vadd.scan.msk.f32 $0xffff, v12;
	v10, _, _ =	vpop (xrf2)  }
0x43: {  	s18 =	simm.s32 $0x0;
	v12 =	vsel vm3, $0x0, v23;
	(xrf0) =	vadd.scan.msk.s32 $0xffff, v2;
	v11, _, _ =	vpop (xrf2)  }
0x44: {  	s29 =	simm.s32 $0x10;
	v34 =	vor.u32 s18, v55;
	v1 =	vbroadcast v3, $0xF;
	(xrf0) =	vadd.scan.msk.s32 $0xffff, v12;
	v12 =	vsel vm4, $0x0, v23;
	v13, _, _ =	vpop (xrf2)  }
0x45: {  	v33 =	vor.u32 s29, v55;
	v3 =	vbroadcast v5, $0xF;
	v5 =	vbroadcast v7, $0xF;
	v14, _, _ =	vpop (xrf2)  }
0x46: {  	v15 =	vsel vm5, $0x0, v23;
	v2 =	vbroadcast v4, $0xF;
	v4 =	vbroadcast v6, $0xF;
	(xrf0) =	vadd.scan.msk.s32 $0xffff, v12;
	v16, _, _ =	vpop (xrf2)  }
0x47: {  	v21 =	vsel vm9, $0x0, v23;
	v6 =	vbroadcast v8, $0xF;
	v7 =	vbroadcast v9, $0xF;
	v12, _, _ =	vpop (xrf0)  }
0x48: {  	v29 =	vsel vm13, $0x0, v23;
	v8 =	vbroadcast v13, $0xF;
	v18, _, _ =	vpop (xrf2);
	v13 =	vbroadcast v12, $0xF  }
0x49: {  	v10 =	vbroadcast v10, $0xF;
	v9 =	vbroadcast v14, $0xF;
	(xrf0) =	vadd.scan.msk.s32 $0xffff, v15;
	v14 =	vsel vm6, $0x0, v23;
	v12, _, _ =	vpop (xrf0)  }
0x4a: {  	(xrf0) =	vadd.scan.msk.s32 $0xffff, v14;
	v14 =	vsel vm7, $0x0, v23;
	v20, _, _ =	vpop (xrf2);
	v15 =	vbroadcast v12, $0xF;
	v22 =	vadd.s32 v13, v34  }
0x4b: {  	v12 =	vbroadcast v16, $0xF;
	v16, _, _ =	vpop (xrf0);
	(xrf0) =	vadd.scan.msk.s32 $0xffff, v14;
	v14 =	vsel vm8, $0x0, v23;
	v28 =	vadd.s32 v13, v33  }
0x4c: {  	v11 =	vbroadcast v11, $0xF;
	v17 =	vbroadcast v16, $0xF;
	v16, _, _ =	vpop (xrf0);
	(xrf0) =	vadd.scan.msk.s32 $0xffff, v14;
	v24 =	vadd.s32 v15, v34  }
0x4d: {  	v25, _, _ =	vpop (xrf2);
	v19 =	vbroadcast v16, $0xF;
	(xrf0) =	vadd.scan.msk.s32 $0xffff, v21;
	v16 =	vsel vm10, $0x0, v23;
	v32 =	vadd.s32 v15, v33  }
0x4e: {  	v14 =	vbroadcast v18, $0xF;
	v18 =	vsel vm11, $0x0, v23;
	v26, _, _ =	vpop (xrf2);
	(xrf0) =	vadd.scan.msk.s32 $0xffff, v16;
	v27 =	vadd.s32 v17, v34  }
0x4f: {  	v16 =	vbroadcast v20, $0xF;
	v37 =	vadd.s32 v17, v33;
	v20, _, _ =	vpop (xrf0);
	(xrf0) =	vadd.scan.msk.s32 $0xffff, v18;
	v18 =	vsel vm12, $0x0, v23;
	v30 =	vld.idx.msk [tilespmem:v22+s1+$0x0], $0xffff  }
0x50: {  	v31 =	vadd.s32 v19, v34;
	v41 =	vadd.s32 v19, v33;
	v21 =	vbroadcast v20, $0xF;
	v20, _, _ =	vpop (xrf0);
	(xrf0) =	vadd.scan.msk.s32 $0xffff, v18;
	v39 =	vld.idx.msk [tilespmem:v28+s1+$0x0], $0xffff  }
0x51: {  	v18 =	vbroadcast v25, $0xF;
	v25, _, _ =	vpop (xrf0);
	(xrf0) =	vadd.scan.msk.s32 $0xffff, v29;
	v29 =	vsel vm14, $0x0, v23;
	v22 =	vbroadcast v20, $0xF;
	v35 =	vld.idx.msk [tilespmem:v24+s1+$0x0], $0xffff  }
0x52: {  	v20 =	vbroadcast v26, $0xF;
	v24, _, _ =	vpop (xrf0);
	(xrf0) =	vadd.scan.msk.s32 $0xffff, v29;
	v29 =	vsel vm15, $0x0, v23;
	v36 =	vadd.s32 v21, v34;
	v42 =	vld.idx.msk [tilespmem:v32+s1+$0x0], $0xffff  }
0x53: {  	v44 =	vadd.s32 v21, v33;
	v26, _, _ =	vpop (xrf0);
	(xrf0) =	vadd.scan.msk.s32 $0xffff, v29;
	v29 =	vsel vm0, $0x0, v23;
	v38 =	vld.idx.msk [tilespmem:v27+s1+$0x0], $0xffff;
	v23 =	vbroadcast v25, $0xF  }
0x54: {  	v24 =	vbroadcast v24, $0xF;
	v40 =	vadd.s32 v22, v34;
	v37 =	vld.idx.msk [tilespmem:v37+s1+$0x0], $0xffff;
	v59 =	vadd.s32 v22, v33;
	v27, _, _ =	vpop (xrf0)  }
0x55: {  	v25 =	vbroadcast v26, $0xF;
	v31 =	vld.idx.msk [tilespmem:v31+s1+$0x0], $0xffff;
	v26 =	vbroadcast v27, $0xF;
	v43 =	vadd.s32 v23, v34  }
0x56: {  	v41 =	vld.idx.msk [tilespmem:v41+s1+$0x0], $0xffff;
	v28, _, _ =	vpop (xrf0);
	v46 =	vadd.s32 v24, v34;
	v61 =	vadd.s32 v23, v33;
	v30 =	vmul.f32 v30, v1  }
0x57: {  	(xrf0) =	vadd.scan.msk.s32 $0xffff, v29;
	v63 =	vadd.s32 v24, v33;
	v29, _, _ =	vpop (xrf0);
	v27 =	vbroadcast v28, $0xF;
	v39 =	vmul.f32 v39, v1;
	v36 =	vld.idx.msk [tilespmem:v36+s1+$0x0], $0xffff  }
0x58: {  	v48 =	vadd.s32 v25, v34;
	v57 =	vmul.f32 v35, v2;
	v28 =	vbroadcast v29, $0xF;
	v44 =	vld.idx.msk [tilespmem:v44+s1+$0x0], $0xffff  }
0x59: {  	v50 =	vadd.s32 v25, v33;
	v58, _, _ =	vpop (xrf0);
	v42 =	vmul.f32 v42, v2;
	v38 =	vmul.f32 v38, v3;
	v40 =	vld.idx.msk [tilespmem:v40+s1+$0x0], $0xffff  }
0x5a: {  	v62 =	vadd.s32 v26, v34;
	v45, _, _ =	vpop (xrf0);
	v29 =	vbroadcast v58, $0xF;
	v35 =	vld.idx.msk [tilespmem:v59+s1+$0x0], $0xffff;
	v37 =	vmul.f32 v37, v3  }
0x5b: {  	v54 =	vadd.s32 v27, v34;
	v32 =	vadd.f32 v57, v30;
	v30 =	vbroadcast v45, $0xF;
	v43 =	vld.idx.msk [tilespmem:v43+s1+$0x0], $0xffff  }
0x5c: {  	v47, _, _ =	vpop (xrf0);
	v49 =	vmul.f32 v31, v4;
	v39 =	vadd.f32 v42, v39;
	v59 =	vadd.s32 v28, v34;
	v46 =	vld.idx.msk [tilespmem:v46+s1+$0x0], $0xffff  }
0x5d: {  	v58 =	vmul.f32 v41, v4;
	v60, _, _ =	vpop (xrf0);
	v31 =	vbroadcast v47, $0xF;
	v45 =	vld.idx.msk [tilespmem:v61+s1+$0x0], $0xffff;
	v38 =	vadd.f32 v38, v32  }
0x5e: {  	v32 =	vbroadcast v60, $0xF;
	v56 =	vld.idx.msk [tilespmem:v48+s1+$0x0], $0xffff;
	v48 =	vadd.s32 v26, v33;
	v37 =	vadd.f32 v37, v39  }
0x5f: {  	v36 =	vmul.f32 v36, v5;
	v52 =	vld.idx.msk [tilespmem:v62+s1+$0x0], $0xffff;
	v61 =	vmul.f32 v44, v5;
	v62 =	vadd.s32 v29, v34  }
0x60: {  	v38 =	vadd.f32 v49, v38;
	v53 =	vmul.f32 v40, v6;
	v49 =	vld.idx.msk [tilespmem:v63+s1+$0x0], $0xffff;
	v37 =	vadd.f32 v58, v37  }
0x61: {  	v63 =	vadd.s32 v28, v33;
	v35 =	vmul.f32 v35, v6;
	v41 =	vld.idx.msk [tilespmem:v59+s1+$0x0], $0xffff;
	v59 =	vadd.s32 v31, v34  }
0x62: {  	v40 =	vld.idx.msk [tilespmem:v54+s1+$0x0], $0xffff;
	v36 =	vadd.f32 v36, v38;
	v57 =	vmul.f32 v43, v7;
	v60 =	vmul.f32 v46, v10  }
0x63: {  	v46 =	vld.idx.msk [tilespmem:v50+s1+$0x0], $0xffff;
	v37 =	vadd.f32 v61, v37;
	v54 =	vmul.f32 v56, v11;
	v56 =	vadd.s32 v30, v34  }
0x64: {  	s30 =	simm.s32 $0x20;
	v45 =	vmul.f32 v45, v7;
	v42 =	vld.idx.msk [tilespmem:v48+s1+$0x0], $0xffff;
	v34 =	vadd.s32 v32, v34;
	v36 =	vadd.f32 v53, v36  }
0x65: {  	s31 =	simm.s32 $0x30;
	v53 =	vadd.s32 v27, v33;
	v37 =	vadd.f32 v35, v37;
	v35 =	vor.u32 s30, v55;
	v44 =	vld.idx.msk [tilespmem:v62+s1+$0x0], $0xffff  }
0x66: {  	v38 =	vor.u32 s31, v55;
	v51 =	vadd.s32 v13, v35;
	v50 =	vld.idx.msk [tilespmem:v63+s1+$0x0], $0xffff;
	v36 =	vadd.f32 v57, v36  }
0x67: {  	v61 =	vadd.s32 v13, v38;
	v58 =	vmul.f32 v52, v8;
	v63 =	vadd.s32 v17, v35;
	v43 =	vld.idx.msk [tilespmem:v59+s1+$0x0], $0xffff  }
0x68: {  	v40 =	vmul.f32 v40, v9;
	v57 =	vadd.s32 v29, v33;
	v36 =	vadd.f32 v60, v36;
	v39 =	vld.idx.msk [tilespmem:v56+s1+$0x0], $0xffff  }
0x69: {  	v52 =	vadd.s32 v15, v35;
	v37 =	vadd.f32 v45, v37;
	v60 =	vmul.f32 v49, v10;
	v34 =	vld.idx.msk [tilespmem:v34+s1+$0x0], $0xffff  }
0x6a: {  	v62 =	vmul.f32 v41, v12;
	v47 =	vld.idx.msk [tilespmem:v53+s1+$0x0], $0xffff;
	v56 =	vmul.f32 v44, v14;
	v36 =	vadd.f32 v54, v36  }
0x6b: {  	v37 =	vadd.f32 v60, v37;
	v54 =	vmul.f32 v46, v11;
	v44 =	vld.idx.msk [tilespmem:v51+s1+$0x0], $0xffff;
	v60 =	vadd.s32 v21, v35  }
0x6c: {  	v59 =	vadd.s32 v17, v38;
	v42 =	vmul.f32 v42, v8;
	v41 =	vld.idx.msk [tilespmem:v63+s1+$0x0], $0xffff;
	v36 =	vadd.f32 v58, v36  }
0x6d: {  	v46 =	vadd.s32 v15, v38;
	v63 =	vadd.s32 v19, v38;
	v48 =	vld.idx.msk [tilespmem:v57+s1+$0x0], $0xffff;
	v37 =	vadd.f32 v54, v37  }
0x6e: {  	v50 =	vmul.f32 v50, v12;
	v57 =	vadd.s32 v19, v35;
	v58 =	vld.idx.msk [tilespmem:v52+s1+$0x0], $0xffff;
	v36 =	vadd.f32 v40, v36  }
0x6f: {  	v43 =	vmul.f32 v43, v18;
	v39 =	vmul.f32 v39, v16;
	v40 =	vld.idx.msk [tilespmem:v61+s1+$0x0], $0xffff;
	v37 =	vadd.f32 v42, v37  }
0x70: {  	v61 =	vmul.f32 v47, v9;
	v49 =	vld.idx.msk [tilespmem:v60+s1+$0x0], $0xffff;
	v60 =	vadd.s32 v23, v35;
	v36 =	vadd.f32 v62, v36  }
0x71: {  	v52 =	vld.idx.msk [tilespmem:v59+s1+$0x0], $0xffff;
	v54 =	vadd.s32 v25, v35;
	v34 =	vmul.f32 v34, v20;
	v44 =	vmul.f32 v44, v1  }
0x72: {  	v46 =	vld.idx.msk [tilespmem:v46+s1+$0x0], $0xffff;
	v62 =	vadd.s32 v30, v33;
	v37 =	vadd.f32 v61, v37;
	v36 =	vadd.f32 v56, v36  }
0x73: {  	v51 =	vld.idx.msk [tilespmem:v57+s1+$0x0], $0xffff;
	v57 =	vadd.s32 v21, v38;
	v61 =	vadd.s32 v22, v38;
	v48 =	vmul.f32 v48, v14  }
0x74: {  	v45 =	vmul.f32 v58, v2;
	v37 =	vadd.f32 v50, v37;
	v36 =	vadd.f32 v39, v36;
	v39 =	vld.idx.msk [tilespmem:v63+s1+$0x0], $0xffff  }
0x75: {  	v41 =	vmul.f32 v41, v3;
	v58 =	vadd.s32 v31, v33;
	v56 =	vadd.s32 v22, v35;
	v47 =	vld.idx.msk [tilespmem:v60+s1+$0x0], $0xffff  }
0x76: {  	v52 =	vmul.f32 v52, v3;
	v44 =	vadd.f32 v45, v44;
	v53 =	vadd.f32 v48, v37;
	v37 =	vld.idx.msk [tilespmem:v54+s1+$0x0], $0xffff  }
0x77: {  	v33 =	vadd.s32 v32, v33;
	v40 =	vmul.f32 v40, v1;
	v46 =	vmul.f32 v46, v2;
	v59 =	vld.idx.msk [tilespmem:v62+s1+$0x0], $0xffff  }
0x78: {  	v63 =	vadd.s32 v23, v38;
	v41 =	vadd.f32 v41, v44;
	v62 =	vadd.s32 v24, v35;
	v44 =	vld.idx.msk [tilespmem:v61+s1+$0x0], $0xffff  }
0x79: {  	v49 =	vmul.f32 v49, v5;
	v51 =	vmul.f32 v51, v4;
	v36 =	vadd.f32 v43, v36;
	v43 =	vld.idx.msk [tilespmem:v57+s1+$0x0], $0xffff  }
0x7a: {  	v60 =	vadd.s32 v27, v35;
	v61 =	vadd.s32 v26, v38;
	v40 =	vadd.f32 v46, v40;
	v42 =	vld.idx.msk [tilespmem:v56+s1+$0x0], $0xffff  }
0x7b: {  	v50 =	vld.idx.msk [tilespmem:v58+s1+$0x0], $0xffff;
	v57 =	vadd.s32 v26, v35;
	v58 =	vadd.s32 v25, v38;
	v41 =	vadd.f32 v51, v41  }
0x7c: {  	v56 =	vadd.s32 v24, v38;
	v34 =	vadd.f32 v34, v36;
	v39 =	vmul.f32 v39, v4  }
0x7d: {  	v40 =	vadd.f32 v52, v40;
	v47 =	vmul.f32 v47, v7;
	v37 =	vmul.f32 v37, v11;
	v46 =	vld.idx.msk [tilespmem:v62+s1+$0x0], $0xffff  }
0x7e: {  	v33 =	vld.idx.msk [tilespmem:v33+s1+$0x0], $0xffff;
	v41 =	vadd.f32 v49, v41;
	v45 =	vmul.f32 v59, v16;
	v44 =	vmul.f32 v44, v6  }
0x7f: {  	s18 =	simm.s32 $0x2110;
	v59 =	vld.idx.msk [tilespmem:v63+s1+$0x0], $0xffff;
	v39 =	vadd.f32 v39, v40;
	v43 =	vmul.f32 v43, v5;
	v42 =	vmul.f32 v42, v6  }
0x80: {  	v62 =	vadd.s32 v28, v35;
	[tilespmem:s18+$0xFFFFFFF0] =	vst v34;
	v50 =	vmul.f32 v50, v18;
	v36 =	vadd.f32 v45, v53  }
0x81: {  	v34 =	vadd.s32 v32, v38;
	v63 =	vld.idx.msk [tilespmem:v57+s1+$0x0], $0xffff;
	v39 =	vadd.f32 v43, v39;
	v41 =	vadd.f32 v42, v41  }
0x82: {  	v48 =	vld.idx.msk [tilespmem:v56+s1+$0x0], $0xffff;
	v36 =	vadd.f32 v50, v36;
	v50 =	vadd.s32 v27, v38;
	v46 =	vmul.f32 v46, v10  }
0x83: {  	v54 =	vld.idx.msk [tilespmem:v60+s1+$0x0], $0xffff;
	v39 =	vadd.f32 v44, v39;
	v44 =	vadd.s32 v29, v35;
	v41 =	vadd.f32 v47, v41  }
0x84: {  	v57 =	vld.idx.msk [tilespmem:v58+s1+$0x0], $0xffff;
	v33 =	vmul.f32 v33, v20;
	v53 =	vadd.s32 v28, v38;
	v58 =	vmul.f32 v59, v7  }
0x85: {  	v45 =	vadd.s32 v31, v35;
	v42 =	vld.idx.msk [tilespmem:v61+s1+$0x0], $0xffff;
	v59 =	vadd.s32 v30, v35;
	v41 =	vadd.f32 v46, v41  }
0x86: {  	v40 =	vld.idx.msk [tilespmem:v62+s1+$0x0], $0xffff;
	v33 =	vadd.f32 v33, v36;
	v63 =	vmul.f32 v63, v8;
	v60 =	vadd.f32 v58, v39  }
0x87: {  	v61 =	vmul.f32 v48, v10;
	v39 =	vld.idx.msk [tilespmem:v50+s1+$0x0], $0xffff;
	v62 =	vadd.f32 v37, v41;
	v37 =	vadd.s32 v29, v38  }
0x88: {  	v36 =	vadd.s32 v30, v38;
	[tilespmem:s18+$0x0] =	vst v33;
	v33 =	vadd.s32 v31, v38;
	v41 =	vld.idx.msk [tilespmem:v44+s1+$0x0], $0xffff  }
0x89: {  	v47 =	vadd.f32 v61, v60;
	v38 =	vld.idx.msk [tilespmem:v53+s1+$0x0], $0xffff;
	v44 =	vadd.s32 v32, v35;
	v35 =	vmul.f32 v57, v11  }
0x8a: {  	s19 =	simm.s32 $0x2;
	s20 =	simm.s32 $0x50;
	v48 =	vmul.f32 v54, v9;
	v43 =	vld.idx.msk [tilespmem:v59+s1+$0x0], $0xffff;
	v46 =	vadd.f32 v63, v62  }
.LBB2_5:
0x8b: {  	s21 =	sadd.s32 $0xFFFFFFF0, s20;
	v49 =	vor.u32 s20, v55;
	v47 =	vadd.f32 v35, v47;
	v42 =	vmul.f32 v42, v8  }
0x8c: {  	v50 =	vld.idx.msk [tilespmem:v37+s1+$0x0], $0xffff;
	v40 =	vmul.f32 v40, v12;
	v35 =	vor.u32 s21, v55;
	v37 =	vadd.f32 v48, v46  }
0x8d: {  	s19 =	sadd.s32 $0x2, s19;
	v45 =	vld.idx.msk [tilespmem:v45+s1+$0x0], $0xffff;
	v48 =	vadd.s32 v13, v49;
	v51 =	vadd.s32 v15, v49;
	v53 =	vadd.s32 v19, v49  }
0x8e: {  	p0 =	slt.u32 s19, $0xFE;
	v54 =	vadd.s32 v21, v49;
	v56 =	vadd.s32 v22, v49;
	v46 =	vadd.s32 v13, v35;
	v52 =	vld.idx.msk [tilespmem:v36+s1+$0x0], $0xffff  }
0x8f: {  	v36 =	vadd.s32 v15, v35;
	v37 =	vadd.f32 v40, v37;
	v40 =	vmul.f32 v41, v14;
	v41 =	vld.idx.msk [tilespmem:v44+s1+$0x0], $0xffff  }
0x90: {  	v57 =	vadd.s32 v23, v49;
	v58 =	vadd.s32 v24, v49;
	v44 =	vadd.s32 v17, v49;
	v55 =	vld.idx.msk [tilespmem:v33+s1+$0x0], $0xffff  }
0x91: {  	v33 =	vadd.s32 v17, v35;
	v37 =	vadd.f32 v40, v37;
	v40 =	vmul.f32 v43, v16;
	v43 =	vld.idx.msk [tilespmem:v34+s1+$0x0], $0xffff  }
0x92: {  	v59 =	vadd.s32 v25, v49;
	v60 =	vadd.s32 v26, v49;
	v61 =	vadd.s32 v27, v49  }
0x93: {  	v34 =	vld.idx.msk [tilespmem:v46+s1+$0x0], $0xffff;
	v46 =	vadd.s32 v19, v35;
	v37 =	vadd.f32 v40, v37;
	v40 =	vmul.f32 v45, v18  }
0x94: {  	v63 =	vadd.s32 v28, v49;
	v39 =	vmul.f32 v39, v9;
	v42 =	vadd.f32 v42, v47;
	v45 =	vld.idx.msk [tilespmem:v36+s1+$0x0], $0xffff  }
0x95: {  	v62 =	vadd.s32 v21, v35;
	v48 =	vld.idx.msk [tilespmem:v48+s1+$0x0], $0xffff;
	v36 =	vadd.f32 v40, v37;
	v40 =	vmul.f32 v41, v20  }
0x96: {  	v38 =	vmul.f32 v38, v12;
	v39 =	vadd.f32 v39, v42;
	v37 =	vadd.s32 v29, v49;
	v41 =	vld.idx.msk [tilespmem:v33+s1+$0x0], $0xffff  }
0x97: {  	v47 =	vadd.s32 v22, v35;
	v0 =	vadd.s32 v23, v35;
	v51 =	vld.idx.msk [tilespmem:v51+s1+$0x0], $0xffff;
	v40 =	vadd.f32 v40, v36  }
0x98: {  	s18 =	sadd.s32 $0x20, s18;
	v38 =	vadd.f32 v38, v39;
	v33 =	vadd.s32 v31, v49;
	v36 =	vadd.s32 v30, v49;
	v46 =	vld.idx.msk [tilespmem:v46+s1+$0x0], $0xffff  }
0x99: {  	v44 =	vld.idx.msk [tilespmem:v44+s1+$0x0], $0xffff;
	[tilespmem:s18+$0xFFFFFFF0] =	vst v40;
	v40 =	vmul.f32 v34, v1;
	v42 =	vmul.f32 v45, v2  }
0x9a: {  	v52 =	vmul.f32 v52, v16;
	v34 =	vadd.s32 v32, v49;
	v49 =	vadd.s32 v24, v35;
	v45 =	vld.idx.msk [tilespmem:v62+s1+$0x0], $0xffff  }
0x9b: {  	v48 =	vmul.f32 v48, v1;
	v53 =	vld.idx.msk [tilespmem:v53+s1+$0x0], $0xffff;
	v39 =	vadd.f32 v42, v40;
	v40 =	vmul.f32 v41, v3  }
0x9c: {  	v42 =	vmul.f32 v50, v14;
	v41 =	vld.idx.msk [tilespmem:v47+s1+$0x0], $0xffff;
	v50 =	vmul.f32 v51, v2  }
0x9d: {  	v47 =	vadd.s32 v25, v35;
	v51 =	vld.idx.msk [tilespmem:v54+s1+$0x0], $0xffff;
	v39 =	vadd.f32 v40, v39;
	v40 =	vmul.f32 v46, v4  }
0x9e: {  	v38 =	vadd.f32 v42, v38;
	v42 =	vadd.s32 v26, v35;
	v0 =	vld.idx.msk [tilespmem:v0+s1+$0x0], $0xffff;
	v46 =	vadd.f32 v50, v48  }
0x9f: {  	v44 =	vmul.f32 v44, v3;
	v48 =	vld.idx.msk [tilespmem:v56+s1+$0x0], $0xffff;
	v39 =	vadd.f32 v40, v39;
	v40 =	vmul.f32 v45, v5  }
0xa0: {  	v38 =	vadd.f32 v52, v38;
	v45 =	vld.idx.msk [tilespmem:v49+s1+$0x0], $0xffff;
	v49 =	vadd.s32 v27, v35  }
0xa1: {  	v44 =	vadd.f32 v44, v46;
	v46 =	vmul.f32 v53, v4;
	v50 =	vld.idx.msk [tilespmem:v57+s1+$0x0], $0xffff;
	v39 =	vadd.f32 v40, v39  }
0xa2: {  	v40 =	vmul.f32 v41, v6;
	v41 =	vld.idx.msk [tilespmem:v47+s1+$0x0], $0xffff;
	v47 =	vmul.f32 v55, v18;
	v55 =	vlaneseq.u32  }
0xa3: {  	v52 =	vadd.s32 v28, v35;
	v44 =	vadd.f32 v46, v44;
	v46 =	vmul.f32 v51, v5;
	v51 =	vld.idx.msk [tilespmem:v58+s1+$0x0], $0xffff  }
0xa4: {  	v39 =	vadd.f32 v40, v39;
	v0 =	vmul.f32 v0, v7;
	v53 =	vld.idx.msk [tilespmem:v42+s1+$0x0], $0xffff;
	v38 =	vadd.f32 v47, v38  }
0xa5: {  	v47 =	vadd.s32 v29, v35;
	v40 =	vadd.f32 v46, v44;
	v42 =	vmul.f32 v48, v6;
	v46 =	vld.idx.msk [tilespmem:v59+s1+$0x0], $0xffff  }
0xa6: {  	v43 =	vmul.f32 v43, v20;
	v0 =	vadd.f32 v0, v39;
	v39 =	vmul.f32 v45, v10;
	v48 =	vld.idx.msk [tilespmem:v49+s1+$0x0], $0xffff  }
0xa7: {  	v49 =	vadd.s32 v30, v35;
	v44 =	vadd.f32 v42, v40;
	v50 =	vmul.f32 v50, v7;
	v42 =	vld.idx.msk [tilespmem:v60+s1+$0x0], $0xffff  }
.Ltmp1:
0xa8: {  	v38 =	vadd.f32 v43, v38;
	v0 =	vadd.f32 v39, v0;
	v41 =	vmul.f32 v41, v11;
	v40 =	vld.idx.msk [tilespmem:v52+s1+$0x0], $0xffff;
	(pc) =	sbr.rel @p0 .LBB2_5-.Ltmp1, $4  }
0xa9: {  	v45 =	vadd.s32 v31, v35;
	v43 =	vadd.f32 v50, v44;
	v50 =	vmul.f32 v51, v10;
	v39 =	vld.idx.msk [tilespmem:v61+s1+$0x0], $0xffff  }
0xaa: {  	v0 =	vadd.f32 v41, v0;
	v51 =	vmul.f32 v53, v8;
	v41 =	vld.idx.msk [tilespmem:v47+s1+$0x0], $0xffff;
	[tilespmem:s18+$0x0] =	vst v38  }
0xab: {  	v44 =	vadd.s32 v32, v35;
	v47 =	vadd.f32 v50, v43;
	v35 =	vmul.f32 v46, v11;
	v38 =	vld.idx.msk [tilespmem:v63+s1+$0x0], $0xffff  }
0xac: {  	s20 =	sadd.s32 $0x20, s20;
	v46 =	vadd.f32 v51, v0;
	v48 =	vmul.f32 v48, v9;
	v43 =	vld.idx.msk [tilespmem:v49+s1+$0x0], $0xffff  }
0xad: {  	_ =	sdelay $0x2  }
0xae: {  	v0 =	vadd.f32 v35, v47;
	v1 =	vmul.f32 v42, v8  }
0xaf: {  	v2 =	vld.idx.msk [tilespmem:v37+s1+$0x0], $0xffff  }
0xb0: {  	v52 =	vmul.f32 v39, v9;
	v0 =	vadd.f32 v1, v0  }
0xb1: {  	v4 =	vmul.f32 v40, v12;
	v5 =	vld.idx.msk [tilespmem:v36+s1+$0x0], $0xffff;
	v3 =	vadd.f32 v48, v46  }
0xb2: {  	v6 =	vld.idx.msk [tilespmem:v45+s1+$0x0], $0xffff;
	v7 =	vmul.f32 v38, v12;
	v0 =	vadd.f32 v52, v0  }
0xb3: {  	v56 =	vld.idx.msk [tilespmem:v33+s1+$0x0], $0xffff;
	v54 =	vmul.f32 v41, v14;
	v53 =	vadd.f32 v4, v3  }
0xb4: {  	v57 =	vld.idx.msk [tilespmem:v44+s1+$0x0], $0xffff;
	v2 =	vmul.f32 v2, v14;
	v0 =	vadd.f32 v7, v0  }
0xb5: {  	v59 =	vld.idx.msk [tilespmem:v34+s1+$0x0], $0xffff;
	v58 =	vmul.f32 v43, v16;
	v1 =	vadd.f32 v54, v53  }
0xb6: {  	v5 =	vmul.f32 v5, v16;
	v0 =	vadd.f32 v2, v0  }
0xb7: {  	v60 =	vmul.f32 v6, v18;
	v1 =	vadd.f32 v58, v1  }
0xb8: {  	v61 =	vmul.f32 v56, v18;
	v0 =	vadd.f32 v5, v0  }
0xb9: {  	v62 =	vmul.f32 v57, v20;
	v1 =	vadd.f32 v60, v1  }
0xba: {  	v63 =	vmul.f32 v59, v20;
	v0 =	vadd.f32 v61, v0  }
0xbb: {  	v1 =	vadd.f32 v62, v1  }
0xbc: {  	s18 =	sadd.s32 $0x20, s18;
	s16 =	sadd.s32 $0x1, s16;
	v0 =	vadd.f32 v63, v0  }
0xbd: {  	p0 =	sne.s32 s16, $0x30;
	[tilespmem:s18+$0xFFFFFFF0] =	vst v1  }
.Ltmp2:
0xbe: {  	s17 =	sadd.s32 s6, s17;
	[tilespmem:s18+$0x0] =	vst v0;
	(pc) =	sbr.rel @p0 .LBB2_2-.Ltmp2, $4  }
0xbf: {  	[hbm4b:s17+s9] =	stream.strided.scatter [tilespmem:s14], [sflag:$0x1], $0x1000, s10, s9, $0x38;
	[tilespmem:$0x3100] =	vst v63  }
0xc0: {  	_ =	swait.ge [sflag:s11], $0x1000  }
0xc1: {  	[sflag:s11] =	ssyncset.done $0x0  }
0xc2: {  	[sflag:s11] =	ssyncadd.s32 $0xFFFFF000  }
0xc3: {  	s15 =	sadd.s32 $0x1, s15  }
0xc4: {  	p0 =	sne.s32 s15, s8  }
.Ltmp3:
0xc5: {  	_ = 	snop;
	(pc) =	sbr.rel @p0 .LBB2_1-.Ltmp3, $1  }
0xc6: {  	_ =	sdelay $0x3  }
0xc7: {  	_ =	sfence.sel $0x180000  }
0xc8: {  	[bflag:$0x0] =	sbarrier.arrive $0xFFFF  }
0xc9: {  	p0 =	sne.s32 s2, $0x0;
	_ =	strace $0x90000047  }
0xca: {  	s0 =	sadd.s32 @!p0 $0x100000, s0;
	[bflag:$0x2] =	sbarrier.arrive $0xFFFF  }
0xcb: {  	[sflag:s0] =	ssyncadd.tile.s32 @!p0 $0x1;
	_ =	shalt  }
.Lfunc_end2:
_tile_overlayer_lowered:
.L_overlay_start_2:
0xcc: {  	(tag) =	ssettag $0x2  }
0xcd: {  	s0 =	rddreg [dreg:$0x0];
	s2 =	stileid.u32  }
0xce: {  	s1 =	rddreg [dreg:$0x1];
	p0 =	sne.s32 s2, $0x0  }
0xcf: {  	s3 =	rddreg [dreg:$0x2];
	[bflag:$0x3] =	sbarrier.arrive $0xFFFF;
	s2 =	simm.s32 @!p0 $0x1C01  }
0xd0: {  	[timem:s3], [sflag:s2] =	dma.local @!p0 [hbm:s0], s1  }
0xd1: {  	s0 =	simm.s32 @!p0 $0x1  }
0xd2: {  	_ =	swait.ge @!p0 [sflag:s0], s1  }
0xd3: {  	s1 =	ssub.s32 @!p0 $0x0, s1;
	[sflag:s0] =	ssyncset.done @!p0 $0x0  }
0xd4: {  	[sflag:s0] =	ssyncadd.s32 @!p0 s1  }
0xd5: {  	[bflag:$0x3] =	sbarrier.arrive $0xFFFF  }
0xd6: {  	_ =	shalt  }

// kernel: kernel.9.cloned.1.call-start
scs
__scs_entry_jumppad:
0x0: {  	(pc) =	sbr.rel $0x88, $3  }
0x1: {  	(tag) =	ssettag $0x0;
	lr =	simm.s32 $0x1  }
0x2: {  	[smem:$0x3F9E] =	sst lr;
	_ =	strace $0xD0000000  }
0x3: {  	_ = 	snop  }
0x4: {  	_ = 	snop  }
0x5: {  	_ = 	snop  }
0x6: {  	_ = 	snop  }
0x7: {  	_ = 	snop  }
__scs_overlays_trampoline_lowered:
0x8: {  	[smem:$0x3FAD] =	sst s0  }
0x9: {  	[smem:$0x3FAE] =	sst s1  }
0xa: {  	[smem:$0x3FAF] =	sst s2  }
0xb: {  	[smem:$0x3FB0] =	sst s3  }
0xc: {  	[smem:$0x3FB1] =	sst s4  }
0xd: {  	[smem:$0x3FB2] =	sst s5  }
0xe: {  	[smem:$0x3FB3] =	sst s6  }
0xf: {  	[smem:$0x3FB4] =	sst s7  }
0x10: {  	[smem:$0x3FB5] =	sst s8  }
0x11: {  	[smem:$0x3FB6] =	sst s9;
	s0 =	simm.s32 @!p0 $0x0  }
0x12: {  	s1 =	sld [smem:$0x3F9C];
	s0 =	simm.s32 @p0 $0x1  }
0x13: {  	[smem:$0x3FB7] =	sst s0;
	s0 =	simm.s32 @!p1 $0x0  }
0x14: {  	s2 =	sld [smem:$0x3F9B];
	s0 =	simm.s32 @p1 $0x1  }
0x15: {  	[smem:$0x3FB8] =	sst s0;
	s0 =	simm.s32 @!p2 $0x0  }
0x16: {  	s3 =	sld [smem:$0x3FDB];
	s0 =	simm.s32 @p2 $0x1  }
0x17: {  	s4 =	simm.s32 $0x1BF5;
	[smem:$0x3FBA] =	sst s0  }
0x18: {  	s0 =	sld [smem:$0x3F9D];
	_ =	swait.ge [sflag:s4], $0x0  }
0x19: {  	s7 =	sld [smem:$0x3F9E]  }
0x1a: {  	s8 =	sadd.s32 $0xFFFFE003, lr  }
0x1b: {  	s9 =	sadd.s32 $0xFFFFFEF7, lr;
	s5 =	simm.s32 $0xFFFFFFFF;
	p2 =	slt.u32 s8, $0xFFFFF086  }
0x1c: {  	p1 =	slt.u32 s9, $0xF7A;
	s5 =	simm.s32 @!p2 $0x0  }
0x1d: {  	s5 =	simm.s32 @p1 $0x1;
	p0 =	seq.s32 s7, s2  }
0x1e: {  	s7 =	smul.u32 @!p0 $0xF7A, s2;
	p2 =	seq.s32 @!p0 s5, $0x0  }
0x1f: {  	s9 =	smul.u32 $0xF7A, s1;
	s8 =	simm.s32 @!p0 $0x1BF5;
	p2 =	por !p2, p0  }
0x20: {  	[sflag:s8] =	ssyncset.s32 @!p0 $0xFFFFF086;
	s6 =	sadd.s32 @!p0 s3, s7;
	s7 =	simm.s32 @!p0 $0x108  }
0x21: {  	s3 =	sadd.s32 s3, s9;
	s6 =	sadd.s32 @!p0 $0x88, s6;
	s7 =	simm.s32 @p2 $0x1082  }
0x22: {  	[simem:s7], [sflag:s8] =	dma.local @!p0 [hbm:s6], $0xF7A  }
0x23: {  	s9 =	sor.u32 $0xD0000000, s2;
	s6 =	simm.s32 $0x108;
	_ =	swait.ge @!p0 [sflag:s8], $0x0  }
0x24: {  	s3 =	sadd.s32 $0x88, s3;
	s6 =	simm.s32 @!p1 $0x1082;
	[sflag:s4] =	ssyncset.s32 $0xFFFFF086  }
0x25: {  	[simem:s6], [sflag:s4] =	dma.local [hbm:s3], $0xF7A  }
0x26: {  	[smem:$0x3F9E] =	sst s1;
	(tag) =	ssettag s2;
	_ =	strace s9  }
0x27: {  	s1 =	sld [smem:$0x3FAE]  }
0x28: {  	s2 =	sld [smem:$0x3FAF]  }
0x29: {  	s4 =	sld [smem:$0x3FB1]  }
0x2a: {  	p0 =	seq.s32 s5, $0x0;
	s5 =	sld [smem:$0x3FB2]  }
0x2b: {  	s6 =	sld [smem:$0x3FB3]  }
0x2c: {  	s7 =	sld [smem:$0x3FB4]  }
0x2d: {  	s3 =	simm.s32 $0x108;
	s8 =	sld [smem:$0x3FB5]  }
0x2e: {  	s3 =	simm.s32 @!p0 $0x1082;
	s9 =	sld [smem:$0x3FB6]  }
0x2f: {  	lr =	sadd.s32 s0, s3;
	s0 =	sld [smem:$0x3FAD]  }
0x30: {  	s3 =	sld [smem:$0x3FB0]  }
0x31: {  	[smem:$0x3FB9] =	sst s10  }
0x32: {  	s10 =	sld [smem:$0x3FB7];
	_ =	sdelay $0x3  }
0x33: {  	p0 =	seq.s32 s10, $0x1;
	s10 =	sld [smem:$0x3FB9];
	_ =	sdelay $0x3  }
0x34: {  	[smem:$0x3FB9] =	sst s10  }
0x35: {  	s10 =	sld [smem:$0x3FB8];
	_ =	sdelay $0x3  }
0x36: {  	p1 =	seq.s32 s10, $0x1;
	s10 =	sld [smem:$0x3FB9];
	_ =	sdelay $0x3  }
0x37: {  	[smem:$0x3FB9] =	sst s10  }
0x38: {  	s10 =	sld [smem:$0x3FBA]  }
0x39: {  	_ = 	snop;
	(pc) =	sbr.ind lr, $3  }
0x3a: {  	_ = 	snop  }
0x3b: {  	_ = 	snop  }
0x3c: {  	p2 =	seq.s32 s10, $0x1;
	s10 =	sld [smem:$0x3FB9]  }
0x3d: {  	_ =	shalt  }
0x3e: {  	_ =	shalt  }
0x3f: {  	_ =	shalt  }
0x40: {  	_ =	shalt  }
0x41: {  	_ =	shalt  }
0x42: {  	_ =	shalt  }
0x43: {  	_ =	shalt  }
0x44: {  	_ =	shalt  }
0x45: {  	_ =	shalt  }
0x46: {  	_ =	shalt  }
0x47: {  	_ =	shalt  }
0x48: {  	_ =	shalt  }
0x49: {  	_ =	shalt  }
0x4a: {  	_ =	shalt  }
0x4b: {  	_ =	shalt  }
0x4c: {  	_ =	shalt  }
0x4d: {  	_ =	shalt  }
0x4e: {  	_ =	shalt  }
0x4f: {  	_ =	shalt  }
0x50: {  	_ =	shalt  }
0x51: {  	_ =	shalt  }
0x52: {  	_ =	shalt  }
0x53: {  	_ =	shalt  }
0x54: {  	_ =	shalt  }
0x55: {  	_ =	shalt  }
0x56: {  	_ =	shalt  }
0x57: {  	_ =	shalt  }
0x58: {  	_ =	shalt  }
0x59: {  	_ =	shalt  }
0x5a: {  	_ =	shalt  }
0x5b: {  	_ =	shalt  }
0x5c: {  	_ =	shalt  }
0x5d: {  	_ =	shalt  }
0x5e: {  	_ =	shalt  }
0x5f: {  	_ =	shalt  }
0x60: {  	_ =	shalt  }
0x61: {  	_ =	shalt  }
0x62: {  	_ =	shalt  }
0x63: {  	_ =	shalt  }
0x64: {  	_ =	shalt  }
0x65: {  	_ =	shalt  }
0x66: {  	_ =	shalt  }
0x67: {  	_ =	shalt  }
0x68: {  	_ =	shalt  }
0x69: {  	_ =	shalt  }
0x6a: {  	_ =	shalt  }
0x6b: {  	_ =	shalt  }
0x6c: {  	_ =	shalt  }
0x6d: {  	_ =	shalt  }
0x6e: {  	_ =	shalt  }
0x6f: {  	_ =	shalt  }
0x70: {  	_ =	shalt  }
0x71: {  	_ =	shalt  }
0x72: {  	_ =	shalt  }
0x73: {  	_ =	shalt  }
0x74: {  	_ =	shalt  }
0x75: {  	_ =	shalt  }
0x76: {  	_ =	shalt  }
0x77: {  	_ =	shalt  }
0x78: {  	_ =	shalt  }
0x79: {  	_ =	shalt  }
0x7a: {  	_ =	shalt  }
0x7b: {  	_ =	shalt  }
0x7c: {  	_ =	shalt  }
0x7d: {  	_ =	shalt  }
0x7e: {  	_ =	shalt  }
0x7f: {  	_ =	shalt  }
0x80: {  	_ =	shalt  }
0x81: {  	_ =	shalt  }
0x82: {  	_ =	shalt  }
0x83: {  	_ =	shalt  }
0x84: {  	_ =	shalt  }
0x85: {  	_ =	shalt  }
0x86: {  	_ =	shalt  }
0x87: {  	_ =	shalt  }
.Lfunc_end0:
.L_simem_size_0:
called_computation.2_lowered:
.L_overlay_start_0:
0x88: {  	s2 =	sld [smem:$0x3FD9]  }
0x89: {  	s3 =	sld [smem:$0x3FFE];
	_ =	sdelay $0x1  }
0x8a: {  	s1 =	srdreg.scid  }
0x8b: {  	s0 =	sand.u32 $0x1, s1  }
0x8c: {  	s17 =	sshll.u32 s0, $0xA;
	s2 =	sadd.s32 s3, s2  }
0x8d: {  	s2 =	sadd.s32 s2, s17  }
0x8e: {  	[smem:$0x3FC5] =	sst s2  }
0x8f: {  	_ = 	snop  }
0x90: {  	s18 =	sld [smem:$0x3FD0];
	(tm) =	ssettm $0x1  }
0x91: {  	s19 =	sld [smem:$0x3FFB];
	_ =	sdelay $0x3  }
0x92: {  	_ =	strace s19  }
0x93: {  	s2 =	sld [smem:$0x3FFC];
	_ =	sdelay $0x3  }
0x94: {  	_ =	strace s2  }
0x95: {  	s2 =	sld [smem:$0x3FFD];
	_ =	sdelay $0x3  }
0x96: {  	_ =	strace s2  }
0x97: {  	_ =	strace $0x8FFFFFFF  }
0x98: {  	s20 =	sld [smem:$0x3FDB];
	_ =	sdelay $0x1  }
0x99: {  	s4 =	simm.s32 $_scs_section_size  }
0x9a: {  	s5 =	simm.s32 $_size__tile_overlayer_lowered;
	s6 =	simm.s32 $_tile_overlayer_lowered  }
0x9b: {  	s7 =	simm.s32 $0x1BFF;
	s21 =	sshll.u32 s6, $0x1;
	s4 =	sadd.s32 s4, s20  }
0x9c: {  	s22 =	simm.s32 $0x0;
	s5 =	sshll.u32 s5, $0x1;
	s6 =	sadd.s32 s21, s4  }
0x9d: {  	[timem:s22], [sflag:s7] =	dma.local [hbm:s6], s5  }
0x9e: {  	_ =	swait.ge [sflag:s7], s5  }
0x9f: {  	s5 =	ssub.s32 $0x0, s5;
	[sflag:s7] =	ssyncset.done $0x0  }
0xa0: {  	[sflag:s7] =	ssyncadd.s32 s5;
	_ =	sdelay $0x1  }
0xa1: {  	s23 =	simm.s32 $0x1B8B  }
0xa2: {  	_ =	swait.ge [sflag:s23], $0x1  }
0xa3: {  	[sflag:s23] =	ssyncset.done $0x0  }
0xa4: {  	[sflag:s23] =	ssyncadd.s32 $0xFFFFFFFF  }
0xa5: {  	s5 =	sld [smem:$0x0]  }
0xa6: {  	s6 =	sand.u32 $0xFFFFFFFE, s1  }
0xa7: {  	p0 =	sne.s32 s1, s6  }
0xa8: {  	s6 =	sshll.u32 @p0 s6, $0xE  }
0xa9: {  	s6 =	sadd.s32 @p0 $0x11B8D, s6;
	s7 =	sshll.u32 @p0 s5, $0x11  }
0xaa: {  	s6 =	sor.u32 @p0 s7, s6  }
0xab: {  	[sflag:s6] =	ssyncadd.remote.s32 @p0 $0x1;
	_ =	sdelay $0x1  }
0xac: {  	s6 =	simm.s32 @p0 $0x1B8D  }
0xad: {  	_ =	swait.eq @p0 [sflag:s6], $0x1  }
0xae: {  	[sflag:s6] =	ssyncadd.s32 @p0 $0xFFFFFFFF  }
0xaf: {  	s7 =	sshll.u32 @!p0 s1, $0xE  }
0xb0: {  	s7 =	sor.u32 @!p0 $0x4000, s7;
	s6 =	simm.s32 @!p0 $0x1B8D  }
0xb1: {  	s5 =	sshll.u32 @!p0 s5, $0x11;
	s7 =	sadd.s32 @!p0 $0x11B8D, s7;
	_ =	swait.eq @!p0 [sflag:s6], $0x1  }
0xb2: {  	s5 =	sor.u32 @!p0 s5, s7;
	[sflag:s6] =	ssyncadd.s32 @!p0 $0xFFFFFFFF  }
0xb3: {  	s25 =	simm.s32 $0x1B8E;
	s24 =	sld [smem:$0x3FFE];
	[sflag:s5] =	ssyncadd.remote.s32 @!p0 $0x1  }
0xb4: {  	s26 =	simm.s32 $execute0_lowered;
	[smem:$0x3FD2] =	sst s25  }
0xb5: {  	s6 =	sshll.u32 s26, $0x1;
	_ =	strace $0x80000049;
	[dreg:$0x1] =	wrdreg $0xFFFFFFFF  }
0xb6: {  	s28 =	simm.s32 $_size_execute0_lowered;
	s4 =	sadd.s32 s4, s6;
	[dreg:$0x0] =	wrdreg $0x0  }
0xb7: {  	s6 =	sshll.u32 s28, $0x1;
	[dreg:$0x2] =	wrdreg s4  }
0xb8: {  	[dreg:$0x3] =	wrdreg s6  }
0xb9: {  	[dreg:$0x4] =	wrdreg $0xC0  }
0xba: {  	_ =	task [dreg:s22], $0x5FFFF  }
0xbb: {  	[dreg:$0x1] =	wrdreg $0xFFFFFFFF  }
0xbc: {  	[dreg:$0x0] =	wrdreg $0x60  }
0xbd: {  	[dreg:$0x2] =	wrdreg s18  }
0xbe: {  	[dreg:$0x3] =	wrdreg s24  }
0xbf: {  	[dreg:$0x4] =	wrdreg $0xA  }
0xc0: {  	_ =	task.clear_ibuf [dreg:s22], $0x5FFFF;
	_ =	strace $0x90000049  }
0xc1: {  	s29 =	simm.s32 $0xA;
	_ =	strace $0x8000004B  }
0xc2: {  	_ =	swait.ge [sflag:s29], $0x1  }
0xc3: {  	[sflag:s29] =	ssyncadd.s32 $0xFFFFFFFF  }
0xc4: {  	_ =	strace $0x9000004B  }
0xc5: {  	_ =	sfence  }
0xc6: {  	s30 =	sld [smem:$0x0];
	_ =	sdelay $0x2  }
0xc7: {  	s31 =	sshll.u32 s1, $0xD;
	s1 =	sshrl.u32 s1, $0x2  }
0xc8: {  	s4 =	sand.u32 $0x4000, s31;
	s1 =	sadd.s32 s1, s30  }
0xc9: {  	s0 =	sor.u32 s4, s0;
	s1 =	sshll.u32 s1, $0x11  }
0xca: {  	s0 =	sor.u32 s1, s0  }
0xcb: {  	s0 =	sadd.s32 $0x8F2B, s0  }
0xcc: {  	[sflag:s0] =	ssyncadd.remote.s32 $0x1  }
0xcd: {  	_ =	sfence.sel $0xFFFF  }
0xce: {  	[dreg:$0x0] =	wrdreg $0xFFFFFFFF;
	(pc) =	sbr.abs _section_cstart, $3  }
0xcf: {  	[dreg:$0x1] =	wrdreg $0xFFFFFFFF  }
0xd0: {  	_ =	task.clear_ibuf [dreg:s22], $0x2FFFF;
	_ =	strace $0x9FFFFFFF  }
0xd1: {  	(tm) =	ssettm $0x7FFFFFFF  }
tec
execute0_lowered:
.L_overlay_start_1:
0x0: {  	(tag) =	ssettag $0x1  }
0x1: {  	s1 =	rddreg [dreg:$0x0]  }
0x2: {  	s6 =	rddreg [dreg:$0x1]  }
0x3: {  	s0 =	rddreg [dreg:$0x2];
	s2 =	simm.s32 $0x0;
	s3 =	srdreg.scid  }
0x4: {  	s11 =	simm.s32 $0x1;
	s12 =	simm.s32 $0x2000;
	s13 =	simm.s32 $0x2080  }
0x5: {  	vm0 =	vmmov $0x7fff;
	vm1 =	vmmov $0x1;
	s14 =	simm.s32 $0x2100;
	s15 =	simm.s32 $0x0;
	[smem:$0x7FF] =	sst s2  }
0x6: {  	vm2 =	vcmask $0x308;
	vm3 =	vcmask $0x70C;
	vm4 =	vcmask $0xB10;
	s7 =	sand.u32 $0x1, s3;
	s4 =	sadd.s32 $0x13E00, s6;
	s3 =	stileid.u32  }
0x7: {  	vm5 =	vcmask $0xF14;
	vm6 =	vcmask $0x1318;
	vm7 =	vcmask $0x171C;
	s5 =	sadd.s32 $0xDE00, s6;
	s6 =	sadd.s32 $0x19E00, s6;
	s8 =	ssub.s32 $0x2, s7  }
0x8: {  	vm8 =	vcmask $0x1B20;
	vm9 =	vcmask $0x1F24;
	vm10 =	vcmask $0x2328;
	_ =	strace $0x8000004A;
	s10 =	sshll.u32 s3, $0x1;
	s9 =	sshrl.u32 s8, $0x1  }
0x9: {  	vm11 =	vcmask $0x272C;
	vm12 =	vcmask $0x2B30;
	vm13 =	vcmask $0x2F34;
	s7 =	sor.u32 s7, s10;
	s10 =	simm.s32 $0x400;
	s8 =	ssub.s32 s8, s9  }
0xa: {  	vm14 =	vcmask $0x3338;
	vm15 =	vcmask $0x373C;
	v55 =	vlaneseq.u32;
	s7 =	smul.u32 $0x30, s7;
	s9 =	simm.s32 $0x80;
	s8 =	smax.u32 s8, $0x1  }
.LBB2_1:
0xb: {  	s16 =	simm.s32 $0x0  }
.LBB2_2:
0xc: {  	s17 =	sadd.s32 s7, s16  }
0xd: {  	s30 =	sshll.u32 s16, $0x7;
	s19 =	sshrl.u32 s17, $0x3  }
0xe: {  	s20 =	sand.u32 $0x380, s30;
	s18 =	sshll.u32 s19, $0xF  }
0xf: {  	s17 =	sor.u32 s20, s18  }
0x10: {  	s17 =	sshrl.u32 s17, $0x3  }
0x11: {  	s19 =	sshll.u32 s19, $0xA;
	s18 =	simm.s32 $0x0;
	s21 =	sadd.s32 s1, s17  }
0x12: {  	[tilespmem:s18], [sflag:$0x1] =	stream.strided.gather [hbm4b:s21+s9], $0x1000, s10, s9, $0x38;
	[tilespmem:$0x3100] =	vst v63  }
0x13: {  	s19 =	sor.u32 s20, s19;
	_ =	swait.ge [sflag:s11], $0x1000  }
0x14: {  	s19 =	sshrl.u32 s19, $0x3;
	[sflag:s11] =	ssyncset.done $0x0  }
0x15: {  	s31 =	sadd.s32 s4, s19;
	[sflag:s11] =	ssyncadd.s32 $0xFFFFF000  }
0x16: {  	[tilespmem:s12], [sflag:$0x1] =	stream.linear.gather [hbm4b:s31+s18], $0x80, $0x38;
	[tilespmem:$0x3100] =	vst v63  }
0x17: {  	_ =	swait.ge [sflag:s11], $0x80  }
0x18: {  	[sflag:s11] =	ssyncset.done $0x0  }
0x19: {  	s19 =	sadd.s32 s5, s19;
	[sflag:s11] =	ssyncadd.s32 $0xFFFFFF80  }
0x1a: {  	[tilespmem:s13], [sflag:$0x1] =	stream.linear.gather [hbm4b:s19+s18], $0x80, $0x38;
	[tilespmem:$0x3100] =	vst v63  }
0x1b: {  	_ =	swait.ge [sflag:s11], $0x80  }
0x1c: {  	[sflag:s11] =	ssyncset.done $0x0  }
0x1d: {  	[sflag:s11] =	ssyncadd.s32 $0xFFFFFF80  }
0x1e: {  	v1 =	vld [tilespmem:$0xFF0];
	_ =	sdelay $0x4  }
0x1f: {  	v1 =	vsel vm0, $0x0, v1  }
0x20: {  	(xrf2) =	vadd.scan.msk.f32 $0xffff, v1;
	_ =	sdelay $0x9  }
0x21: {  	v1, _, _ =	vpop (xrf2)  }
0x22: {  	v1 =	vbroadcast v1, $0xF  }
0x23: {  	s19 =	simm.s32 $0x1030  }
0x24: {  	[tilespmem:s19+$0x0] =	vst v1  }
0x25: {  	[tilespmem:s19+$0xFFFFFFF0] =	vst v1  }
0x26: {  	s20 =	simm.s32 $0x0;
	s21 =	sand.u32 $0xFC0, s18;
	[tilespmem:s19+$0xFFFFFFE0] =	vst v1  }
.LBB2_3:
0x27: {  	s20 =	sadd.s32 $0x4, s20  }
0x28: {  	[tilespmem:s21+$0x1000] =	vst v1;
	s19 =	sadd.s32 $0x40, s19;
	s18 =	sadd.s32 $0x40, s18;
	p0 =	slt.u32 s20, $0xFC  }
.Ltmp0:
0x29: {  	(pc) =	sbr.rel @p0 .LBB2_3-.Ltmp0, $4  }
0x2a: {  	_ = 	snop  }
0x2b: {  	[tilespmem:s19+$0x0] =	vst v1  }
0x2c: {  	[tilespmem:s19+$0xFFFFFFF0] =	vst v1  }
0x2d: {  	s21 =	sand.u32 $0xFC0, s18;
	[tilespmem:s19+$0xFFFFFFE0] =	vst v1  }
0x2e: {  	[tilespmem:s21+$0x1000] =	vst v1  }
0x2f: {  	v1 =	vld [tilespmem:$0x2000];
	_ =	sdelay $0x4  }
0x30: {  	v2 =	vnsel vm1, $0x0, v1  }
0x31: {  	(xrf2) =	vadd.scan.msk.f32 $0xffff, v2;
	v2 =	vsel vm2, $0x0, v1  }
0x32: {  	(xrf2) =	vadd.scan.msk.f32 $0xffff, v2;
	v2 =	vsel vm3, $0x0, v1  }
0x33: {  	(xrf2) =	vadd.scan.msk.f32 $0xffff, v2;
	v2 =	vsel vm4, $0x0, v1  }
0x34: {  	(xrf2) =	vadd.scan.msk.f32 $0xffff, v2;
	v2 =	vsel vm5, $0x0, v1  }
0x35: {  	(xrf2) =	vadd.scan.msk.f32 $0xffff, v2;
	v2 =	vsel vm6, $0x0, v1  }
0x36: {  	(xrf2) =	vadd.scan.msk.f32 $0xffff, v2;
	v2 =	vsel vm7, $0x0, v1  }
0x37: {  	(xrf2) =	vadd.scan.msk.f32 $0xffff, v2;
	v2 =	vsel vm8, $0x0, v1  }
0x38: {  	(xrf2) =	vadd.scan.msk.f32 $0xffff, v2;
	v2 =	vsel vm9, $0x0, v1  }
0x39: {  	(xrf2) =	vadd.scan.msk.f32 $0xffff, v2;
	v2 =	vsel vm10, $0x0, v1  }
0x3a: {  	(xrf2) =	vadd.scan.msk.f32 $0xffff, v2;
	v2 =	vsel vm11, $0x0, v1  }
0x3b: {  	v23 =	vld [tilespmem:$0x2080];
	v3, _, _ =	vpop (xrf2);
	(xrf2) =	vadd.scan.msk.f32 $0xffff, v2;
	v2 =	vsel vm12, $0x0, v1  }
0x3c: {  	v4, _, _ =	vpop (xrf2);
	(xrf2) =	vadd.scan.msk.f32 $0xffff, v2  }
0x3d: {  	v2 =	vsel vm13, $0x0, v1;
	v5, _, _ =	vpop (xrf2)  }
0x3e: {  	(xrf2) =	vadd.scan.msk.f32 $0xffff, v2;
	v2 =	vsel vm14, $0x0, v1;
	v6, _, _ =	vpop (xrf2)  }
0x3f: {  	(xrf2) =	vadd.scan.msk.f32 $0xffff, v2;
	v2 =	vsel vm15, $0x0, v1;
	v7, _, _ =	vpop (xrf2)  }
0x40: {  	(xrf2) =	vadd.scan.msk.f32 $0xffff, v2;
	v2 =	vnsel vm1, $0x0, v23;
	v8, _, _ =	vpop (xrf2)  }
0x41: {  	v12 =	vsel vm0, $0x0, v1;
	(xrf0) =	vadd.scan.msk.s32 $0xffff, v2;
	v9, _, _ =	vpop (xrf2)  }
0x42: {  	v2 =	vsel vm2, $0x0, v23;
	(xrf2) =	vadd.scan.msk.f32 $0xffff, v12;
	v10, _, _ =	vpop (xrf2)  }
0x43: {  	s18 =	simm.s32 $0x0;
	v12 =	vsel vm3, $0x0, v23;
	(xrf0) =	vadd.scan.msk.s32 $0xffff, v2;
	v11, _, _ =	vpop (xrf2)  }
0x44: {  	s29 =	simm.s32 $0x10;
	v34 =	vor.u32 s18, v55;
	v1 =	vbroadcast v3, $0xF;
	(xrf0) =	vadd.scan.msk.s32 $0xffff, v12;
	v12 =	vsel vm4, $0x0, v23;
	v13, _, _ =	vpop (xrf2)  }
0x45: {  	v33 =	vor.u32 s29, v55;
	v3 =	vbroadcast v5, $0xF;
	v5 =	vbroadcast v7, $0xF;
	v14, _, _ =	vpop (xrf2)  }
0x46: {  	v15 =	vsel vm5, $0x0, v23;
	v2 =	vbroadcast v4, $0xF;
	v4 =	vbroadcast v6, $0xF;
	(xrf0) =	vadd.scan.msk.s32 $0xffff, v12;
	v16, _, _ =	vpop (xrf2)  }
0x47: {  	v21 =	vsel vm9, $0x0, v23;
	v6 =	vbroadcast v8, $0xF;
	v7 =	vbroadcast v9, $0xF;
	v12, _, _ =	vpop (xrf0)  }
0x48: {  	v29 =	vsel vm13, $0x0, v23;
	v8 =	vbroadcast v13, $0xF;
	v18, _, _ =	vpop (xrf2);
	v13 =	vbroadcast v12, $0xF  }
0x49: {  	v10 =	vbroadcast v10, $0xF;
	v9 =	vbroadcast v14, $0xF;
	(xrf0) =	vadd.scan.msk.s32 $0xffff, v15;
	v14 =	vsel vm6, $0x0, v23;
	v12, _, _ =	vpop (xrf0)  }
0x4a: {  	(xrf0) =	vadd.scan.msk.s32 $0xffff, v14;
	v14 =	vsel vm7, $0x0, v23;
	v20, _, _ =	vpop (xrf2);
	v15 =	vbroadcast v12, $0xF;
	v22 =	vadd.s32 v13, v34  }
0x4b: {  	v12 =	vbroadcast v16, $0xF;
	v16, _, _ =	vpop (xrf0);
	(xrf0) =	vadd.scan.msk.s32 $0xffff, v14;
	v14 =	vsel vm8, $0x0, v23;
	v28 =	vadd.s32 v13, v33  }
0x4c: {  	v11 =	vbroadcast v11, $0xF;
	v17 =	vbroadcast v16, $0xF;
	v16, _, _ =	vpop (xrf0);
	(xrf0) =	vadd.scan.msk.s32 $0xffff, v14;
	v24 =	vadd.s32 v15, v34  }
0x4d: {  	v25, _, _ =	vpop (xrf2);
	v19 =	vbroadcast v16, $0xF;
	(xrf0) =	vadd.scan.msk.s32 $0xffff, v21;
	v16 =	vsel vm10, $0x0, v23;
	v32 =	vadd.s32 v15, v33  }
0x4e: {  	v14 =	vbroadcast v18, $0xF;
	v18 =	vsel vm11, $0x0, v23;
	v26, _, _ =	vpop (xrf2);
	(xrf0) =	vadd.scan.msk.s32 $0xffff, v16;
	v27 =	vadd.s32 v17, v34  }
0x4f: {  	v16 =	vbroadcast v20, $0xF;
	v37 =	vadd.s32 v17, v33;
	v20, _, _ =	vpop (xrf0);
	(xrf0) =	vadd.scan.msk.s32 $0xffff, v18;
	v18 =	vsel vm12, $0x0, v23;
	v30 =	vld.idx.msk [tilespmem:v22+s2+$0x0], $0xffff  }
0x50: {  	v31 =	vadd.s32 v19, v34;
	v41 =	vadd.s32 v19, v33;
	v21 =	vbroadcast v20, $0xF;
	v20, _, _ =	vpop (xrf0);
	(xrf0) =	vadd.scan.msk.s32 $0xffff, v18;
	v39 =	vld.idx.msk [tilespmem:v28+s2+$0x0], $0xffff  }
0x51: {  	v18 =	vbroadcast v25, $0xF;
	v25, _, _ =	vpop (xrf0);
	(xrf0) =	vadd.scan.msk.s32 $0xffff, v29;
	v29 =	vsel vm14, $0x0, v23;
	v22 =	vbroadcast v20, $0xF;
	v35 =	vld.idx.msk [tilespmem:v24+s2+$0x0], $0xffff  }
0x52: {  	v20 =	vbroadcast v26, $0xF;
	v24, _, _ =	vpop (xrf0);
	(xrf0) =	vadd.scan.msk.s32 $0xffff, v29;
	v29 =	vsel vm15, $0x0, v23;
	v36 =	vadd.s32 v21, v34;
	v42 =	vld.idx.msk [tilespmem:v32+s2+$0x0], $0xffff  }
0x53: {  	v44 =	vadd.s32 v21, v33;
	v26, _, _ =	vpop (xrf0);
	(xrf0) =	vadd.scan.msk.s32 $0xffff, v29;
	v29 =	vsel vm0, $0x0, v23;
	v38 =	vld.idx.msk [tilespmem:v27+s2+$0x0], $0xffff;
	v23 =	vbroadcast v25, $0xF  }
0x54: {  	v24 =	vbroadcast v24, $0xF;
	v40 =	vadd.s32 v22, v34;
	v37 =	vld.idx.msk [tilespmem:v37+s2+$0x0], $0xffff;
	v59 =	vadd.s32 v22, v33;
	v27, _, _ =	vpop (xrf0)  }
0x55: {  	v25 =	vbroadcast v26, $0xF;
	v31 =	vld.idx.msk [tilespmem:v31+s2+$0x0], $0xffff;
	v26 =	vbroadcast v27, $0xF;
	v43 =	vadd.s32 v23, v34  }
0x56: {  	v41 =	vld.idx.msk [tilespmem:v41+s2+$0x0], $0xffff;
	v28, _, _ =	vpop (xrf0);
	v46 =	vadd.s32 v24, v34;
	v61 =	vadd.s32 v23, v33;
	v30 =	vmul.f32 v30, v1  }
0x57: {  	(xrf0) =	vadd.scan.msk.s32 $0xffff, v29;
	v63 =	vadd.s32 v24, v33;
	v29, _, _ =	vpop (xrf0);
	v27 =	vbroadcast v28, $0xF;
	v39 =	vmul.f32 v39, v1;
	v36 =	vld.idx.msk [tilespmem:v36+s2+$0x0], $0xffff  }
0x58: {  	v48 =	vadd.s32 v25, v34;
	v57 =	vmul.f32 v35, v2;
	v28 =	vbroadcast v29, $0xF;
	v44 =	vld.idx.msk [tilespmem:v44+s2+$0x0], $0xffff  }
0x59: {  	v50 =	vadd.s32 v25, v33;
	v58, _, _ =	vpop (xrf0);
	v42 =	vmul.f32 v42, v2;
	v38 =	vmul.f32 v38, v3;
	v40 =	vld.idx.msk [tilespmem:v40+s2+$0x0], $0xffff  }
0x5a: {  	v62 =	vadd.s32 v26, v34;
	v45, _, _ =	vpop (xrf0);
	v29 =	vbroadcast v58, $0xF;
	v35 =	vld.idx.msk [tilespmem:v59+s2+$0x0], $0xffff;
	v37 =	vmul.f32 v37, v3  }
0x5b: {  	v54 =	vadd.s32 v27, v34;
	v32 =	vadd.f32 v57, v30;
	v30 =	vbroadcast v45, $0xF;
	v43 =	vld.idx.msk [tilespmem:v43+s2+$0x0], $0xffff  }
0x5c: {  	v47, _, _ =	vpop (xrf0);
	v49 =	vmul.f32 v31, v4;
	v39 =	vadd.f32 v42, v39;
	v59 =	vadd.s32 v28, v34;
	v46 =	vld.idx.msk [tilespmem:v46+s2+$0x0], $0xffff  }
0x5d: {  	v58 =	vmul.f32 v41, v4;
	v60, _, _ =	vpop (xrf0);
	v31 =	vbroadcast v47, $0xF;
	v45 =	vld.idx.msk [tilespmem:v61+s2+$0x0], $0xffff;
	v38 =	vadd.f32 v38, v32  }
0x5e: {  	v32 =	vbroadcast v60, $0xF;
	v56 =	vld.idx.msk [tilespmem:v48+s2+$0x0], $0xffff;
	v48 =	vadd.s32 v26, v33;
	v37 =	vadd.f32 v37, v39  }
0x5f: {  	v36 =	vmul.f32 v36, v5;
	v52 =	vld.idx.msk [tilespmem:v62+s2+$0x0], $0xffff;
	v61 =	vmul.f32 v44, v5;
	v62 =	vadd.s32 v29, v34  }
0x60: {  	v38 =	vadd.f32 v49, v38;
	v53 =	vmul.f32 v40, v6;
	v49 =	vld.idx.msk [tilespmem:v63+s2+$0x0], $0xffff;
	v37 =	vadd.f32 v58, v37  }
0x61: {  	v63 =	vadd.s32 v28, v33;
	v35 =	vmul.f32 v35, v6;
	v41 =	vld.idx.msk [tilespmem:v59+s2+$0x0], $0xffff;
	v59 =	vadd.s32 v31, v34  }
0x62: {  	v40 =	vld.idx.msk [tilespmem:v54+s2+$0x0], $0xffff;
	v36 =	vadd.f32 v36, v38;
	v57 =	vmul.f32 v43, v7;
	v60 =	vmul.f32 v46, v10  }
0x63: {  	v46 =	vld.idx.msk [tilespmem:v50+s2+$0x0], $0xffff;
	v37 =	vadd.f32 v61, v37;
	v54 =	vmul.f32 v56, v11;
	v56 =	vadd.s32 v30, v34  }
0x64: {  	s30 =	simm.s32 $0x20;
	v45 =	vmul.f32 v45, v7;
	v42 =	vld.idx.msk [tilespmem:v48+s2+$0x0], $0xffff;
	v34 =	vadd.s32 v32, v34;
	v36 =	vadd.f32 v53, v36  }
0x65: {  	s31 =	simm.s32 $0x30;
	v53 =	vadd.s32 v27, v33;
	v37 =	vadd.f32 v35, v37;
	v35 =	vor.u32 s30, v55;
	v44 =	vld.idx.msk [tilespmem:v62+s2+$0x0], $0xffff  }
0x66: {  	v38 =	vor.u32 s31, v55;
	v51 =	vadd.s32 v13, v35;
	v50 =	vld.idx.msk [tilespmem:v63+s2+$0x0], $0xffff;
	v36 =	vadd.f32 v57, v36  }
0x67: {  	v61 =	vadd.s32 v13, v38;
	v58 =	vmul.f32 v52, v8;
	v63 =	vadd.s32 v17, v35;
	v43 =	vld.idx.msk [tilespmem:v59+s2+$0x0], $0xffff  }
0x68: {  	v40 =	vmul.f32 v40, v9;
	v57 =	vadd.s32 v29, v33;
	v36 =	vadd.f32 v60, v36;
	v39 =	vld.idx.msk [tilespmem:v56+s2+$0x0], $0xffff  }
0x69: {  	v52 =	vadd.s32 v15, v35;
	v37 =	vadd.f32 v45, v37;
	v60 =	vmul.f32 v49, v10;
	v34 =	vld.idx.msk [tilespmem:v34+s2+$0x0], $0xffff  }
0x6a: {  	v62 =	vmul.f32 v41, v12;
	v47 =	vld.idx.msk [tilespmem:v53+s2+$0x0], $0xffff;
	v56 =	vmul.f32 v44, v14;
	v36 =	vadd.f32 v54, v36  }
0x6b: {  	v37 =	vadd.f32 v60, v37;
	v54 =	vmul.f32 v46, v11;
	v44 =	vld.idx.msk [tilespmem:v51+s2+$0x0], $0xffff;
	v60 =	vadd.s32 v21, v35  }
0x6c: {  	v59 =	vadd.s32 v17, v38;
	v42 =	vmul.f32 v42, v8;
	v41 =	vld.idx.msk [tilespmem:v63+s2+$0x0], $0xffff;
	v36 =	vadd.f32 v58, v36  }
0x6d: {  	v46 =	vadd.s32 v15, v38;
	v63 =	vadd.s32 v19, v38;
	v48 =	vld.idx.msk [tilespmem:v57+s2+$0x0], $0xffff;
	v37 =	vadd.f32 v54, v37  }
0x6e: {  	v50 =	vmul.f32 v50, v12;
	v57 =	vadd.s32 v19, v35;
	v58 =	vld.idx.msk [tilespmem:v52+s2+$0x0], $0xffff;
	v36 =	vadd.f32 v40, v36  }
0x6f: {  	v43 =	vmul.f32 v43, v18;
	v39 =	vmul.f32 v39, v16;
	v40 =	vld.idx.msk [tilespmem:v61+s2+$0x0], $0xffff;
	v37 =	vadd.f32 v42, v37  }
0x70: {  	v61 =	vmul.f32 v47, v9;
	v49 =	vld.idx.msk [tilespmem:v60+s2+$0x0], $0xffff;
	v60 =	vadd.s32 v23, v35;
	v36 =	vadd.f32 v62, v36  }
0x71: {  	v52 =	vld.idx.msk [tilespmem:v59+s2+$0x0], $0xffff;
	v54 =	vadd.s32 v25, v35;
	v34 =	vmul.f32 v34, v20;
	v44 =	vmul.f32 v44, v1  }
0x72: {  	v46 =	vld.idx.msk [tilespmem:v46+s2+$0x0], $0xffff;
	v62 =	vadd.s32 v30, v33;
	v37 =	vadd.f32 v61, v37;
	v36 =	vadd.f32 v56, v36  }
0x73: {  	v51 =	vld.idx.msk [tilespmem:v57+s2+$0x0], $0xffff;
	v57 =	vadd.s32 v21, v38;
	v61 =	vadd.s32 v22, v38;
	v48 =	vmul.f32 v48, v14  }
0x74: {  	v45 =	vmul.f32 v58, v2;
	v37 =	vadd.f32 v50, v37;
	v36 =	vadd.f32 v39, v36;
	v39 =	vld.idx.msk [tilespmem:v63+s2+$0x0], $0xffff  }
0x75: {  	v41 =	vmul.f32 v41, v3;
	v58 =	vadd.s32 v31, v33;
	v56 =	vadd.s32 v22, v35;
	v47 =	vld.idx.msk [tilespmem:v60+s2+$0x0], $0xffff  }
0x76: {  	v52 =	vmul.f32 v52, v3;
	v44 =	vadd.f32 v45, v44;
	v53 =	vadd.f32 v48, v37;
	v37 =	vld.idx.msk [tilespmem:v54+s2+$0x0], $0xffff  }
0x77: {  	v33 =	vadd.s32 v32, v33;
	v40 =	vmul.f32 v40, v1;
	v46 =	vmul.f32 v46, v2;
	v59 =	vld.idx.msk [tilespmem:v62+s2+$0x0], $0xffff  }
0x78: {  	v63 =	vadd.s32 v23, v38;
	v41 =	vadd.f32 v41, v44;
	v62 =	vadd.s32 v24, v35;
	v44 =	vld.idx.msk [tilespmem:v61+s2+$0x0], $0xffff  }
0x79: {  	v49 =	vmul.f32 v49, v5;
	v51 =	vmul.f32 v51, v4;
	v36 =	vadd.f32 v43, v36;
	v43 =	vld.idx.msk [tilespmem:v57+s2+$0x0], $0xffff  }
0x7a: {  	v60 =	vadd.s32 v27, v35;
	v61 =	vadd.s32 v26, v38;
	v40 =	vadd.f32 v46, v40;
	v42 =	vld.idx.msk [tilespmem:v56+s2+$0x0], $0xffff  }
0x7b: {  	v50 =	vld.idx.msk [tilespmem:v58+s2+$0x0], $0xffff;
	v57 =	vadd.s32 v26, v35;
	v58 =	vadd.s32 v25, v38;
	v41 =	vadd.f32 v51, v41  }
0x7c: {  	v56 =	vadd.s32 v24, v38;
	v34 =	vadd.f32 v34, v36;
	v39 =	vmul.f32 v39, v4  }
0x7d: {  	v40 =	vadd.f32 v52, v40;
	v47 =	vmul.f32 v47, v7;
	v37 =	vmul.f32 v37, v11;
	v46 =	vld.idx.msk [tilespmem:v62+s2+$0x0], $0xffff  }
0x7e: {  	v33 =	vld.idx.msk [tilespmem:v33+s2+$0x0], $0xffff;
	v41 =	vadd.f32 v49, v41;
	v45 =	vmul.f32 v59, v16;
	v44 =	vmul.f32 v44, v6  }
0x7f: {  	s18 =	simm.s32 $0x2110;
	v59 =	vld.idx.msk [tilespmem:v63+s2+$0x0], $0xffff;
	v39 =	vadd.f32 v39, v40;
	v43 =	vmul.f32 v43, v5;
	v42 =	vmul.f32 v42, v6  }
0x80: {  	v62 =	vadd.s32 v28, v35;
	[tilespmem:s18+$0xFFFFFFF0] =	vst v34;
	v50 =	vmul.f32 v50, v18;
	v36 =	vadd.f32 v45, v53  }
0x81: {  	v34 =	vadd.s32 v32, v38;
	v63 =	vld.idx.msk [tilespmem:v57+s2+$0x0], $0xffff;
	v39 =	vadd.f32 v43, v39;
	v41 =	vadd.f32 v42, v41  }
0x82: {  	v48 =	vld.idx.msk [tilespmem:v56+s2+$0x0], $0xffff;
	v36 =	vadd.f32 v50, v36;
	v50 =	vadd.s32 v27, v38;
	v46 =	vmul.f32 v46, v10  }
0x83: {  	v54 =	vld.idx.msk [tilespmem:v60+s2+$0x0], $0xffff;
	v39 =	vadd.f32 v44, v39;
	v44 =	vadd.s32 v29, v35;
	v41 =	vadd.f32 v47, v41  }
0x84: {  	v57 =	vld.idx.msk [tilespmem:v58+s2+$0x0], $0xffff;
	v33 =	vmul.f32 v33, v20;
	v53 =	vadd.s32 v28, v38;
	v58 =	vmul.f32 v59, v7  }
0x85: {  	v45 =	vadd.s32 v31, v35;
	v42 =	vld.idx.msk [tilespmem:v61+s2+$0x0], $0xffff;
	v59 =	vadd.s32 v30, v35;
	v41 =	vadd.f32 v46, v41  }
0x86: {  	v40 =	vld.idx.msk [tilespmem:v62+s2+$0x0], $0xffff;
	v33 =	vadd.f32 v33, v36;
	v63 =	vmul.f32 v63, v8;
	v60 =	vadd.f32 v58, v39  }
0x87: {  	v61 =	vmul.f32 v48, v10;
	v39 =	vld.idx.msk [tilespmem:v50+s2+$0x0], $0xffff;
	v62 =	vadd.f32 v37, v41;
	v37 =	vadd.s32 v29, v38  }
0x88: {  	v36 =	vadd.s32 v30, v38;
	[tilespmem:s18+$0x0] =	vst v33;
	v33 =	vadd.s32 v31, v38;
	v41 =	vld.idx.msk [tilespmem:v44+s2+$0x0], $0xffff  }
0x89: {  	v47 =	vadd.f32 v61, v60;
	v38 =	vld.idx.msk [tilespmem:v53+s2+$0x0], $0xffff;
	v44 =	vadd.s32 v32, v35;
	v35 =	vmul.f32 v57, v11  }
0x8a: {  	s19 =	simm.s32 $0x2;
	s20 =	simm.s32 $0x50;
	v48 =	vmul.f32 v54, v9;
	v43 =	vld.idx.msk [tilespmem:v59+s2+$0x0], $0xffff;
	v46 =	vadd.f32 v63, v62  }
.LBB2_5:
0x8b: {  	s21 =	sadd.s32 $0xFFFFFFF0, s20;
	v49 =	vor.u32 s20, v55;
	v47 =	vadd.f32 v35, v47;
	v42 =	vmul.f32 v42, v8  }
0x8c: {  	v50 =	vld.idx.msk [tilespmem:v37+s2+$0x0], $0xffff;
	v40 =	vmul.f32 v40, v12;
	v35 =	vor.u32 s21, v55;
	v37 =	vadd.f32 v48, v46  }
0x8d: {  	s19 =	sadd.s32 $0x2, s19;
	v45 =	vld.idx.msk [tilespmem:v45+s2+$0x0], $0xffff;
	v48 =	vadd.s32 v13, v49;
	v51 =	vadd.s32 v15, v49;
	v53 =	vadd.s32 v19, v49  }
0x8e: {  	p0 =	slt.u32 s19, $0xFE;
	v54 =	vadd.s32 v21, v49;
	v56 =	vadd.s32 v22, v49;
	v46 =	vadd.s32 v13, v35;
	v52 =	vld.idx.msk [tilespmem:v36+s2+$0x0], $0xffff  }
0x8f: {  	v36 =	vadd.s32 v15, v35;
	v37 =	vadd.f32 v40, v37;
	v40 =	vmul.f32 v41, v14;
	v41 =	vld.idx.msk [tilespmem:v44+s2+$0x0], $0xffff  }
0x90: {  	v57 =	vadd.s32 v23, v49;
	v58 =	vadd.s32 v24, v49;
	v44 =	vadd.s32 v17, v49;
	v55 =	vld.idx.msk [tilespmem:v33+s2+$0x0], $0xffff  }
0x91: {  	v33 =	vadd.s32 v17, v35;
	v37 =	vadd.f32 v40, v37;
	v40 =	vmul.f32 v43, v16;
	v43 =	vld.idx.msk [tilespmem:v34+s2+$0x0], $0xffff  }
0x92: {  	v59 =	vadd.s32 v25, v49;
	v60 =	vadd.s32 v26, v49;
	v61 =	vadd.s32 v27, v49  }
0x93: {  	v34 =	vld.idx.msk [tilespmem:v46+s2+$0x0], $0xffff;
	v46 =	vadd.s32 v19, v35;
	v37 =	vadd.f32 v40, v37;
	v40 =	vmul.f32 v45, v18  }
0x94: {  	v63 =	vadd.s32 v28, v49;
	v39 =	vmul.f32 v39, v9;
	v42 =	vadd.f32 v42, v47;
	v45 =	vld.idx.msk [tilespmem:v36+s2+$0x0], $0xffff  }
0x95: {  	v62 =	vadd.s32 v21, v35;
	v48 =	vld.idx.msk [tilespmem:v48+s2+$0x0], $0xffff;
	v36 =	vadd.f32 v40, v37;
	v40 =	vmul.f32 v41, v20  }
0x96: {  	v38 =	vmul.f32 v38, v12;
	v39 =	vadd.f32 v39, v42;
	v37 =	vadd.s32 v29, v49;
	v41 =	vld.idx.msk [tilespmem:v33+s2+$0x0], $0xffff  }
0x97: {  	v47 =	vadd.s32 v22, v35;
	v0 =	vadd.s32 v23, v35;
	v51 =	vld.idx.msk [tilespmem:v51+s2+$0x0], $0xffff;
	v40 =	vadd.f32 v40, v36  }
0x98: {  	s18 =	sadd.s32 $0x20, s18;
	v38 =	vadd.f32 v38, v39;
	v33 =	vadd.s32 v31, v49;
	v36 =	vadd.s32 v30, v49;
	v46 =	vld.idx.msk [tilespmem:v46+s2+$0x0], $0xffff  }
0x99: {  	v44 =	vld.idx.msk [tilespmem:v44+s2+$0x0], $0xffff;
	[tilespmem:s18+$0xFFFFFFF0] =	vst v40;
	v40 =	vmul.f32 v34, v1;
	v42 =	vmul.f32 v45, v2  }
0x9a: {  	v52 =	vmul.f32 v52, v16;
	v34 =	vadd.s32 v32, v49;
	v49 =	vadd.s32 v24, v35;
	v45 =	vld.idx.msk [tilespmem:v62+s2+$0x0], $0xffff  }
0x9b: {  	v48 =	vmul.f32 v48, v1;
	v53 =	vld.idx.msk [tilespmem:v53+s2+$0x0], $0xffff;
	v39 =	vadd.f32 v42, v40;
	v40 =	vmul.f32 v41, v3  }
0x9c: {  	v42 =	vmul.f32 v50, v14;
	v41 =	vld.idx.msk [tilespmem:v47+s2+$0x0], $0xffff;
	v50 =	vmul.f32 v51, v2  }
0x9d: {  	v47 =	vadd.s32 v25, v35;
	v51 =	vld.idx.msk [tilespmem:v54+s2+$0x0], $0xffff;
	v39 =	vadd.f32 v40, v39;
	v40 =	vmul.f32 v46, v4  }
0x9e: {  	v38 =	vadd.f32 v42, v38;
	v42 =	vadd.s32 v26, v35;
	v0 =	vld.idx.msk [tilespmem:v0+s2+$0x0], $0xffff;
	v46 =	vadd.f32 v50, v48  }
0x9f: {  	v44 =	vmul.f32 v44, v3;
	v48 =	vld.idx.msk [tilespmem:v56+s2+$0x0], $0xffff;
	v39 =	vadd.f32 v40, v39;
	v40 =	vmul.f32 v45, v5  }
0xa0: {  	v38 =	vadd.f32 v52, v38;
	v45 =	vld.idx.msk [tilespmem:v49+s2+$0x0], $0xffff;
	v49 =	vadd.s32 v27, v35  }
0xa1: {  	v44 =	vadd.f32 v44, v46;
	v46 =	vmul.f32 v53, v4;
	v50 =	vld.idx.msk [tilespmem:v57+s2+$0x0], $0xffff;
	v39 =	vadd.f32 v40, v39  }
0xa2: {  	v40 =	vmul.f32 v41, v6;
	v41 =	vld.idx.msk [tilespmem:v47+s2+$0x0], $0xffff;
	v47 =	vmul.f32 v55, v18;
	v55 =	vlaneseq.u32  }
0xa3: {  	v52 =	vadd.s32 v28, v35;
	v44 =	vadd.f32 v46, v44;
	v46 =	vmul.f32 v51, v5;
	v51 =	vld.idx.msk [tilespmem:v58+s2+$0x0], $0xffff  }
0xa4: {  	v39 =	vadd.f32 v40, v39;
	v0 =	vmul.f32 v0, v7;
	v53 =	vld.idx.msk [tilespmem:v42+s2+$0x0], $0xffff;
	v38 =	vadd.f32 v47, v38  }
0xa5: {  	v47 =	vadd.s32 v29, v35;
	v40 =	vadd.f32 v46, v44;
	v42 =	vmul.f32 v48, v6;
	v46 =	vld.idx.msk [tilespmem:v59+s2+$0x0], $0xffff  }
0xa6: {  	v43 =	vmul.f32 v43, v20;
	v0 =	vadd.f32 v0, v39;
	v39 =	vmul.f32 v45, v10;
	v48 =	vld.idx.msk [tilespmem:v49+s2+$0x0], $0xffff  }
0xa7: {  	v49 =	vadd.s32 v30, v35;
	v44 =	vadd.f32 v42, v40;
	v50 =	vmul.f32 v50, v7;
	v42 =	vld.idx.msk [tilespmem:v60+s2+$0x0], $0xffff  }
.Ltmp1:
0xa8: {  	v38 =	vadd.f32 v43, v38;
	v0 =	vadd.f32 v39, v0;
	v41 =	vmul.f32 v41, v11;
	v40 =	vld.idx.msk [tilespmem:v52+s2+$0x0], $0xffff;
	(pc) =	sbr.rel @p0 .LBB2_5-.Ltmp1, $4  }
0xa9: {  	v45 =	vadd.s32 v31, v35;
	v43 =	vadd.f32 v50, v44;
	v50 =	vmul.f32 v51, v10;
	v39 =	vld.idx.msk [tilespmem:v61+s2+$0x0], $0xffff  }
0xaa: {  	v0 =	vadd.f32 v41, v0;
	v51 =	vmul.f32 v53, v8;
	v41 =	vld.idx.msk [tilespmem:v47+s2+$0x0], $0xffff;
	[tilespmem:s18+$0x0] =	vst v38  }
0xab: {  	v44 =	vadd.s32 v32, v35;
	v47 =	vadd.f32 v50, v43;
	v35 =	vmul.f32 v46, v11;
	v38 =	vld.idx.msk [tilespmem:v63+s2+$0x0], $0xffff  }
0xac: {  	s20 =	sadd.s32 $0x20, s20;
	v46 =	vadd.f32 v51, v0;
	v48 =	vmul.f32 v48, v9;
	v43 =	vld.idx.msk [tilespmem:v49+s2+$0x0], $0xffff  }
0xad: {  	_ =	sdelay $0x2  }
0xae: {  	v0 =	vadd.f32 v35, v47;
	v1 =	vmul.f32 v42, v8  }
0xaf: {  	v2 =	vld.idx.msk [tilespmem:v37+s2+$0x0], $0xffff  }
0xb0: {  	v52 =	vmul.f32 v39, v9;
	v0 =	vadd.f32 v1, v0  }
0xb1: {  	v4 =	vmul.f32 v40, v12;
	v5 =	vld.idx.msk [tilespmem:v36+s2+$0x0], $0xffff;
	v3 =	vadd.f32 v48, v46  }
0xb2: {  	v6 =	vld.idx.msk [tilespmem:v45+s2+$0x0], $0xffff;
	v7 =	vmul.f32 v38, v12;
	v0 =	vadd.f32 v52, v0  }
0xb3: {  	v56 =	vld.idx.msk [tilespmem:v33+s2+$0x0], $0xffff;
	v54 =	vmul.f32 v41, v14;
	v53 =	vadd.f32 v4, v3  }
0xb4: {  	v57 =	vld.idx.msk [tilespmem:v44+s2+$0x0], $0xffff;
	v2 =	vmul.f32 v2, v14;
	v0 =	vadd.f32 v7, v0  }
0xb5: {  	v59 =	vld.idx.msk [tilespmem:v34+s2+$0x0], $0xffff;
	v58 =	vmul.f32 v43, v16;
	v1 =	vadd.f32 v54, v53  }
0xb6: {  	v5 =	vmul.f32 v5, v16;
	v0 =	vadd.f32 v2, v0  }
0xb7: {  	v60 =	vmul.f32 v6, v18;
	v1 =	vadd.f32 v58, v1  }
0xb8: {  	v61 =	vmul.f32 v56, v18;
	v0 =	vadd.f32 v5, v0  }
0xb9: {  	v62 =	vmul.f32 v57, v20;
	v1 =	vadd.f32 v60, v1  }
0xba: {  	v63 =	vmul.f32 v59, v20;
	v0 =	vadd.f32 v61, v0  }
0xbb: {  	v1 =	vadd.f32 v62, v1  }
0xbc: {  	s18 =	sadd.s32 $0x20, s18;
	s16 =	sadd.s32 $0x1, s16;
	v0 =	vadd.f32 v63, v0  }
0xbd: {  	p0 =	sne.s32 s16, $0x30;
	[tilespmem:s18+$0xFFFFFFF0] =	vst v1  }
.Ltmp2:
0xbe: {  	s17 =	sadd.s32 s6, s17;
	[tilespmem:s18+$0x0] =	vst v0;
	(pc) =	sbr.rel @p0 .LBB2_2-.Ltmp2, $4  }
0xbf: {  	[hbm4b:s17+s9] =	stream.strided.scatter [tilespmem:s14], [sflag:$0x1], $0x1000, s10, s9, $0x38;
	[tilespmem:$0x3100] =	vst v63  }
0xc0: {  	_ =	swait.ge [sflag:s11], $0x1000  }
0xc1: {  	[sflag:s11] =	ssyncset.done $0x0  }
0xc2: {  	[sflag:s11] =	ssyncadd.s32 $0xFFFFF000  }
0xc3: {  	s15 =	sadd.s32 $0x1, s15  }
0xc4: {  	p0 =	sne.s32 s15, s8  }
.Ltmp3:
0xc5: {  	_ = 	snop;
	(pc) =	sbr.rel @p0 .LBB2_1-.Ltmp3, $1  }
0xc6: {  	_ =	sdelay $0x3  }
0xc7: {  	_ =	sfence.sel $0x180000  }
0xc8: {  	[bflag:$0x0] =	sbarrier.arrive $0xFFFF  }
0xc9: {  	p0 =	sne.s32 s3, $0x0;
	_ =	strace $0x9000004A  }
0xca: {  	s0 =	sadd.s32 @!p0 $0x100000, s0;
	[bflag:$0x2] =	sbarrier.arrive $0xFFFF  }
0xcb: {  	[sflag:s0] =	ssyncadd.tile.s32 @!p0 $0x1;
	_ =	shalt  }
.Lfunc_end2:
_tile_overlayer_lowered:
.L_overlay_start_2:
0xcc: {  	(tag) =	ssettag $0x2  }
0xcd: {  	s0 =	rddreg [dreg:$0x0];
	s2 =	stileid.u32  }
0xce: {  	s1 =	rddreg [dreg:$0x1];
	p0 =	sne.s32 s2, $0x0  }
0xcf: {  	s3 =	rddreg [dreg:$0x2];
	[bflag:$0x3] =	sbarrier.arrive $0xFFFF;
	s2 =	simm.s32 @!p0 $0x1C01  }
0xd0: {  	[timem:s3], [sflag:s2] =	dma.local @!p0 [hbm:s0], s1  }
0xd1: {  	s0 =	simm.s32 @!p0 $0x1  }
0xd2: {  	_ =	swait.ge @!p0 [sflag:s0], s1  }
0xd3: {  	s1 =	ssub.s32 @!p0 $0x0, s1;
	[sflag:s0] =	ssyncset.done @!p0 $0x0  }
0xd4: {  	[sflag:s0] =	ssyncadd.s32 @!p0 s1  }
0xd5: {  	[bflag:$0x3] =	sbarrier.arrive $0xFFFF  }
0xd6: {  	_ =	shalt  }

// kernel: sparse-core-data-format-call.cloned.1.call-start
scs
called_computation_lowered:
.L_overlay_start_0:
0x0: {  	s2 =	sld [smem:$0x3FD9]  }
0x1: {  	s3 =	sld [smem:$0x3FFE];
	_ =	sdelay $0x1  }
0x2: {  	s1 =	srdreg.scid  }
0x3: {  	s0 =	sand.u32 $0x1, s1  }
0x4: {  	s18 =	sshll.u32 s0, $0xA;
	s2 =	sadd.s32 s3, s2  }
0x5: {  	s2 =	sadd.s32 s2, s18  }
0x6: {  	[smem:$0x3FC5] =	sst s2  }
0x7: {  	_ = 	snop  }
0x8: {  	s2 =	sld [smem:$0x3FD0];
	(tm) =	ssettm $0x1  }
0x9: {  	s19 =	sld [smem:$0x3FFB];
	_ =	sdelay $0x3  }
0xa: {  	_ =	strace s19  }
0xb: {  	s3 =	sld [smem:$0x3FFC];
	_ =	sdelay $0x3  }
0xc: {  	_ =	strace s3  }
0xd: {  	s3 =	sld [smem:$0x3FFD];
	_ =	sdelay $0x3  }
0xe: {  	_ =	strace s3  }
0xf: {  	_ =	strace $0x8FFFFFFF  }
0x10: {  	s20 =	sld [smem:$0x3FDB];
	_ =	sdelay $0x1  }
0x11: {  	s4 =	simm.s32 $_scs_section_size  }
0x12: {  	s5 =	simm.s32 $_size__tile_overlayer_lowered;
	s6 =	simm.s32 $_tile_overlayer_lowered  }
0x13: {  	s23 =	simm.s32 $0x1BFF;
	s22 =	sshll.u32 s6, $0x1;
	s3 =	sadd.s32 s4, s20  }
0x14: {  	s7 =	simm.s32 $0x0;
	s21 =	sshll.u32 s5, $0x1;
	s5 =	sadd.s32 s22, s3  }
0x15: {  	[timem:s7], [sflag:s23] =	dma.local [hbm:s5], s21  }
0x16: {  	_ =	swait.ge [sflag:s23], s21  }
0x17: {  	s4 =	ssub.s32 $0x0, s21;
	[sflag:s23] =	ssyncset.done $0x0  }
0x18: {  	[sflag:s23] =	ssyncadd.s32 s4;
	_ =	sdelay $0x1  }
0x19: {  	s24 =	simm.s32 $0x1B8B  }
0x1a: {  	_ =	swait.ge [sflag:s24], $0x1  }
0x1b: {  	[sflag:s24] =	ssyncset.done $0x0  }
0x1c: {  	s26 =	simm.s32 $0x1B8E;
	s25 =	sld [smem:$0x3FFE];
	[sflag:s24] =	ssyncadd.s32 $0xFFFFFFFF  }
0x1d: {  	s27 =	simm.s32 $execute0_lowered;
	[smem:$0x3FD2] =	sst s26  }
0x1e: {  	s5 =	sshll.u32 s27, $0x1;
	_ =	strace $0x8000004C;
	[dreg:$0x1] =	wrdreg $0xFFFFFFFF  }
0x1f: {  	s28 =	simm.s32 $_size_execute0_lowered;
	s3 =	sadd.s32 s3, s5;
	[dreg:$0x0] =	wrdreg $0x0  }
0x20: {  	s5 =	sshll.u32 s28, $0x1;
	[dreg:$0x2] =	wrdreg s3  }
0x21: {  	[dreg:$0x3] =	wrdreg s5  }
0x22: {  	[dreg:$0x4] =	wrdreg $0xC0  }
0x23: {  	_ =	task [dreg:s7], $0x5FFFF  }
0x24: {  	[dreg:$0x1] =	wrdreg $0xFFFFFFFF  }
0x25: {  	[dreg:$0x0] =	wrdreg $0x60  }
0x26: {  	[dreg:$0x2] =	wrdreg s25  }
0x27: {  	[dreg:$0x3] =	wrdreg s2  }
0x28: {  	[dreg:$0x4] =	wrdreg $0x9  }
0x29: {  	_ =	task.clear_ibuf [dreg:s7], $0x5FFFF;
	_ =	strace $0x9000004C  }
0x2a: {  	s29 =	simm.s32 $0x9;
	_ =	strace $0x8000004E  }
0x2b: {  	_ =	swait.ge [sflag:s29], $0x1  }
0x2c: {  	[sflag:s29] =	ssyncadd.s32 $0xFFFFFFFF  }
0x2d: {  	_ =	strace $0x9000004E  }
0x2e: {  	_ =	sfence  }
0x2f: {  	s30 =	sld [smem:$0x0];
	_ =	sdelay $0x2  }
0x30: {  	s31 =	sshll.u32 s1, $0xD;
	s1 =	sshrl.u32 s1, $0x2  }
0x31: {  	s3 =	sand.u32 $0x4000, s31;
	s1 =	sadd.s32 s1, s30  }
0x32: {  	s0 =	sor.u32 s3, s0;
	s1 =	sshll.u32 s1, $0x11  }
0x33: {  	s0 =	sor.u32 s1, s0  }
0x34: {  	s0 =	sadd.s32 $0x8F2B, s0  }
0x35: {  	[sflag:s0] =	ssyncadd.remote.s32 $0x1  }
0x36: {  	_ =	sfence.sel $0xFFFF  }
0x37: {  	[dreg:$0x0] =	wrdreg $0xFFFFFFFF;
	(pc) =	sbr.abs _section_cstart, $3  }
0x38: {  	[dreg:$0x1] =	wrdreg $0xFFFFFFFF  }
0x39: {  	_ =	task.clear_ibuf [dreg:s7], $0x2FFFF;
	_ =	strace $0x9FFFFFFF  }
0x3a: {  	(tm) =	ssettm $0x7FFFFFFF  }
0x3b: {  	_ =	shalt  }
tec
execute0_lowered:
.L_overlay_start_1:
0x0: {  	(tag) =	ssettag $0x1  }
0x1: {  	s0 =	stileid.u32;
	s1 =	srdreg.scid  }
0x2: {  	s5 =	rddreg [dreg:$0x0];
	s2 =	sshll.u32 s0, $0x5;
	s1 =	sshll.u32 s1, $0x9  }
0x3: {  	s3 =	rddreg [dreg:$0x1];
	s6 =	simm.s32 $0x1;
	s1 =	sor.u32 s2, s1  }
0x4: {  	s8 =	simm.s32 $0x2;
	s16 =	simm.s32 $0x0;
	s2 =	sand.u32 $0x380, s1  }
0x5: {  	s9 =	simm.s32 $0x1800;
	s15 =	simm.s32 $0x0;
	s4 =	ssub.s32 $0x1000, s2  }
0x6: {  	s14 =	simm.s32 $0x0;
	s11 =	simm.s32 $0x0;
	s31 =	sand.u32 $0x380, s4  }
0x7: {  	s13 =	simm.s32 $0x0;
	s7 =	sand.u32 $0x3, s0;
	p0 =	sne.s32 s31, $0x0  }
.Ltmp0:
0x8: {  	s4 =	sshrl.u32 s4, $0xA;
	s6 =	simm.s32 @!p0 $0x0;
	(pc) =	sbr.rel .LBB1_1-.Ltmp0, $4  }
0x9: {  	s1 =	rddreg [dreg:$0x2];
	_ =	strace $0x8000004D;
	s6 =	sadd.s32 s6, s4  }
0xa: {  	s4 =	sadd.s32 $0xD9E00, s5;
	s5 =	simm.s32 $0x1;
	s6 =	smul.u32 $0x6, s6  }
0xb: {  	s12 =	smov.u32 s7;
	s10 =	smov.u32 s2;
	[sflag:s5] =	ssyncpa.u1 $0x0  }
0xc: {  	p0 =	por $0x0, $0x0;
	[sflag:s8] =	ssyncpa.u1 $0x0;
	s8 =	sor.u32 $0x1, s6  }
.LBB1_4:
0xd: {  	s22 =	sshrl.u32 s16, $0x3  }
0xe: {  	s23 =	sshll.u32 s15, $0x3;
	s22 =	smul.u32 $0x1800, s22  }
0xf: {  	s27 =	sshll.u32 s16, $0x7;
	s23 =	sand.u32 $0xFFFFFC00, s23  }
0x10: {  	v5 =	vld [tilespmem:s20+$0xFFFFFFD0];
	[tilespmem:s19+$0x2040 ss:$0x81] =	vst.msk $0xffff, v4;
	s16 =	sand.u32 $0x380, s27;
	s22 =	sadd.s32 s23, s22  }
0x11: {  	v58 =	vld [tilespmem:s20+$0xFFFFFFE0];
	[tilespmem:s19+$0x2850 ss:$0x81] =	vst.msk $0xffff, v3;
	s28 =	sand.u32 $0x7F, s15;
	s16 =	sor.u32 s16, s22  }
0x12: {  	s21 =	sshra.s32 s21, $0x2;
	v59 =	vld [tilespmem:s20+$0xFFFFFFF0];
	[tilespmem:s19+$0x3060 ss:$0x81] =	vst.msk $0xffff, v2;
	s15 =	sor.u32 s28, s16  }
0x13: {  	v60 =	vld [tilespmem:s20+$0x0];
	[tilespmem:s19+$0x0 ss:$0x81] =	vst.msk $0xffff, v0;
	s18 =	sadd.s32 s21, s18;
	s29 =	smulhi.u32 $0xAAAAAAAB, s15  }
0x14: {  	v61 =	vld [tilespmem:s20+$0x10];
	[tilespmem:s18+$0x3870 ss:$0x81] =	vst.msk $0xffff, v1;
	s16 =	smulhi.u32 $0xAAAAAAAB, s16  }
0x15: {  	v62 =	vld [tilespmem:s20+$0x20];
	[tilespmem:s18+$0x810 ss:$0x81] =	vst.msk $0xffff, v5;
	s19 =	sshrl.u32 s29, $0x9  }
0x16: {  	v63 =	vld [tilespmem:s20+$0xFFFFFFC0];
	[tilespmem:s18+$0x1020 ss:$0x81] =	vst.msk $0xffff, v58;
	s16 =	sshrl.u32 s16, $0x9;
	s19 =	smul.u32 $0x300, s19  }
0x17: {  	s14 =	smul.u32 $0x60000, s14;
	[tilespmem:s18+$0x1830 ss:$0x81] =	vst.msk $0xffff, v59;
	s16 =	sand.u32 $0xFFF, s16  }
0x18: {  	[tilespmem:s18+$0x2040 ss:$0x81] =	vst.msk $0xffff, v60;
	s16 =	smul.u32 $0x60, s16;
	s15 =	ssub.s32 s15, s19  }
0x19: {  	s14 =	sadd.s32 s3, s14;
	[tilespmem:s18+$0x2850 ss:$0x81] =	vst.msk $0xffff, v61;
	s19 =	sand.u32 $0x7, s15  }
0x1a: {  	[tilespmem:s18+$0x3060 ss:$0x81] =	vst.msk $0xffff, v62;
	s14 =	sadd.s32 s16, s14;
	s15 =	sshrl.u32 s15, $0x3;
	s30 =	sshll.u32 s19, $0x12  }
0x1b: {  	[tilespmem:s18+$0x0 ss:$0x81] =	vst.msk $0xffff, v63;
	s14 =	sadd.s32 s15, s14;
	s31 =	sor.u32 $0x400, s30  }
0x1c: {  	[hbm4b:s14+s31] =	stream.strided.scatter [tilespmem:s17], [sflag:$0x2], $0x4000, s9, s31, $0x20;
	[tilespmem:$0x10100] =	vst v63  }
.LBB1_5:
0x1d: {  	s17 =	sadd.s32 $0x400, s10  }
0x1e: {  	s14 =	sadd.s32 $0x80, s11;
	s18 =	smov.u32 s11;
	p2 =	sgt.s32 s17, $0xFFF  }
0x1f: {  	s18 =	smov.u32 @p2 s14  }
0x20: {  	s20 =	smov.u32 s12;
	s14 =	sadd.s32 $0x4, s12;
	p3 =	sgt.s32 s18, $0x2FF  }
0x21: {  	s20 =	smov.u32 @p3 s14  }
0x22: {  	s17 =	smov.u32 @p2 s2;
	p2 =	sgt.s32 s20, $0x3  }
0x23: {  	p1 =	slt.u32 s13, $0x2;
	s20 =	smov.u32 @p2 s7;
	p2 =	sne.s32 s13, s8  }
.Ltmp1:
0x24: {  	s19 =	simm.s32 @!p1 $0x2;
	(pc) =	sbr.rel @!p2 .LBB1_6-.Ltmp1, $4  }
0x25: {  	s16 =	smov.u32 s10;
	s15 =	smov.u32 s11;
	_ =	swait.ge @!p1 [sflag:s19], $0x4000  }
0x26: {  	p0 =	por !p0, !p0;
	[sflag:s19] =	ssyncset.done @!p1 $0x0;
	s10 =	smov.u32 s17  }
0x27: {  	s18 =	simm.s32 @p3 $0x0;
	s14 =	smov.u32 s12;
	[sflag:s19] =	ssyncadd.s32 @!p1 $0xFFFFC000  }
0x28: {  	s11 =	smov.u32 s18;
	s13 =	sadd.s32 $0x1, s13;
	s12 =	smov.u32 s20  }
.LBB1_1:
0x29: {  	p1 =	sge.u32 s13, s6  }
0x2a: {  	s17 =	sshll.u32 @!p1 s11, $0xC  }
0x2b: {  	s18 =	sshll.u32 @!p1 s10, $0x3;
	s17 =	sand.u32 @!p1 $0xFFFF8000, s17  }
0x2c: {  	s17 =	sadd.s32 @!p1 s17, s18  }
0x2d: {  	s31 =	sadd.s32 $0xFFFFFFFF, s13;
	s21 =	sshll.u32 @!p1 s11, $0x7;
	s17 =	sshrl.u32 @!p1 s17, $0xC  }
0x2e: {  	s22 =	sand.u32 @!p1 $0x78, s10;
	s21 =	sand.u32 @!p1 $0x380, s21;
	s20 =	smulhi.u32 @!p1 $0x555556, s17  }
0x2f: {  	s19 =	sxor.u32 @!p1 $0xFFFFFFFF, s13;
	s21 =	sor.u32 @!p1 s21, s22;
	s22 =	smul.u32 @!p1 $0x60000, s12  }
0x30: {  	s19 =	sshll.u32 @!p1 s19, $0xE;
	s18 =	sand.u32 @!p1 $0xC00, s18;
	s20 =	smul.u32 @!p1 $0x300, s20  }
0x31: {  	s19 =	sand.u32 @!p1 $0x4000, s19;
	s18 =	sor.u32 @!p1 s18, s21;
	s21 =	sand.u32 @!p1 $0x7, s10  }
0x32: {  	s18 =	sshrl.u32 @!p1 s18, $0x3;
	s17 =	ssub.s32 @!p1 s17, s20;
	s20 =	sadd.s32 @!p1 s4, s22  }
0x33: {  	s17 =	sshll.u32 @!p1 s17, $0x9;
	s18 =	sadd.s32 @!p1 s18, s20;
	s20 =	sshll.u32 @!p1 s21, $0x12  }
0x34: {  	s17 =	sadd.s32 @!p1 s17, s18;
	s18 =	sor.u32 @!p1 $0x400, s20;
	s20 =	simm.s32 @!p1 $0x8000  }
0x35: {  	[tilespmem:s19], [sflag:$0x1] =	stream.strided.gather @!p1 [hbm4b:s17+s18], $0x4000, s20, s18, $0x38;
	[tilespmem:$0x10100] =	vst v63  }
0x36: {  	p1 =	sge.u32 s31, s6  }
.Ltmp2:
0x37: {  	_ = 	snop;
	(pc) =	sbr.rel @p1 .LBB1_5-.Ltmp2, $1  }
0x38: {  	_ =	sdelay $0x3  }
0x39: {  	s17 =	simm.s32 $0x1  }
0x3a: {  	_ =	swait.ge [sflag:s5], $0x4000;
	s17 =	simm.s32 @!p0 $0x0  }
0x3b: {  	[sflag:s5] =	ssyncset.done $0x0;
	s18 =	sshll.u32 s17, $0xE  }
0x3c: {  	[sflag:s5] =	ssyncadd.s32 $0xFFFFC000;
	s20 =	sor.u32 $0x40, s18  }
0x3d: {  	s17 =	smul.u32 $0x10200, s17;
	v0 =	vld [tilespmem:s20+$0x30]  }
0x3e: {  	v1 =	vld [tilespmem:s20+$0xFFFFFFD0]  }
0x3f: {  	s17 =	sshrl.u32 s17, $0x2;
	v5 =	vld [tilespmem:s20+$0xFFFFFFE0]  }
0x40: {  	v6 =	vld [tilespmem:s20+$0xFFFFFFF0];
	s18 =	sor.u32 $0x8000, s17  }
0x41: {  	s31 =	sand.u32 $0x1, s13;
	v4 =	vld [tilespmem:s20+$0x0];
	s19 =	sadd.s32 $0x0, s18  }
0x42: {  	v3 =	vld [tilespmem:s20+$0x10];
	s17 =	smul.u32 $0x10200, s31;
	[tilespmem:s19+$0x3870 ss:$0x81] =	vst.msk $0xffff, v0  }
0x43: {  	v2 =	vld [tilespmem:s20+$0x20];
	[tilespmem:s19+$0x810 ss:$0x81] =	vst.msk $0xffff, v1  }
0x44: {  	s17 =	sshrl.u32 s17, $0x2;
	v0 =	vld [tilespmem:s20+$0xFFFFFFC0];
	[tilespmem:s19+$0x1020 ss:$0x81] =	vst.msk $0xffff, v5;
	s20 =	sadd.s32 $0x80, s20  }
0x45: {  	s21 =	simm.s32 $0x4;
	s22 =	simm.s32 $0x8;
	s17 =	sor.u32 $0x8000, s17;
	[tilespmem:s19+$0x1830 ss:$0x81] =	vst.msk $0xffff, v6;
	v1 =	vld [tilespmem:s20+$0x30]  }
.LBB1_3:
0x46: {  	p1 =	sne.s32 s22, $0x1FC;
	v5 =	vld [tilespmem:s20+$0xFFFFFFD0];
	[tilespmem:s19+$0x2040 ss:$0x81] =	vst.msk $0xffff, v4  }
0x47: {  	v6 =	vld [tilespmem:s20+$0xFFFFFFE0];
	[tilespmem:s19+$0x2850 ss:$0x81] =	vst.msk $0xffff, v3  }
0x48: {  	s23 =	sshra.s32 s21, $0x2;
	s21 =	smov.u32 s22;
	v7 =	vld [tilespmem:s20+$0xFFFFFFF0];
	[tilespmem:s19+$0x3060 ss:$0x81] =	vst.msk $0xffff, v2  }
.Ltmp3:
0x49: {  	v4 =	vld [tilespmem:s20+$0x0];
	[tilespmem:s19+$0x0 ss:$0x81] =	vst.msk $0xffff, v0;
	s19 =	sadd.s32 s23, s18;
	(pc) =	sbr.rel @p1 .LBB1_3-.Ltmp3, $4  }
0x4a: {  	v3 =	vld [tilespmem:s20+$0x10];
	[tilespmem:s19+$0x3870 ss:$0x81] =	vst.msk $0xffff, v1  }
0x4b: {  	[tilespmem:s19+$0x810 ss:$0x81] =	vst.msk $0xffff, v5;
	v2 =	vld [tilespmem:s20+$0x20]  }
0x4c: {  	v0 =	vld [tilespmem:s20+$0xFFFFFFC0];
	[tilespmem:s19+$0x1020 ss:$0x81] =	vst.msk $0xffff, v6;
	s20 =	sadd.s32 $0x80, s20  }
0x4d: {  	s22 =	sadd.s32 $0x4, s22;
	v1 =	vld [tilespmem:s20+$0x30];
	[tilespmem:s19+$0x1830 ss:$0x81] =	vst.msk $0xffff, v7  }
.Ltmp4:
0x4e: {  	_ = 	snop;
	(pc) =	sbr.rel .LBB1_4-.Ltmp4, $1  }
0x4f: {  	_ =	sdelay $0x3  }
.LBB1_6:
0x50: {  	_ =	sfence.sel $0x180000  }
0x51: {  	s2 =	simm.s32 $0x1;
	[bflag:$0x0] =	sbarrier.arrive $0xFFFF  }
0x52: {  	s31 =	simm.s32 $0x2;
	[sflag:s2] =	ssyncpa.u1 $0x1  }
0x53: {  	[sflag:s31] =	ssyncpa.u1 $0x1  }
0x54: {  	p0 =	sne.s32 s0, $0x0;
	_ =	strace $0x9000004D  }
0x55: {  	s0 =	sadd.s32 @!p0 $0x100000, s1;
	[bflag:$0x2] =	sbarrier.arrive $0xFFFF  }
0x56: {  	[sflag:s0] =	ssyncadd.tile.s32 @!p0 $0x1;
	_ =	shalt  }
.Lfunc_end1:
_tile_overlayer_lowered:
.L_overlay_start_2:
0x57: {  	(tag) =	ssettag $0x2  }
0x58: {  	s0 =	rddreg [dreg:$0x0];
	s2 =	stileid.u32  }
0x59: {  	s1 =	rddreg [dreg:$0x1];
	p0 =	sne.s32 s2, $0x0  }
0x5a: {  	s3 =	rddreg [dreg:$0x2];
	[bflag:$0x3] =	sbarrier.arrive $0xFFFF;
	s2 =	simm.s32 @!p0 $0x1C01  }
0x5b: {  	[timem:s3], [sflag:s2] =	dma.local @!p0 [hbm:s0], s1  }
0x5c: {  	s0 =	simm.s32 @!p0 $0x1  }
0x5d: {  	_ =	swait.ge @!p0 [sflag:s0], s1  }
0x5e: {  	s1 =	ssub.s32 @!p0 $0x0, s1;
	[sflag:s0] =	ssyncset.done @!p0 $0x0  }
0x5f: {  	[sflag:s0] =	ssyncadd.s32 @!p0 s1  }
0x60: {  	[bflag:$0x3] =	sbarrier.arrive $0xFFFF  }
0x61: {  	_ =	shalt  }

</sc_bundles>
